<compile_context>
chip_gen: v7x
topology: tpu7x:2x2x1
jax: 0.10.2.dev20260603
libtpu: 0.0.44.dev20260713+nightly
codegen_flags: <defaults>
</compile_context>

<pallas_src>
import functools

import jax
import jax.numpy as jnp
from jax import lax
from jax.experimental import pallas as pl
from jax.experimental.pallas import tpu as pltpu
from jax.experimental.pallas import tpu_sc as plsc

DEPTH = 10
N_NODES = 2 ** DEPTH - 1
ROUTE_TILE = 256
G_LEAVES = 8
T_SLOTS = 64


def _route_kernel(x_ref, nwt_ref, nb_ref, leaf_ref, rank_ref, counts_ref):
    i = pl.program_id(0)
    x = x_ref[...]
    scores = jax.lax.dot_general(
        x, nwt_ref[...], (((1,), (0,)), ((), ())),
        preferred_element_type=jnp.float32,
        precision=jax.lax.Precision.HIGHEST)
    scores = scores + nb_ref[...]
    n_pad = scores.shape[1]
    tsz = x.shape[0]
    cur = jnp.zeros((tsz, 1), jnp.int32)
    lane = jax.lax.broadcasted_iota(jnp.int32, (tsz, n_pad), 1)
    for _ in range(DEPTH):
        sel = jnp.where(lane == cur, scores, 0.0)
        s = jnp.sum(sel, axis=1, keepdims=True)
        choice = (s >= 0.0).astype(jnp.int32)
        cur = 2 * cur + 1 + choice
    leaf = cur - N_NODES
    leaf_ref[...] = leaf

    n_groups = counts_ref.shape[1]
    group = leaf // G_LEAVES
    glane = jax.lax.broadcasted_iota(jnp.int32, (tsz, n_groups), 1)
    og = (glane == group).astype(jnp.float32)

    @pl.when(i == 0)
    def _():
        counts_ref[...] = jnp.zeros_like(counts_ref)

    run = counts_ref[...]
    r_iota = jax.lax.broadcasted_iota(jnp.int32, (tsz, tsz), 0)
    c_iota = jax.lax.broadcasted_iota(jnp.int32, (tsz, tsz), 1)
    lower = (c_iota < r_iota).astype(jnp.float32)
    prefix = jax.lax.dot_general(
        lower, og, (((1,), (0,)), ((), ())),
        preferred_element_type=jnp.float32)
    rank_in_tile = jnp.sum(prefix * og, axis=1, keepdims=True)
    rank = rank_in_tile + jnp.sum(run * og, axis=1, keepdims=True)
    rank_ref[...] = rank.astype(jnp.int32)
    counts_ref[...] = run + jnp.sum(og, axis=0, keepdims=True)


def _ffn_group_kernel(tg_ref, xs_ref, oh_ref, w1_ref, b1_ref, w2_ref, b2_ref,
                      out_ref):
    xs = xs_ref[...]
    oh = oh_ref[0]
    hs = []
    for g in range(G_LEAVES):
        h = jnp.dot(xs, w1_ref[g], preferred_element_type=jnp.float32)
        h = jnp.maximum(h + b1_ref[0, g, :][None, :], 0.0)
        hs.append(h * oh[:, g:g + 1])
    parts = [jnp.dot(oh, b2_ref[0], preferred_element_type=jnp.float32)]
    for g in range(G_LEAVES):
        parts.append(
            jnp.dot(hs[g], w2_ref[g], preferred_element_type=jnp.float32))
    while len(parts) > 1:
        nxt = [a + b for a, b in zip(parts[::2], parts[1::2])]
        if len(parts) % 2:
            nxt.append(parts[-1])
        parts = nxt
    out_ref[...] = parts[0]


@functools.lru_cache(maxsize=None)
def _make_sc_gather(n_rows, n_cols, n_idx, chunk):
    info = plsc.get_sparse_core_info()
    nw = info.num_cores * info.num_subcores
    b_per_w = n_idx // nw
    assert n_idx % nw == 0 and b_per_w % chunk == 0 and chunk % 8 == 0
    nch = b_per_w // chunk
    assert nch >= 2
    mesh = plsc.VectorSubcoreMesh(core_axis_name="c", subcore_axis_name="s")

    @functools.partial(
        pl.kernel, mesh=mesh,
        out_type=jax.ShapeDtypeStruct((n_idx, n_cols), jnp.float32),
        scratch_types=[
            pltpu.VMEM((b_per_w,), jnp.int32),
            pltpu.VMEM((chunk, n_cols), jnp.float32),
            pltpu.VMEM((chunk, n_cols), jnp.float32),
            pltpu.SemaphoreType.DMA,
            pltpu.SemaphoreType.DMA,
        ],
    )
    def sc_gather(table_hbm, idx_hbm, out_hbm, idx_v, buf0, buf1, gsem, ssem):
        wid = lax.axis_index("s") * info.num_cores + lax.axis_index("c")
        base = wid * b_per_w
        pltpu.sync_copy(idx_hbm.at[pl.ds(base, b_per_w)], idx_v)
        bufs = (buf0, buf1)
        gathers = [None] * nch
        stores = [None] * nch
        gathers[0] = pltpu.async_copy(
            table_hbm.at[idx_v.at[pl.ds(0, chunk)]], bufs[0], gsem)
        for i in range(nch):
            gathers[i].wait()
            stores[i] = pltpu.async_copy(
                bufs[i % 2], out_hbm.at[pl.ds(base + i * chunk, chunk)], ssem)
            if i + 1 < nch:
                if i >= 1:
                    stores[i - 1].wait()
                gathers[i + 1] = pltpu.async_copy(
                    table_hbm.at[idx_v.at[pl.ds((i + 1) * chunk, chunk)]],
                    bufs[(i + 1) % 2], gsem)
        stores[nch - 2].wait()
        stores[nch - 1].wait()

    return sc_gather


def kernel(x, node_weights, node_biases, w1s, b1s, w2s, b2s):
    bsz, in_w = x.shape
    n_leaves, _, leaf_w = w1s.shape
    out_w = w2s.shape[2]
    n_nodes = node_weights.shape[0]
    n_pad = n_leaves
    G, T = G_LEAVES, T_SLOTS
    n_groups = n_leaves // G

    nwt = jnp.pad(node_weights, ((0, n_pad - n_nodes), (0, 0))).T
    nb = jnp.pad(node_biases[:, 0], (0, n_pad - n_nodes)).reshape(1, n_pad)

    leaves, rank, counts = pl.pallas_call(
        _route_kernel,
        grid=(bsz // ROUTE_TILE,),
        in_specs=[
            pl.BlockSpec((ROUTE_TILE, in_w), lambda i: (i, 0)),
            pl.BlockSpec((in_w, n_pad), lambda i: (0, 0)),
            pl.BlockSpec((1, n_pad), lambda i: (0, 0)),
        ],
        out_specs=[
            pl.BlockSpec((ROUTE_TILE, 1), lambda i: (i, 0)),
            pl.BlockSpec((ROUTE_TILE, 1), lambda i: (i, 0)),
            pl.BlockSpec((1, n_groups), lambda i: (0, 0)),
        ],
        out_shape=[
            jax.ShapeDtypeStruct((bsz, 1), jnp.int32),
            jax.ShapeDtypeStruct((bsz, 1), jnp.int32),
            jax.ShapeDtypeStruct((1, n_groups), jnp.float32),
        ],
    )(x, nwt, nb)
    leaves = leaves[:, 0]
    rank = rank[:, 0]
    counts = counts[0].astype(jnp.int32)

    groups = leaves // G
    rel = leaves - groups * G
    ntiles = (counts + (T - 1)) // T
    csum = jnp.cumsum(ntiles)
    tstart = jnp.concatenate([jnp.zeros((1,), jnp.int32), csum[:-1]])
    total_tiles = csum[-1]

    nt_bound = n_groups + max(0, (bsz - n_groups)) // T
    NT = ((nt_bound * T + 255) // 256) * 256 // T
    if NT < nt_bound:
        NT = nt_bound
    t_idx = jnp.arange(NT, dtype=jnp.int32)
    t_cl = jnp.minimum(t_idx, total_tiles - 1)
    tile_group = (jnp.searchsorted(tstart, t_cl, side="right") - 1
                  ).astype(jnp.int32)

    inv = (jnp.take(tstart, groups) + rank // T) * T + rank % T
    slot_rel1 = jnp.zeros((NT * T,), jnp.int32).at[inv].set(rel + 1)
    oh = (slot_rel1[:, None] == jnp.arange(1, G + 1, dtype=jnp.int32)[None, :]
          ).astype(jnp.float32).reshape(NT, T, G)
    token_slot = (jnp.arange(NT * T, dtype=jnp.int32) % bsz).at[inv].set(
        jnp.arange(bsz, dtype=jnp.int32))

    xs = _make_sc_gather(bsz, in_w, NT * T, 32)(x, token_slot)

    b1r = b1s.reshape(n_groups, G, leaf_w)
    b2r = b2s.reshape(n_groups, G, out_w)
    grid_spec = pltpu.PrefetchScalarGridSpec(
        num_scalar_prefetch=1,
        grid=(NT,),
        in_specs=[
            pl.BlockSpec((T, in_w), lambda t, tg: (t, 0)),
            pl.BlockSpec((1, T, G), lambda t, tg: (t, 0, 0)),
            pl.BlockSpec((G, in_w, leaf_w), lambda t, tg: (tg[t], 0, 0)),
            pl.BlockSpec((1, G, leaf_w), lambda t, tg: (tg[t], 0, 0)),
            pl.BlockSpec((G, leaf_w, out_w), lambda t, tg: (tg[t], 0, 0)),
            pl.BlockSpec((1, G, out_w), lambda t, tg: (tg[t], 0, 0)),
        ],
        out_specs=pl.BlockSpec((T, out_w), lambda t, tg: (t, 0)),
    )
    out_sched = pl.pallas_call(
        _ffn_group_kernel,
        grid_spec=grid_spec,
        out_shape=jax.ShapeDtypeStruct((NT * T, out_w), jnp.float32),
    )(tile_group, xs, oh, w1s, b1r, w2s, b2r)

    out = _make_sc_gather(NT * T, out_w, bsz, 32)(out_sched, inv)
    return out

# --- scband reference (transcript-rebuilt; emitter-appended) ---
"""Pipeline reference for scband-log-ff-712964571628 (READ-ONLY COPY).

The authoritative reference and input builder live on the scoring server;
editing this copy changes nothing except your own understanding.
"""

import jax, jax.numpy as jnp
import numpy as np

DEPTH = 10
INPUT_WIDTH = 1024
LEAF_WIDTH = 32
OUTPUT_WIDTH = 1024
N_LEAVES = 2 ** DEPTH
N_NODES = 2 ** DEPTH - 1
BATCH_TOKENS = 4096


def setup_inputs(seed: int = 0) -> dict:
    key = jax.random.key(seed)
    ks = jax.random.split(key, 8)
    l1 = 1.0 / float(np.sqrt(INPUT_WIDTH))
    l2 = 1.0 / float(np.sqrt(LEAF_WIDTH))
    x = jax.random.normal(ks[0], (BATCH_TOKENS, INPUT_WIDTH), dtype=jnp.float32)
    node_weights = jax.random.uniform(ks[1], (N_NODES, INPUT_WIDTH), minval=-l1, maxval=l1, dtype=jnp.float32)
    node_biases = jax.random.uniform(ks[2], (N_NODES, 1), minval=-l1, maxval=l1, dtype=jnp.float32)
    w1s = jax.random.uniform(ks[3], (N_LEAVES, INPUT_WIDTH, LEAF_WIDTH), minval=-l1, maxval=l1, dtype=jnp.float32)
    b1s = jax.random.uniform(ks[4], (N_LEAVES, LEAF_WIDTH), minval=-l1, maxval=l1, dtype=jnp.float32)
    w2s = jax.random.uniform(ks[5], (N_LEAVES, LEAF_WIDTH, OUTPUT_WIDTH), minval=-l2, maxval=l2, dtype=jnp.float32)
    b2s = jax.random.uniform(ks[6], (N_LEAVES, OUTPUT_WIDTH), minval=-l2, maxval=l2, dtype=jnp.float32)
    return {"x": x, "node_weights": node_weights, "node_biases": node_biases,
            "w1s": w1s, "b1s": b1s, "w2s": w2s, "b2s": b2s}


def reference(x, node_weights, node_biases, w1s, b1s, w2s, b2s):
    # LogFF eval-path (log-time) hard routing forward.
    batch = x.shape[0]
    current_nodes = jnp.zeros((batch,), dtype=jnp.int32)
    for i in range(DEPTH):
        plane_coeffs = jnp.take(node_weights, current_nodes, axis=0)   # (B, input_width)
        plane_offsets = jnp.take(node_biases, current_nodes, axis=0)   # (B, 1)
        plane_score = jnp.sum(x * plane_coeffs, axis=-1) + plane_offsets[:, 0]  # (B,)
        plane_choices = (plane_score >= 0.0).astype(jnp.int32)
        platform = 2 ** i - 1
        next_platform = 2 ** (i + 1) - 1
        current_nodes = (current_nodes - platform) * 2 + plane_choices + next_platform
    leaves = current_nodes - N_NODES  # (B,) in [0, N_LEAVES)
    W1 = jnp.take(w1s, leaves, axis=0)   # (B, input_width, leaf_width)
    B1 = jnp.take(b1s, leaves, axis=0)   # (B, leaf_width)
    h = jax.nn.relu(jnp.einsum('bi,bil->bl', x, W1) + B1)
    W2 = jnp.take(w2s, leaves, axis=0)   # (B, leaf_width, output_width)
    B2 = jnp.take(b2s, leaves, axis=0)   # (B, output_width)
    out = jnp.einsum('bl,blo->bo', h, W2) + B2
    return out

if __name__ == "__main__":
    import jax
    _d = setup_inputs()
    print(jax.jit(kernel)(*tuple(_d.values())))

</pallas_src>

<mosaic_0001>
#map = affine_map<(d0, d1) -> (0, 0)>
#map1 = affine_map<(d0, d1) -> (0)>
module attributes {stable_mosaic.version = 14 : i64} {
  func.func @sc_gather(%arg0: i32, %arg1: i32, %arg2: memref<12288x1024xf32, #tpu.memory_space<hbm>>, %arg3: memref<4096xi32, #tpu.memory_space<hbm>>, %arg4: memref<4096x1024xf32, #tpu.memory_space<hbm>>, %arg5: memref<128xi32, #tpu.memory_space<vmem>>, %arg6: memref<32x1024xf32, #tpu.memory_space<vmem>>, %arg7: memref<32x1024xf32, #tpu.memory_space<vmem>>, %arg8: memref<!tpu.dma_semaphore, #tpu.memory_space<semaphore_mem>>, %arg9: memref<!tpu.dma_semaphore, #tpu.memory_space<semaphore_mem>>) attributes {dimension_semantics = [#tpu.dimension_semantics<core_parallel>, #tpu.dimension_semantics<subcore_parallel>], iteration_bounds = array<i64: 2, 16>, scalar_prefetch = 0 : i64, scratch_operands = 5 : i64, tpu.core_type = #tpu.core_type<sc_vector_subcore>, window_params = [{transform_indices = #map}, {transform_indices = #map1}, {transform_indices = #map}]} {
    %mul3A = arith.constant 2 : i32
    %mul3A_0 = arith.muli %arg1, %mul3A : i32
    %add3A = arith.addi %mul3A_0, %arg0 : i32
    %mul3A_1 = arith.constant 128 : i32
    %mul3A_2 = arith.muli %add3A, %mul3A_1 : i32
    "tpu.region"() ({
      %run_scoped3A = tpu.sem_alloc : memref<!tpu.dma_semaphore, #tpu.memory_space<semaphore_mem>>
      %dma_start3A_81 = tpu.memref_slice %arg3[%mul3A_2] : memref<4096xi32, #tpu.memory_space<hbm>> -> memref<128xi32, #tpu.memory_space<hbm>>
      %dma_start3A_82 = tpu.memref_slice %arg3[%mul3A_2] : memref<4096xi32, #tpu.memory_space<hbm>> -> memref<128xi32, #tpu.memory_space<hbm>>
      tpu.enqueue_dma source(%dma_start3A_82 : memref<128xi32, #tpu.memory_space<hbm>>) target(%arg5 : memref<128xi32, #tpu.memory_space<vmem>>) target_semaphore(%run_scoped3A : memref<!tpu.dma_semaphore, #tpu.memory_space<semaphore_mem>>)
      %dma_wait3A_83 = tpu.memref_slice %arg3[%mul3A_2] : memref<4096xi32, #tpu.memory_space<hbm>> -> memref<128xi32, #tpu.memory_space<hbm>>
      %dma_wait3A_84 = tpu.memref_slice %arg3[%mul3A_2] : memref<4096xi32, #tpu.memory_space<hbm>> -> memref<128xi32, #tpu.memory_space<hbm>>
      tpu.wait_dma2 semaphore(%run_scoped3A : memref<!tpu.dma_semaphore, #tpu.memory_space<semaphore_mem>>) src(%dma_wait3A_84 : memref<128xi32, #tpu.memory_space<hbm>>) dst(%arg5 : memref<128xi32, #tpu.memory_space<vmem>>)
      tpu.yield
    }) : () -> ()
    %dma_start3A = arith.constant 0 : i32
    %dma_start3A_3 = tpu.memref_slice %arg5[%dma_start3A] : memref<128xi32, #tpu.memory_space<vmem>> -> memref<32xi32, #tpu.memory_space<vmem>>
    %dma_start3A_4 = arith.constant 0 : i32
    %dma_start3A_5 = arith.constant 0 : i32
    %dma_start3A_6 = tpu.memref_slice %arg2[%dma_start3A_4, %dma_start3A_5] : memref<12288x1024xf32, #tpu.memory_space<hbm>> -> memref<12288x1024xf32, #tpu.memory_space<hbm>>
    tpu.enqueue_indirect_dma source(%dma_start3A_6 : memref<12288x1024xf32, #tpu.memory_space<hbm>>) target(%arg6 : memref<32x1024xf32, #tpu.memory_space<vmem>>) offsets(%dma_start3A_3 : memref<32xi32, #tpu.memory_space<vmem>>) semaphore(%arg8 : memref<!tpu.dma_semaphore, #tpu.memory_space<semaphore_mem>>)
    %dma_wait3A = arith.constant 0 : i32
    %dma_wait3A_7 = tpu.memref_slice %arg5[%dma_wait3A] : memref<128xi32, #tpu.memory_space<vmem>> -> memref<32xi32, #tpu.memory_space<vmem>>
    %dma_wait3A_8 = arith.constant 0 : i32
    %dma_wait3A_9 = arith.constant 0 : i32
    %dma_wait3A_10 = tpu.memref_slice %arg2[%dma_wait3A_8, %dma_wait3A_9] : memref<12288x1024xf32, #tpu.memory_space<hbm>> -> memref<12288x1024xf32, #tpu.memory_space<hbm>>
    tpu.wait_indirect_dma semaphore(%arg8 : memref<!tpu.dma_semaphore, #tpu.memory_space<semaphore_mem>>) src(%dma_wait3A_10 : memref<12288x1024xf32, #tpu.memory_space<hbm>>) dst(%arg6 : memref<32x1024xf32, #tpu.memory_space<vmem>>)
    %add3A_11 = arith.constant 0 : i32
    %add3A_12 = arith.addi %mul3A_2, %add3A_11 : i32
    %dma_start3A_13 = arith.constant 0 : i32
    %dma_start3A_14 = tpu.memref_slice %arg4[%add3A_12, %dma_start3A_13] : memref<4096x1024xf32, #tpu.memory_space<hbm>> -> memref<32x1024xf32, #tpu.memory_space<hbm>>
    %dma_start3A_15 = arith.constant 0 : i32
    %dma_start3A_16 = tpu.memref_slice %arg4[%add3A_12, %dma_start3A_15] : memref<4096x1024xf32, #tpu.memory_space<hbm>> -> memref<32x1024xf32, #tpu.memory_space<hbm>>
    tpu.enqueue_dma source(%arg6 : memref<32x1024xf32, #tpu.memory_space<vmem>>) target(%dma_start3A_16 : memref<32x1024xf32, #tpu.memory_space<hbm>>) target_semaphore(%arg9 : memref<!tpu.dma_semaphore, #tpu.memory_space<semaphore_mem>>)
    %dma_start3A_17 = arith.constant 32 : i32
    %dma_start3A_18 = tpu.memref_slice %arg5[%dma_start3A_17] : memref<128xi32, #tpu.memory_space<vmem>> -> memref<32xi32, #tpu.memory_space<vmem>>
    %dma_start3A_19 = arith.constant 0 : i32
    %dma_start3A_20 = arith.constant 0 : i32
    %dma_start3A_21 = tpu.memref_slice %arg2[%dma_start3A_19, %dma_start3A_20] : memref<12288x1024xf32, #tpu.memory_space<hbm>> -> memref<12288x1024xf32, #tpu.memory_space<hbm>>
    tpu.enqueue_indirect_dma source(%dma_start3A_21 : memref<12288x1024xf32, #tpu.memory_space<hbm>>) target(%arg7 : memref<32x1024xf32, #tpu.memory_space<vmem>>) offsets(%dma_start3A_18 : memref<32xi32, #tpu.memory_space<vmem>>) semaphore(%arg8 : memref<!tpu.dma_semaphore, #tpu.memory_space<semaphore_mem>>)
    %dma_wait3A_22 = arith.constant 32 : i32
    %dma_wait3A_23 = tpu.memref_slice %arg5[%dma_wait3A_22] : memref<128xi32, #tpu.memory_space<vmem>> -> memref<32xi32, #tpu.memory_space<vmem>>
    %dma_wait3A_24 = arith.constant 0 : i32
    %dma_wait3A_25 = arith.constant 0 : i32
    %dma_wait3A_26 = tpu.memref_slice %arg2[%dma_wait3A_24, %dma_wait3A_25] : memref<12288x1024xf32, #tpu.memory_space<hbm>> -> memref<12288x1024xf32, #tpu.memory_space<hbm>>
    tpu.wait_indirect_dma semaphore(%arg8 : memref<!tpu.dma_semaphore, #tpu.memory_space<semaphore_mem>>) src(%dma_wait3A_26 : memref<12288x1024xf32, #tpu.memory_space<hbm>>) dst(%arg7 : memref<32x1024xf32, #tpu.memory_space<vmem>>)
    %add3A_27 = arith.constant 32 : i32
    %add3A_28 = arith.addi %mul3A_2, %add3A_27 : i32
    %dma_start3A_29 = arith.constant 0 : i32
    %dma_start3A_30 = tpu.memref_slice %arg4[%add3A_28, %dma_start3A_29] : memref<4096x1024xf32, #tpu.memory_space<hbm>> -> memref<32x1024xf32, #tpu.memory_space<hbm>>
    %dma_start3A_31 = arith.constant 0 : i32
    %dma_start3A_32 = tpu.memref_slice %arg4[%add3A_28, %dma_start3A_31] : memref<4096x1024xf32, #tpu.memory_space<hbm>> -> memref<32x1024xf32, #tpu.memory_space<hbm>>
    tpu.enqueue_dma source(%arg7 : memref<32x1024xf32, #tpu.memory_space<vmem>>) target(%dma_start3A_32 : memref<32x1024xf32, #tpu.memory_space<hbm>>) target_semaphore(%arg9 : memref<!tpu.dma_semaphore, #tpu.memory_space<semaphore_mem>>)
    %dma_wait3A_33 = arith.constant 0 : i32
    %dma_wait3A_34 = tpu.memref_slice %arg4[%add3A_12, %dma_wait3A_33] : memref<4096x1024xf32, #tpu.memory_space<hbm>> -> memref<32x1024xf32, #tpu.memory_space<hbm>>
    %dma_wait3A_35 = arith.constant 0 : i32
    %dma_wait3A_36 = tpu.memref_slice %arg4[%add3A_12, %dma_wait3A_35] : memref<4096x1024xf32, #tpu.memory_space<hbm>> -> memref<32x1024xf32, #tpu.memory_space<hbm>>
    tpu.wait_dma2 semaphore(%arg9 : memref<!tpu.dma_semaphore, #tpu.memory_space<semaphore_mem>>) src(%arg6 : memref<32x1024xf32, #tpu.memory_space<vmem>>) dst(%dma_wait3A_36 : memref<32x1024xf32, #tpu.memory_space<hbm>>)
    %dma_start3A_37 = arith.constant 64 : i32
    %dma_start3A_38 = tpu.memref_slice %arg5[%dma_start3A_37] : memref<128xi32, #tpu.memory_space<vmem>> -> memref<32xi32, #tpu.memory_space<vmem>>
    %dma_start3A_39 = arith.constant 0 : i32
    %dma_start3A_40 = arith.constant 0 : i32
    %dma_start3A_41 = tpu.memref_slice %arg2[%dma_start3A_39, %dma_start3A_40] : memref<12288x1024xf32, #tpu.memory_space<hbm>> -> memref<12288x1024xf32, #tpu.memory_space<hbm>>
    tpu.enqueue_indirect_dma source(%dma_start3A_41 : memref<12288x1024xf32, #tpu.memory_space<hbm>>) target(%arg6 : memref<32x1024xf32, #tpu.memory_space<vmem>>) offsets(%dma_start3A_38 : memref<32xi32, #tpu.memory_space<vmem>>) semaphore(%arg8 : memref<!tpu.dma_semaphore, #tpu.memory_space<semaphore_mem>>)
    %dma_wait3A_42 = arith.constant 64 : i32
    %dma_wait3A_43 = tpu.memref_slice %arg5[%dma_wait3A_42] : memref<128xi32, #tpu.memory_space<vmem>> -> memref<32xi32, #tpu.memory_space<vmem>>
    %dma_wait3A_44 = arith.constant 0 : i32
    %dma_wait3A_45 = arith.constant 0 : i32
    %dma_wait3A_46 = tpu.memref_slice %arg2[%dma_wait3A_44, %dma_wait3A_45] : memref<12288x1024xf32, #tpu.memory_space<hbm>> -> memref<12288x1024xf32, #tpu.memory_space<hbm>>
    tpu.wait_indirect_dma semaphore(%arg8 : memref<!tpu.dma_semaphore, #tpu.memory_space<semaphore_mem>>) src(%dma_wait3A_46 : memref<12288x1024xf32, #tpu.memory_space<hbm>>) dst(%arg6 : memref<32x1024xf32, #tpu.memory_space<vmem>>)
    %add3A_47 = arith.constant 64 : i32
    %add3A_48 = arith.addi %mul3A_2, %add3A_47 : i32
    %dma_start3A_49 = arith.constant 0 : i32
    %dma_start3A_50 = tpu.memref_slice %arg4[%add3A_48, %dma_start3A_49] : memref<4096x1024xf32, #tpu.memory_space<hbm>> -> memref<32x1024xf32, #tpu.memory_space<hbm>>
    %dma_start3A_51 = arith.constant 0 : i32
    %dma_start3A_52 = tpu.memref_slice %arg4[%add3A_48, %dma_start3A_51] : memref<4096x1024xf32, #tpu.memory_space<hbm>> -> memref<32x1024xf32, #tpu.memory_space<hbm>>
    tpu.enqueue_dma source(%arg6 : memref<32x1024xf32, #tpu.memory_space<vmem>>) target(%dma_start3A_52 : memref<32x1024xf32, #tpu.memory_space<hbm>>) target_semaphore(%arg9 : memref<!tpu.dma_semaphore, #tpu.memory_space<semaphore_mem>>)
    %dma_wait3A_53 = arith.constant 0 : i32
    %dma_wait3A_54 = tpu.memref_slice %arg4[%add3A_28, %dma_wait3A_53] : memref<4096x1024xf32, #tpu.memory_space<hbm>> -> memref<32x1024xf32, #tpu.memory_space<hbm>>
    %dma_wait3A_55 = arith.constant 0 : i32
    %dma_wait3A_56 = tpu.memref_slice %arg4[%add3A_28, %dma_wait3A_55] : memref<4096x1024xf32, #tpu.memory_space<hbm>> -> memref<32x1024xf32, #tpu.memory_space<hbm>>
    tpu.wait_dma2 semaphore(%arg9 : memref<!tpu.dma_semaphore, #tpu.memory_space<semaphore_mem>>) src(%arg7 : memref<32x1024xf32, #tpu.memory_space<vmem>>) dst(%dma_wait3A_56 : memref<32x1024xf32, #tpu.memory_space<hbm>>)
    %dma_start3A_57 = arith.constant 96 : i32
    %dma_start3A_58 = tpu.memref_slice %arg5[%dma_start3A_57] : memref<128xi32, #tpu.memory_space<vmem>> -> memref<32xi32, #tpu.memory_space<vmem>>
    %dma_start3A_59 = arith.constant 0 : i32
    %dma_start3A_60 = arith.constant 0 : i32
    %dma_start3A_61 = tpu.memref_slice %arg2[%dma_start3A_59, %dma_start3A_60] : memref<12288x1024xf32, #tpu.memory_space<hbm>> -> memref<12288x1024xf32, #tpu.memory_space<hbm>>
    tpu.enqueue_indirect_dma source(%dma_start3A_61 : memref<12288x1024xf32, #tpu.memory_space<hbm>>) target(%arg7 : memref<32x1024xf32, #tpu.memory_space<vmem>>) offsets(%dma_start3A_58 : memref<32xi32, #tpu.memory_space<vmem>>) semaphore(%arg8 : memref<!tpu.dma_semaphore, #tpu.memory_space<semaphore_mem>>)
    %dma_wait3A_62 = arith.constant 96 : i32
    %dma_wait3A_63 = tpu.memref_slice %arg5[%dma_wait3A_62] : memref<128xi32, #tpu.memory_space<vmem>> -> memref<32xi32, #tpu.memory_space<vmem>>
    %dma_wait3A_64 = arith.constant 0 : i32
    %dma_wait3A_65 = arith.constant 0 : i32
    %dma_wait3A_66 = tpu.memref_slice %arg2[%dma_wait3A_64, %dma_wait3A_65] : memref<12288x1024xf32, #tpu.memory_space<hbm>> -> memref<12288x1024xf32, #tpu.memory_space<hbm>>
    tpu.wait_indirect_dma semaphore(%arg8 : memref<!tpu.dma_semaphore, #tpu.memory_space<semaphore_mem>>) src(%dma_wait3A_66 : memref<12288x1024xf32, #tpu.memory_space<hbm>>) dst(%arg7 : memref<32x1024xf32, #tpu.memory_space<vmem>>)
    %add3A_67 = arith.constant 96 : i32
    %add3A_68 = arith.addi %mul3A_2, %add3A_67 : i32
    %dma_start3A_69 = arith.constant 0 : i32
    %dma_start3A_70 = tpu.memref_slice %arg4[%add3A_68, %dma_start3A_69] : memref<4096x1024xf32, #tpu.memory_space<hbm>> -> memref<32x1024xf32, #tpu.memory_space<hbm>>
    %dma_start3A_71 = arith.constant 0 : i32
    %dma_start3A_72 = tpu.memref_slice %arg4[%add3A_68, %dma_start3A_71] : memref<4096x1024xf32, #tpu.memory_space<hbm>> -> memref<32x1024xf32, #tpu.memory_space<hbm>>
    tpu.enqueue_dma source(%arg7 : memref<32x1024xf32, #tpu.memory_space<vmem>>) target(%dma_start3A_72 : memref<32x1024xf32, #tpu.memory_space<hbm>>) target_semaphore(%arg9 : memref<!tpu.dma_semaphore, #tpu.memory_space<semaphore_mem>>)
    %dma_wait3A_73 = arith.constant 0 : i32
    %dma_wait3A_74 = tpu.memref_slice %arg4[%add3A_48, %dma_wait3A_73] : memref<4096x1024xf32, #tpu.memory_space<hbm>> -> memref<32x1024xf32, #tpu.memory_space<hbm>>
    %dma_wait3A_75 = arith.constant 0 : i32
    %dma_wait3A_76 = tpu.memref_slice %arg4[%add3A_48, %dma_wait3A_75] : memref<4096x1024xf32, #tpu.memory_space<hbm>> -> memref<32x1024xf32, #tpu.memory_space<hbm>>
    tpu.wait_dma2 semaphore(%arg9 : memref<!tpu.dma_semaphore, #tpu.memory_space<semaphore_mem>>) src(%arg6 : memref<32x1024xf32, #tpu.memory_space<vmem>>) dst(%dma_wait3A_76 : memref<32x1024xf32, #tpu.memory_space<hbm>>)
    %dma_wait3A_77 = arith.constant 0 : i32
    %dma_wait3A_78 = tpu.memref_slice %arg4[%add3A_68, %dma_wait3A_77] : memref<4096x1024xf32, #tpu.memory_space<hbm>> -> memref<32x1024xf32, #tpu.memory_space<hbm>>
    %dma_wait3A_79 = arith.constant 0 : i32
    %dma_wait3A_80 = tpu.memref_slice %arg4[%add3A_68, %dma_wait3A_79] : memref<4096x1024xf32, #tpu.memory_space<hbm>> -> memref<32x1024xf32, #tpu.memory_space<hbm>>
    tpu.wait_dma2 semaphore(%arg9 : memref<!tpu.dma_semaphore, #tpu.memory_space<semaphore_mem>>) src(%arg7 : memref<32x1024xf32, #tpu.memory_space<vmem>>) dst(%dma_wait3A_80 : memref<32x1024xf32, #tpu.memory_space<hbm>>)
    return
  }
}

#map = affine_map<(d0, d1) -> (0, 0)>
#map1 = affine_map<(d0, d1) -> (0)>
module attributes {stable_mosaic.version = 14 : i64} {
  func.func @sc_gather(%arg0: i32, %arg1: i32, %arg2: memref<4096x1024xf32, #tpu.memory_space<hbm>>, %arg3: memref<12288xi32, #tpu.memory_space<hbm>>, %arg4: memref<12288x1024xf32, #tpu.memory_space<hbm>>, %arg5: memref<384xi32, #tpu.memory_space<vmem>>, %arg6: memref<32x1024xf32, #tpu.memory_space<vmem>>, %arg7: memref<32x1024xf32, #tpu.memory_space<vmem>>, %arg8: memref<!tpu.dma_semaphore, #tpu.memory_space<semaphore_mem>>, %arg9: memref<!tpu.dma_semaphore, #tpu.memory_space<semaphore_mem>>) attributes {dimension_semantics = [#tpu.dimension_semantics<core_parallel>, #tpu.dimension_semantics<subcore_parallel>], iteration_bounds = array<i64: 2, 16>, scalar_prefetch = 0 : i64, scratch_operands = 5 : i64, tpu.core_type = #tpu.core_type<sc_vector_subcore>, window_params = [{transform_indices = #map}, {transform_indices = #map1}, {transform_indices = #map}]} {
    %mul3A = arith.constant 2 : i32
    %mul3A_0 = arith.muli %arg1, %mul3A : i32
    %add3A = arith.addi %mul3A_0, %arg0 : i32
    %mul3A_1 = arith.constant 384 : i32
    %mul3A_2 = arith.muli %add3A, %mul3A_1 : i32
    "tpu.region"() ({
      %run_scoped3A = tpu.sem_alloc : memref<!tpu.dma_semaphore, #tpu.memory_space<semaphore_mem>>
      %dma_start3A_241 = tpu.memref_slice %arg3[%mul3A_2] : memref<12288xi32, #tpu.memory_space<hbm>> -> memref<384xi32, #tpu.memory_space<hbm>>
      %dma_start3A_242 = tpu.memref_slice %arg3[%mul3A_2] : memref<12288xi32, #tpu.memory_space<hbm>> -> memref<384xi32, #tpu.memory_space<hbm>>
      tpu.enqueue_dma source(%dma_start3A_242 : memref<384xi32, #tpu.memory_space<hbm>>) target(%arg5 : memref<384xi32, #tpu.memory_space<vmem>>) target_semaphore(%run_scoped3A : memref<!tpu.dma_semaphore, #tpu.memory_space<semaphore_mem>>)
      %dma_wait3A_243 = tpu.memref_slice %arg3[%mul3A_2] : memref<12288xi32, #tpu.memory_space<hbm>> -> memref<384xi32, #tpu.memory_space<hbm>>
      %dma_wait3A_244 = tpu.memref_slice %arg3[%mul3A_2] : memref<12288xi32, #tpu.memory_space<hbm>> -> memref<384xi32, #tpu.memory_space<hbm>>
      tpu.wait_dma2 semaphore(%run_scoped3A : memref<!tpu.dma_semaphore, #tpu.memory_space<semaphore_mem>>) src(%dma_wait3A_244 : memref<384xi32, #tpu.memory_space<hbm>>) dst(%arg5 : memref<384xi32, #tpu.memory_space<vmem>>)
      tpu.yield
    }) : () -> ()
    %dma_start3A = arith.constant 0 : i32
    %dma_start3A_3 = tpu.memref_slice %arg5[%dma_start3A] : memref<384xi32, #tpu.memory_space<vmem>> -> memref<32xi32, #tpu.memory_space<vmem>>
    %dma_start3A_4 = arith.constant 0 : i32
    %dma_start3A_5 = arith.constant 0 : i32
    %dma_start3A_6 = tpu.memref_slice %arg2[%dma_start3A_4, %dma_start3A_5] : memref<4096x1024xf32, #tpu.memory_space<hbm>> -> memref<4096x1024xf32, #tpu.memory_space<hbm>>
    tpu.enqueue_indirect_dma source(%dma_start3A_6 : memref<4096x1024xf32, #tpu.memory_space<hbm>>) target(%arg6 : memref<32x1024xf32, #tpu.memory_space<vmem>>) offsets(%dma_start3A_3 : memref<32xi32, #tpu.memory_space<vmem>>) semaphore(%arg8 : memref<!tpu.dma_semaphore, #tpu.memory_space<semaphore_mem>>)
    %dma_wait3A = arith.constant 0 : i32
    %dma_wait3A_7 = tpu.memref_slice %arg5[%dma_wait3A] : memref<384xi32, #tpu.memory_space<vmem>> -> memref<32xi32, #tpu.memory_space<vmem>>
    %dma_wait3A_8 = arith.constant 0 : i32
    %dma_wait3A_9 = arith.constant 0 : i32
    %dma_wait3A_10 = tpu.memref_slice %arg2[%dma_wait3A_8, %dma_wait3A_9] : memref<4096x1024xf32, #tpu.memory_space<hbm>> -> memref<4096x1024xf32, #tpu.memory_space<hbm>>
    tpu.wait_indirect_dma semaphore(%arg8 : memref<!tpu.dma_semaphore, #tpu.memory_space<semaphore_mem>>) src(%dma_wait3A_10 : memref<4096x1024xf32, #tpu.memory_space<hbm>>) dst(%arg6 : memref<32x1024xf32, #tpu.memory_space<vmem>>)
    %add3A_11 = arith.constant 0 : i32
    %add3A_12 = arith.addi %mul3A_2, %add3A_11 : i32
    %dma_start3A_13 = arith.constant 0 : i32
    %dma_start3A_14 = tpu.memref_slice %arg4[%add3A_12, %dma_start3A_13] : memref<12288x1024xf32, #tpu.memory_space<hbm>> -> memref<32x1024xf32, #tpu.memory_space<hbm>>
    %dma_start3A_15 = arith.constant 0 : i32
    %dma_start3A_16 = tpu.memref_slice %arg4[%add3A_12, %dma_start3A_15] : memref<12288x1024xf32, #tpu.memory_space<hbm>> -> memref<32x1024xf32, #tpu.memory_space<hbm>>
    tpu.enqueue_dma source(%arg6 : memref<32x1024xf32, #tpu.memory_space<vmem>>) target(%dma_start3A_16 : memref<32x1024xf32, #tpu.memory_space<hbm>>) target_semaphore(%arg9 : memref<!tpu.dma_semaphore, #tpu.memory_space<semaphore_mem>>)
    %dma_start3A_17 = arith.constant 32 : i32
    %dma_start3A_18 = tpu.memref_slice %arg5[%dma_start3A_17] : memref<384xi32, #tpu.memory_space<vmem>> -> memref<32xi32, #tpu.memory_space<vmem>>
    %dma_start3A_19 = arith.constant 0 : i32
    %dma_start3A_20 = arith.constant 0 : i32
    %dma_start3A_21 = tpu.memref_slice %arg2[%dma_start3A_19, %dma_start3A_20] : memref<4096x1024xf32, #tpu.memory_space<hbm>> -> memref<4096x1024xf32, #tpu.memory_space<hbm>>
    tpu.enqueue_indirect_dma source(%dma_start3A_21 : memref<4096x1024xf32, #tpu.memory_space<hbm>>) target(%arg7 : memref<32x1024xf32, #tpu.memory_space<vmem>>) offsets(%dma_start3A_18 : memref<32xi32, #tpu.memory_space<vmem>>) semaphore(%arg8 : memref<!tpu.dma_semaphore, #tpu.memory_space<semaphore_mem>>)
    %dma_wait3A_22 = arith.constant 32 : i32
    %dma_wait3A_23 = tpu.memref_slice %arg5[%dma_wait3A_22] : memref<384xi32, #tpu.memory_space<vmem>> -> memref<32xi32, #tpu.memory_space<vmem>>
    %dma_wait3A_24 = arith.constant 0 : i32
    %dma_wait3A_25 = arith.constant 0 : i32
    %dma_wait3A_26 = tpu.memref_slice %arg2[%dma_wait3A_24, %dma_wait3A_25] : memref<4096x1024xf32, #tpu.memory_space<hbm>> -> memref<4096x1024xf32, #tpu.memory_space<hbm>>
    tpu.wait_indirect_dma semaphore(%arg8 : memref<!tpu.dma_semaphore, #tpu.memory_space<semaphore_mem>>) src(%dma_wait3A_26 : memref<4096x1024xf32, #tpu.memory_space<hbm>>) dst(%arg7 : memref<32x1024xf32, #tpu.memory_space<vmem>>)
    %add3A_27 = arith.constant 32 : i32
    %add3A_28 = arith.addi %mul3A_2, %add3A_27 : i32
    %dma_start3A_29 = arith.constant 0 : i32
    %dma_start3A_30 = tpu.memref_slice %arg4[%add3A_28, %dma_start3A_29] : memref<12288x1024xf32, #tpu.memory_space<hbm>> -> memref<32x1024xf32, #tpu.memory_space<hbm>>
    %dma_start3A_31 = arith.constant 0 : i32
    %dma_start3A_32 = tpu.memref_slice %arg4[%add3A_28, %dma_start3A_31] : memref<12288x1024xf32, #tpu.memory_space<hbm>> -> memref<32x1024xf32, #tpu.memory_space<hbm>>
    tpu.enqueue_dma source(%arg7 : memref<32x1024xf32, #tpu.memory_space<vmem>>) target(%dma_start3A_32 : memref<32x1024xf32, #tpu.memory_space<hbm>>) target_semaphore(%arg9 : memref<!tpu.dma_semaphore, #tpu.memory_space<semaphore_mem>>)
    %dma_wait3A_33 = arith.constant 0 : i32
    %dma_wait3A_34 = tpu.memref_slice %arg4[%add3A_12, %dma_wait3A_33] : memref<12288x1024xf32, #tpu.memory_space<hbm>> -> memref<32x1024xf32, #tpu.memory_space<hbm>>
    %dma_wait3A_35 = arith.constant 0 : i32
    %dma_wait3A_36 = tpu.memref_slice %arg4[%add3A_12, %dma_wait3A_35] : memref<12288x1024xf32, #tpu.memory_space<hbm>> -> memref<32x1024xf32, #tpu.memory_space<hbm>>
    tpu.wait_dma2 semaphore(%arg9 : memref<!tpu.dma_semaphore, #tpu.memory_space<semaphore_mem>>) src(%arg6 : memref<32x1024xf32, #tpu.memory_space<vmem>>) dst(%dma_wait3A_36 : memref<32x1024xf32, #tpu.memory_space<hbm>>)
    %dma_start3A_37 = arith.constant 64 : i32
    %dma_start3A_38 = tpu.memref_slice %arg5[%dma_start3A_37] : memref<384xi32, #tpu.memory_space<vmem>> -> memref<32xi32, #tpu.memory_space<vmem>>
    %dma_start3A_39 = arith.constant 0 : i32
    %dma_start3A_40 = arith.constant 0 : i32
    %dma_start3A_41 = tpu.memref_slice %arg2[%dma_start3A_39, %dma_start3A_40] : memref<4096x1024xf32, #tpu.memory_space<hbm>> -> memref<4096x1024xf32, #tpu.memory_space<hbm>>
    tpu.enqueue_indirect_dma source(%dma_start3A_41 : memref<4096x1024xf32, #tpu.memory_space<hbm>>) target(%arg6 : memref<32x1024xf32, #tpu.memory_space<vmem>>) offsets(%dma_start3A_38 : memref<32xi32, #tpu.memory_space<vmem>>) semaphore(%arg8 : memref<!tpu.dma_semaphore, #tpu.memory_space<semaphore_mem>>)
    %dma_wait3A_42 = arith.constant 64 : i32
    %dma_wait3A_43 = tpu.memref_slice %arg5[%dma_wait3A_42] : memref<384xi32, #tpu.memory_space<vmem>> -> memref<32xi32, #tpu.memory_space<vmem>>
    %dma_wait3A_44 = arith.constant 0 : i32
    %dma_wait3A_45 = arith.constant 0 : i32
    %dma_wait3A_46 = tpu.memref_slice %arg2[%dma_wait3A_44, %dma_wait3A_45] : memref<4096x1024xf32, #tpu.memory_space<hbm>> -> memref<4096x1024xf32, #tpu.memory_space<hbm>>
    tpu.wait_indirect_dma semaphore(%arg8 : memref<!tpu.dma_semaphore, #tpu.memory_space<semaphore_mem>>) src(%dma_wait3A_46 : memref<4096x1024xf32, #tpu.memory_space<hbm>>) dst(%arg6 : memref<32x1024xf32, #tpu.memory_space<vmem>>)
    %add3A_47 = arith.constant 64 : i32
    %add3A_48 = arith.addi %mul3A_2, %add3A_47 : i32
    %dma_start3A_49 = arith.constant 0 : i32
    %dma_start3A_50 = tpu.memref_slice %arg4[%add3A_48, %dma_start3A_49] : memref<12288x1024xf32, #tpu.memory_space<hbm>> -> memref<32x1024xf32, #tpu.memory_space<hbm>>
    %dma_start3A_51 = arith.constant 0 : i32
    %dma_start3A_52 = tpu.memref_slice %arg4[%add3A_48, %dma_start3A_51] : memref<12288x1024xf32, #tpu.memory_space<hbm>> -> memref<32x1024xf32, #tpu.memory_space<hbm>>
    tpu.enqueue_dma source(%arg6 : memref<32x1024xf32, #tpu.memory_space<vmem>>) target(%dma_start3A_52 : memref<32x1024xf32, #tpu.memory_space<hbm>>) target_semaphore(%arg9 : memref<!tpu.dma_semaphore, #tpu.memory_space<semaphore_mem>>)
    %dma_wait3A_53 = arith.constant 0 : i32
    %dma_wait3A_54 = tpu.memref_slice %arg4[%add3A_28, %dma_wait3A_53] : memref<12288x1024xf32, #tpu.memory_space<hbm>> -> memref<32x1024xf32, #tpu.memory_space<hbm>>
    %dma_wait3A_55 = arith.constant 0 : i32
    %dma_wait3A_56 = tpu.memref_slice %arg4[%add3A_28, %dma_wait3A_55] : memref<12288x1024xf32, #tpu.memory_space<hbm>> -> memref<32x1024xf32, #tpu.memory_space<hbm>>
    tpu.wait_dma2 semaphore(%arg9 : memref<!tpu.dma_semaphore, #tpu.memory_space<semaphore_mem>>) src(%arg7 : memref<32x1024xf32, #tpu.memory_space<vmem>>) dst(%dma_wait3A_56 : memref<32x1024xf32, #tpu.memory_space<hbm>>)
    %dma_start3A_57 = arith.constant 96 : i32
    %dma_start3A_58 = tpu.memref_slice %arg5[%dma_start3A_57] : memref<384xi32, #tpu.memory_space<vmem>> -> memref<32xi32, #tpu.memory_space<vmem>>
    %dma_start3A_59 = arith.constant 0 : i32
    %dma_start3A_60 = arith.constant 0 : i32
    %dma_start3A_61 = tpu.memref_slice %arg2[%dma_start3A_59, %dma_start3A_60] : memref<4096x1024xf32, #tpu.memory_space<hbm>> -> memref<4096x1024xf32, #tpu.memory_space<hbm>>
    tpu.enqueue_indirect_dma source(%dma_start3A_61 : memref<4096x1024xf32, #tpu.memory_space<hbm>>) target(%arg7 : memref<32x1024xf32, #tpu.memory_space<vmem>>) offsets(%dma_start3A_58 : memref<32xi32, #tpu.memory_space<vmem>>) semaphore(%arg8 : memref<!tpu.dma_semaphore, #tpu.memory_space<semaphore_mem>>)
    %dma_wait3A_62 = arith.constant 96 : i32
    %dma_wait3A_63 = tpu.memref_slice %arg5[%dma_wait3A_62] : memref<384xi32, #tpu.memory_space<vmem>> -> memref<32xi32, #tpu.memory_space<vmem>>
    %dma_wait3A_64 = arith.constant 0 : i32
    %dma_wait3A_65 = arith.constant 0 : i32
    %dma_wait3A_66 = tpu.memref_slice %arg2[%dma_wait3A_64, %dma_wait3A_65] : memref<4096x1024xf32, #tpu.memory_space<hbm>> -> memref<4096x1024xf32, #tpu.memory_space<hbm>>
    tpu.wait_indirect_dma semaphore(%arg8 : memref<!tpu.dma_semaphore, #tpu.memory_space<semaphore_mem>>) src(%dma_wait3A_66 : memref<4096x1024xf32, #tpu.memory_space<hbm>>) dst(%arg7 : memref<32x1024xf32, #tpu.memory_space<vmem>>)
    %add3A_67 = arith.constant 96 : i32
    %add3A_68 = arith.addi %mul3A_2, %add3A_67 : i32
    %dma_start3A_69 = arith.constant 0 : i32
    %dma_start3A_70 = tpu.memref_slice %arg4[%add3A_68, %dma_start3A_69] : memref<12288x1024xf32, #tpu.memory_space<hbm>> -> memref<32x1024xf32, #tpu.memory_space<hbm>>
    %dma_start3A_71 = arith.constant 0 : i32
    %dma_start3A_72 = tpu.memref_slice %arg4[%add3A_68, %dma_start3A_71] : memref<12288x1024xf32, #tpu.memory_space<hbm>> -> memref<32x1024xf32, #tpu.memory_space<hbm>>
    tpu.enqueue_dma source(%arg7 : memref<32x1024xf32, #tpu.memory_space<vmem>>) target(%dma_start3A_72 : memref<32x1024xf32, #tpu.memory_space<hbm>>) target_semaphore(%arg9 : memref<!tpu.dma_semaphore, #tpu.memory_space<semaphore_mem>>)
    %dma_wait3A_73 = arith.constant 0 : i32
    %dma_wait3A_74 = tpu.memref_slice %arg4[%add3A_48, %dma_wait3A_73] : memref<12288x1024xf32, #tpu.memory_space<hbm>> -> memref<32x1024xf32, #tpu.memory_space<hbm>>
    %dma_wait3A_75 = arith.constant 0 : i32
    %dma_wait3A_76 = tpu.memref_slice %arg4[%add3A_48, %dma_wait3A_75] : memref<12288x1024xf32, #tpu.memory_space<hbm>> -> memref<32x1024xf32, #tpu.memory_space<hbm>>
    tpu.wait_dma2 semaphore(%arg9 : memref<!tpu.dma_semaphore, #tpu.memory_space<semaphore_mem>>) src(%arg6 : memref<32x1024xf32, #tpu.memory_space<vmem>>) dst(%dma_wait3A_76 : memref<32x1024xf32, #tpu.memory_space<hbm>>)
    %dma_start3A_77 = arith.constant 128 : i32
    %dma_start3A_78 = tpu.memref_slice %arg5[%dma_start3A_77] : memref<384xi32, #tpu.memory_space<vmem>> -> memref<32xi32, #tpu.memory_space<vmem>>
    %dma_start3A_79 = arith.constant 0 : i32
    %dma_start3A_80 = arith.constant 0 : i32
    %dma_start3A_81 = tpu.memref_slice %arg2[%dma_start3A_79, %dma_start3A_80] : memref<4096x1024xf32, #tpu.memory_space<hbm>> -> memref<4096x1024xf32, #tpu.memory_space<hbm>>
    tpu.enqueue_indirect_dma source(%dma_start3A_81 : memref<4096x1024xf32, #tpu.memory_space<hbm>>) target(%arg6 : memref<32x1024xf32, #tpu.memory_space<vmem>>) offsets(%dma_start3A_78 : memref<32xi32, #tpu.memory_space<vmem>>) semaphore(%arg8 : memref<!tpu.dma_semaphore, #tpu.memory_space<semaphore_mem>>)
    %dma_wait3A_82 = arith.constant 128 : i32
    %dma_wait3A_83 = tpu.memref_slice %arg5[%dma_wait3A_82] : memref<384xi32, #tpu.memory_space<vmem>> -> memref<32xi32, #tpu.memory_space<vmem>>
    %dma_wait3A_84 = arith.constant 0 : i32
    %dma_wait3A_85 = arith.constant 0 : i32
    %dma_wait3A_86 = tpu.memref_slice %arg2[%dma_wait3A_84, %dma_wait3A_85] : memref<4096x1024xf32, #tpu.memory_space<hbm>> -> memref<4096x1024xf32, #tpu.memory_space<hbm>>
    tpu.wait_indirect_dma semaphore(%arg8 : memref<!tpu.dma_semaphore, #tpu.memory_space<semaphore_mem>>) src(%dma_wait3A_86 : memref<4096x1024xf32, #tpu.memory_space<hbm>>) dst(%arg6 : memref<32x1024xf32, #tpu.memory_space<vmem>>)
    %add3A_87 = arith.constant 128 : i32
    %add3A_88 = arith.addi %mul3A_2, %add3A_87 : i32
    %dma_start3A_89 = arith.constant 0 : i32
    %dma_start3A_90 = tpu.memref_slice %arg4[%add3A_88, %dma_start3A_89] : memref<12288x1024xf32, #tpu.memory_space<hbm>> -> memref<32x1024xf32, #tpu.memory_space<hbm>>
    %dma_start3A_91 = arith.constant 0 : i32
    %dma_start3A_92 = tpu.memref_slice %arg4[%add3A_88, %dma_start3A_91] : memref<12288x1024xf32, #tpu.memory_space<hbm>> -> memref<32x1024xf32, #tpu.memory_space<hbm>>
    tpu.enqueue_dma source(%arg6 : memref<32x1024xf32, #tpu.memory_space<vmem>>) target(%dma_start3A_92 : memref<32x1024xf32, #tpu.memory_space<hbm>>) target_semaphore(%arg9 : memref<!tpu.dma_semaphore, #tpu.memory_space<semaphore_mem>>)
    %dma_wait3A_93 = arith.constant 0 : i32
    %dma_wait3A_94 = tpu.memref_slice %arg4[%add3A_68, %dma_wait3A_93] : memref<12288x1024xf32, #tpu.memory_space<hbm>> -> memref<32x1024xf32, #tpu.memory_space<hbm>>
    %dma_wait3A_95 = arith.constant 0 : i32
    %dma_wait3A_96 = tpu.memref_slice %arg4[%add3A_68, %dma_wait3A_95] : memref<12288x1024xf32, #tpu.memory_space<hbm>> -> memref<32x1024xf32, #tpu.memory_space<hbm>>
    tpu.wait_dma2 semaphore(%arg9 : memref<!tpu.dma_semaphore, #tpu.memory_space<semaphore_mem>>) src(%arg7 : memref<32x1024xf32, #tpu.memory_space<vmem>>) dst(%dma_wait3A_96 : memref<32x1024xf32, #tpu.memory_space<hbm>>)
    %dma_start3A_97 = arith.constant 160 : i32
    %dma_start3A_98 = tpu.memref_slice %arg5[%dma_start3A_97] : memref<384xi32, #tpu.memory_space<vmem>> -> memref<32xi32, #tpu.memory_space<vmem>>
    %dma_start3A_99 = arith.constant 0 : i32
    %dma_start3A_100 = arith.constant 0 : i32
    %dma_start3A_101 = tpu.memref_slice %arg2[%dma_start3A_99, %dma_start3A_100] : memref<4096x1024xf32, #tpu.memory_space<hbm>> -> memref<4096x1024xf32, #tpu.memory_space<hbm>>
    tpu.enqueue_indirect_dma source(%dma_start3A_101 : memref<4096x1024xf32, #tpu.memory_space<hbm>>) target(%arg7 : memref<32x1024xf32, #tpu.memory_space<vmem>>) offsets(%dma_start3A_98 : memref<32xi32, #tpu.memory_space<vmem>>) semaphore(%arg8 : memref<!tpu.dma_semaphore, #tpu.memory_space<semaphore_mem>>)
    %dma_wait3A_102 = arith.constant 160 : i32
    %dma_wait3A_103 = tpu.memref_slice %arg5[%dma_wait3A_102] : memref<384xi32, #tpu.memory_space<vmem>> -> memref<32xi32, #tpu.memory_space<vmem>>
    %dma_wait3A_104 = arith.constant 0 : i32
    %dma_wait3A_105 = arith.constant 0 : i32
    %dma_wait3A_106 = tpu.memref_slice %arg2[%dma_wait3A_104, %dma_wait3A_105] : memref<4096x1024xf32, #tpu.memory_space<hbm>> -> memref<4096x1024xf32, #tpu.memory_space<hbm>>
    tpu.wait_indirect_dma semaphore(%arg8 : memref<!tpu.dma_semaphore, #tpu.memory_space<semaphore_mem>>) src(%dma_wait3A_106 : memref<4096x1024xf32, #tpu.memory_space<hbm>>) dst(%arg7 : memref<32x1024xf32, #tpu.memory_space<vmem>>)
    %add3A_107 = arith.constant 160 : i32
    %add3A_108 = arith.addi %mul3A_2, %add3A_107 : i32
    %dma_start3A_109 = arith.constant 0 : i32
    %dma_start3A_110 = tpu.memref_slice %arg4[%add3A_108, %dma_start3A_109] : memref<12288x1024xf32, #tpu.memory_space<hbm>> -> memref<32x1024xf32, #tpu.memory_space<hbm>>
    %dma_start3A_111 = arith.constant 0 : i32
    %dma_start3A_112 = tpu.memref_slice %arg4[%add3A_108, %dma_start3A_111] : memref<12288x1024xf32, #tpu.memory_space<hbm>> -> memref<32x1024xf32, #tpu.memory_space<hbm>>
    tpu.enqueue_dma source(%arg7 : memref<32x1024xf32, #tpu.memory_space<vmem>>) target(%dma_start3A_112 : memref<32x1024xf32, #tpu.memory_space<hbm>>) target_semaphore(%arg9 : memref<!tpu.dma_semaphore, #tpu.memory_space<semaphore_mem>>)
    %dma_wait3A_113 = arith.constant 0 : i32
    %dma_wait3A_114 = tpu.memref_slice %arg4[%add3A_88, %dma_wait3A_113] : memref<12288x1024xf32, #tpu.memory_space<hbm>> -> memref<32x1024xf32, #tpu.memory_space<hbm>>
    %dma_wait3A_115 = arith.constant 0 : i32
    %dma_wait3A_116 = tpu.memref_slice %arg4[%add3A_88, %dma_wait3A_115] : memref<12288x1024xf32, #tpu.memory_space<hbm>> -> memref<32x1024xf32, #tpu.memory_space<hbm>>
    tpu.wait_dma2 semaphore(%arg9 : memref<!tpu.dma_semaphore, #tpu.memory_space<semaphore_mem>>) src(%arg6 : memref<32x1024xf32, #tpu.memory_space<vmem>>) dst(%dma_wait3A_116 : memref<32x1024xf32, #tpu.memory_space<hbm>>)
    %dma_start3A_117 = arith.constant 192 : i32
    %dma_start3A_118 = tpu.memref_slice %arg5[%dma_start3A_117] : memref<384xi32, #tpu.memory_space<vmem>> -> memref<32xi32, #tpu.memory_space<vmem>>
    %dma_start3A_119 = arith.constant 0 : i32
    %dma_start3A_120 = arith.constant 0 : i32
    %dma_start3A_121 = tpu.memref_slice %arg2[%dma_start3A_119, %dma_start3A_120] : memref<4096x1024xf32, #tpu.memory_space<hbm>> -> memref<4096x1024xf32, #tpu.memory_space<hbm>>
    tpu.enqueue_indirect_dma source(%dma_start3A_121 : memref<4096x1024xf32, #tpu.memory_space<hbm>>) target(%arg6 : memref<32x1024xf32, #tpu.memory_space<vmem>>) offsets(%dma_start3A_118 : memref<32xi32, #tpu.memory_space<vmem>>) semaphore(%arg8 : memref<!tpu.dma_semaphore, #tpu.memory_space<semaphore_mem>>)
    %dma_wait3A_122 = arith.constant 192 : i32
    %dma_wait3A_123 = tpu.memref_slice %arg5[%dma_wait3A_122] : memref<384xi32, #tpu.memory_space<vmem>> -> memref<32xi32, #tpu.memory_space<vmem>>
    %dma_wait3A_124 = arith.constant 0 : i32
    %dma_wait3A_125 = arith.constant 0 : i32
    %dma_wait3A_126 = tpu.memref_slice %arg2[%dma_wait3A_124, %dma_wait3A_125] : memref<4096x1024xf32, #tpu.memory_space<hbm>> -> memref<4096x1024xf32, #tpu.memory_space<hbm>>
    tpu.wait_indirect_dma semaphore(%arg8 : memref<!tpu.dma_semaphore, #tpu.memory_space<semaphore_mem>>) src(%dma_wait3A_126 : memref<4096x1024xf32, #tpu.memory_space<hbm>>) dst(%arg6 : memref<32x1024xf32, #tpu.memory_space<vmem>>)
    %add3A_127 = arith.constant 192 : i32
    %add3A_128 = arith.addi %mul3A_2, %add3A_127 : i32
    %dma_start3A_129 = arith.constant 0 : i32
    %dma_start3A_130 = tpu.memref_slice %arg4[%add3A_128, %dma_start3A_129] : memref<12288x1024xf32, #tpu.memory_space<hbm>> -> memref<32x1024xf32, #tpu.memory_space<hbm>>
    %dma_start3A_131 = arith.constant 0 : i32
    %dma_start3A_132 = tpu.memref_slice %arg4[%add3A_128, %dma_start3A_131] : memref<12288x1024xf32, #tpu.memory_space<hbm>> -> memref<32x1024xf32, #tpu.memory_space<hbm>>
    tpu.enqueue_dma source(%arg6 : memref<32x1024xf32, #tpu.memory_space<vmem>>) target(%dma_start3A_132 : memref<32x1024xf32, #tpu.memory_space<hbm>>) target_semaphore(%arg9 : memref<!tpu.dma_semaphore, #tpu.memory_space<semaphore_mem>>)
    %dma_wait3A_133 = arith.constant 0 : i32
    %dma_wait3A_134 = tpu.memref_slice %arg4[%add3A_108, %dma_wait3A_133] : memref<12288x1024xf32, #tpu.memory_space<hbm>> -> memref<32x1024xf32, #tpu.memory_space<hbm>>
    %dma_wait3A_135 = arith.constant 0 : i32
    %dma_wait3A_136 = tpu.memref_slice %arg4[%add3A_108, %dma_wait3A_135] : memref<12288x1024xf32, #tpu.memory_space<hbm>> -> memref<32x1024xf32, #tpu.memory_space<hbm>>
    tpu.wait_dma2 semaphore(%arg9 : memref<!tpu.dma_semaphore, #tpu.memory_space<semaphore_mem>>) src(%arg7 : memref<32x1024xf32, #tpu.memory_space<vmem>>) dst(%dma_wait3A_136 : memref<32x1024xf32, #tpu.memory_space<hbm>>)
    %dma_start3A_137 = arith.constant 224 : i32
    %dma_start3A_138 = tpu.memref_slice %arg5[%dma_start3A_137] : memref<384xi32, #tpu.memory_space<vmem>> -> memref<32xi32, #tpu.memory_space<vmem>>
    %dma_start3A_139 = arith.constant 0 : i32
    %dma_start3A_140 = arith.constant 0 : i32
    %dma_start3A_141 = tpu.memref_slice %arg2[%dma_start3A_139, %dma_start3A_140] : memref<4096x1024xf32, #tpu.memory_space<hbm>> -> memref<4096x1024xf32, #tpu.memory_space<hbm>>
    tpu.enqueue_indirect_dma source(%dma_start3A_141 : memref<4096x1024xf32, #tpu.memory_space<hbm>>) target(%arg7 : memref<32x1024xf32, #tpu.memory_space<vmem>>) offsets(%dma_start3A_138 : memref<32xi32, #tpu.memory_space<vmem>>) semaphore(%arg8 : memref<!tpu.dma_semaphore, #tpu.memory_space<semaphore_mem>>)
    %dma_wait3A_142 = arith.constant 224 : i32
    %dma_wait3A_143 = tpu.memref_slice %arg5[%dma_wait3A_142] : memref<384xi32, #tpu.memory_space<vmem>> -> memref<32xi32, #tpu.memory_space<vmem>>
    %dma_wait3A_144 = arith.constant 0 : i32
    %dma_wait3A_145 = arith.constant 0 : i32
    %dma_wait3A_146 = tpu.memref_slice %arg2[%dma_wait3A_144, %dma_wait3A_145] : memref<4096x1024xf32, #tpu.memory_space<hbm>> -> memref<4096x1024xf32, #tpu.memory_space<hbm>>
    tpu.wait_indirect_dma semaphore(%arg8 : memref<!tpu.dma_semaphore, #tpu.memory_space<semaphore_mem>>) src(%dma_wait3A_146 : memref<4096x1024xf32, #tpu.memory_space<hbm>>) dst(%arg7 : memref<32x1024xf32, #tpu.memory_space<vmem>>)
    %add3A_147 = arith.constant 224 : i32
    %add3A_148 = arith.addi %mul3A_2, %add3A_147 : i32
    %dma_start3A_149 = arith.constant 0 : i32
    %dma_start3A_150 = tpu.memref_slice %arg4[%add3A_148, %dma_start3A_149] : memref<12288x1024xf32, #tpu.memory_space<hbm>> -> memref<32x1024xf32, #tpu.memory_space<hbm>>
    %dma_start3A_151 = arith.constant 0 : i32
    %dma_start3A_152 = tpu.memref_slice %arg4[%add3A_148, %dma_start3A_151] : memref<12288x1024xf32, #tpu.memory_space<hbm>> -> memref<32x1024xf32, #tpu.memory_space<hbm>>
    tpu.enqueue_dma source(%arg7 : memref<32x1024xf32, #tpu.memory_space<vmem>>) target(%dma_start3A_152 : memref<32x1024xf32, #tpu.memory_space<hbm>>) target_semaphore(%arg9 : memref<!tpu.dma_semaphore, #tpu.memory_space<semaphore_mem>>)
    %dma_wait3A_153 = arith.constant 0 : i32
    %dma_wait3A_154 = tpu.memref_slice %arg4[%add3A_128, %dma_wait3A_153] : memref<12288x1024xf32, #tpu.memory_space<hbm>> -> memref<32x1024xf32, #tpu.memory_space<hbm>>
    %dma_wait3A_155 = arith.constant 0 : i32
    %dma_wait3A_156 = tpu.memref_slice %arg4[%add3A_128, %dma_wait3A_155] : memref<12288x1024xf32, #tpu.memory_space<hbm>> -> memref<32x1024xf32, #tpu.memory_space<hbm>>
    tpu.wait_dma2 semaphore(%arg9 : memref<!tpu.dma_semaphore, #tpu.memory_space<semaphore_mem>>) src(%arg6 : memref<32x1024xf32, #tpu.memory_space<vmem>>) dst(%dma_wait3A_156 : memref<32x1024xf32, #tpu.memory_space<hbm>>)
    %dma_start3A_157 = arith.constant 256 : i32
    %dma_start3A_158 = tpu.memref_slice %arg5[%dma_start3A_157] : memref<384xi32, #tpu.memory_space<vmem>> -> memref<32xi32, #tpu.memory_space<vmem>>
    %dma_start3A_159 = arith.constant 0 : i32
    %dma_start3A_160 = arith.constant 0 : i32
    %dma_start3A_161 = tpu.memref_slice %arg2[%dma_start3A_159, %dma_start3A_160] : memref<4096x1024xf32, #tpu.memory_space<hbm>> -> memref<4096x1024xf32, #tpu.memory_space<hbm>>
    tpu.enqueue_indirect_dma source(%dma_start3A_161 : memref<4096x1024xf32, #tpu.memory_space<hbm>>) target(%arg6 : memref<32x1024xf32, #tpu.memory_space<vmem>>) offsets(%dma_start3A_158 : memref<32xi32, #tpu.memory_space<vmem>>) semaphore(%arg8 : memref<!tpu.dma_semaphore, #tpu.memory_space<semaphore_mem>>)
    %dma_wait3A_162 = arith.constant 256 : i32
    %dma_wait3A_163 = tpu.memref_slice %arg5[%dma_wait3A_162] : memref<384xi32, #tpu.memory_space<vmem>> -> memref<32xi32, #tpu.memory_space<vmem>>
    %dma_wait3A_164 = arith.constant 0 : i32
    %dma_wait3A_165 = arith.constant 0 : i32
    %dma_wait3A_166 = tpu.memref_slice %arg2[%dma_wait3A_164, %dma_wait3A_165] : memref<4096x1024xf32, #tpu.memory_space<hbm>> -> memref<4096x1024xf32, #tpu.memory_space<hbm>>
    tpu.wait_indirect_dma semaphore(%arg8 : memref<!tpu.dma_semaphore, #tpu.memory_space<semaphore_mem>>) src(%dma_wait3A_166 : memref<4096x1024xf32, #tpu.memory_space<hbm>>) dst(%arg6 : memref<32x1024xf32, #tpu.memory_space<vmem>>)
    %add3A_167 = arith.constant 256 : i32
    %add3A_168 = arith.addi %mul3A_2, %add3A_167 : i32
    %dma_start3A_169 = arith.constant 0 : i32
    %dma_start3A_170 = tpu.memref_slice %arg4[%add3A_168, %dma_start3A_169] : memref<12288x1024xf32, #tpu.memory_space<hbm>> -> memref<32x1024xf32, #tpu.memory_space<hbm>>
    %dma_start3A_171 = arith.constant 0 : i32
    %dma_start3A_172 = tpu.memref_slice %arg4[%add3A_168, %dma_start3A_171] : memref<12288x1024xf32, #tpu.memory_space<hbm>> -> memref<32x1024xf32, #tpu.memory_space<hbm>>
    tpu.enqueue_dma source(%arg6 : memref<32x1024xf32, #tpu.memory_space<vmem>>) target(%dma_start3A_172 : memref<32x1024xf32, #tpu.memory_space<hbm>>) target_semaphore(%arg9 : memref<!tpu.dma_semaphore, #tpu.memory_space<semaphore_mem>>)
    %dma_wait3A_173 = arith.constant 0 : i32
    %dma_wait3A_174 = tpu.memref_slice %arg4[%add3A_148, %dma_wait3A_173] : memref<12288x1024xf32, #tpu.memory_space<hbm>> -> memref<32x1024xf32, #tpu.memory_space<hbm>>
    %dma_wait3A_175 = arith.constant 0 : i32
    %dma_wait3A_176 = tpu.memref_slice %arg4[%add3A_148, %dma_wait3A_175] : memref<12288x1024xf32, #tpu.memory_space<hbm>> -> memref<32x1024xf32, #tpu.memory_space<hbm>>
    tpu.wait_dma2 semaphore(%arg9 : memref<!tpu.dma_semaphore, #tpu.memory_space<semaphore_mem>>) src(%arg7 : memref<32x1024xf32, #tpu.memory_space<vmem>>) dst(%dma_wait3A_176 : memref<32x1024xf32, #tpu.memory_space<hbm>>)
    %dma_start3A_177 = arith.constant 288 : i32
    %dma_start3A_178 = tpu.memref_slice %arg5[%dma_start3A_177] : memref<384xi32, #tpu.memory_space<vmem>> -> memref<32xi32, #tpu.memory_space<vmem>>
    %dma_start3A_179 = arith.constant 0 : i32
    %dma_start3A_180 = arith.constant 0 : i32
    %dma_start3A_181 = tpu.memref_slice %arg2[%dma_start3A_179, %dma_start3A_180] : memref<4096x1024xf32, #tpu.memory_space<hbm>> -> memref<4096x1024xf32, #tpu.memory_space<hbm>>
    tpu.enqueue_indirect_dma source(%dma_start3A_181 : memref<4096x1024xf32, #tpu.memory_space<hbm>>) target(%arg7 : memref<32x1024xf32, #tpu.memory_space<vmem>>) offsets(%dma_start3A_178 : memref<32xi32, #tpu.memory_space<vmem>>) semaphore(%arg8 : memref<!tpu.dma_semaphore, #tpu.memory_space<semaphore_mem>>)
    %dma_wait3A_182 = arith.constant 288 : i32
    %dma_wait3A_183 = tpu.memref_slice %arg5[%dma_wait3A_182] : memref<384xi32, #tpu.memory_space<vmem>> -> memref<32xi32, #tpu.memory_space<vmem>>
    %dma_wait3A_184 = arith.constant 0 : i32
    %dma_wait3A_185 = arith.constant 0 : i32
    %dma_wait3A_186 = tpu.memref_slice %arg2[%dma_wait3A_184, %dma_wait3A_185] : memref<4096x1024xf32, #tpu.memory_space<hbm>> -> memref<4096x1024xf32, #tpu.memory_space<hbm>>
    tpu.wait_indirect_dma semaphore(%arg8 : memref<!tpu.dma_semaphore, #tpu.memory_space<semaphore_mem>>) src(%dma_wait3A_186 : memref<4096x1024xf32, #tpu.memory_space<hbm>>) dst(%arg7 : memref<32x1024xf32, #tpu.memory_space<vmem>>)
    %add3A_187 = arith.constant 288 : i32
    %add3A_188 = arith.addi %mul3A_2, %add3A_187 : i32
    %dma_start3A_189 = arith.constant 0 : i32
    %dma_start3A_190 = tpu.memref_slice %arg4[%add3A_188, %dma_start3A_189] : memref<12288x1024xf32, #tpu.memory_space<hbm>> -> memref<32x1024xf32, #tpu.memory_space<hbm>>
    %dma_start3A_191 = arith.constant 0 : i32
    %dma_start3A_192 = tpu.memref_slice %arg4[%add3A_188, %dma_start3A_191] : memref<12288x1024xf32, #tpu.memory_space<hbm>> -> memref<32x1024xf32, #tpu.memory_space<hbm>>
    tpu.enqueue_dma source(%arg7 : memref<32x1024xf32, #tpu.memory_space<vmem>>) target(%dma_start3A_192 : memref<32x1024xf32, #tpu.memory_space<hbm>>) target_semaphore(%arg9 : memref<!tpu.dma_semaphore, #tpu.memory_space<semaphore_mem>>)
    %dma_wait3A_193 = arith.constant 0 : i32
    %dma_wait3A_194 = tpu.memref_slice %arg4[%add3A_168, %dma_wait3A_193] : memref<12288x1024xf32, #tpu.memory_space<hbm>> -> memref<32x1024xf32, #tpu.memory_space<hbm>>
    %dma_wait3A_195 = arith.constant 0 : i32
    %dma_wait3A_196 = tpu.memref_slice %arg4[%add3A_168, %dma_wait3A_195] : memref<12288x1024xf32, #tpu.memory_space<hbm>> -> memref<32x1024xf32, #tpu.memory_space<hbm>>
    tpu.wait_dma2 semaphore(%arg9 : memref<!tpu.dma_semaphore, #tpu.memory_space<semaphore_mem>>) src(%arg6 : memref<32x1024xf32, #tpu.memory_space<vmem>>) dst(%dma_wait3A_196 : memref<32x1024xf32, #tpu.memory_space<hbm>>)
    %dma_start3A_197 = arith.constant 320 : i32
    %dma_start3A_198 = tpu.memref_slice %arg5[%dma_start3A_197] : memref<384xi32, #tpu.memory_space<vmem>> -> memref<32xi32, #tpu.memory_space<vmem>>
    %dma_start3A_199 = arith.constant 0 : i32
    %dma_start3A_200 = arith.constant 0 : i32
    %dma_start3A_201 = tpu.memref_slice %arg2[%dma_start3A_199, %dma_start3A_200] : memref<4096x1024xf32, #tpu.memory_space<hbm>> -> memref<4096x1024xf32, #tpu.memory_space<hbm>>
    tpu.enqueue_indirect_dma source(%dma_start3A_201 : memref<4096x1024xf32, #tpu.memory_space<hbm>>) target(%arg6 : memref<32x1024xf32, #tpu.memory_space<vmem>>) offsets(%dma_start3A_198 : memref<32xi32, #tpu.memory_space<vmem>>) semaphore(%arg8 : memref<!tpu.dma_semaphore, #tpu.memory_space<semaphore_mem>>)
    %dma_wait3A_202 = arith.constant 320 : i32
    %dma_wait3A_203 = tpu.memref_slice %arg5[%dma_wait3A_202] : memref<384xi32, #tpu.memory_space<vmem>> -> memref<32xi32, #tpu.memory_space<vmem>>
    %dma_wait3A_204 = arith.constant 0 : i32
    %dma_wait3A_205 = arith.constant 0 : i32
    %dma_wait3A_206 = tpu.memref_slice %arg2[%dma_wait3A_204, %dma_wait3A_205] : memref<4096x1024xf32, #tpu.memory_space<hbm>> -> memref<4096x1024xf32, #tpu.memory_space<hbm>>
    tpu.wait_indirect_dma semaphore(%arg8 : memref<!tpu.dma_semaphore, #tpu.memory_space<semaphore_mem>>) src(%dma_wait3A_206 : memref<4096x1024xf32, #tpu.memory_space<hbm>>) dst(%arg6 : memref<32x1024xf32, #tpu.memory_space<vmem>>)
    %add3A_207 = arith.constant 320 : i32
    %add3A_208 = arith.addi %mul3A_2, %add3A_207 : i32
    %dma_start3A_209 = arith.constant 0 : i32
    %dma_start3A_210 = tpu.memref_slice %arg4[%add3A_208, %dma_start3A_209] : memref<12288x1024xf32, #tpu.memory_space<hbm>> -> memref<32x1024xf32, #tpu.memory_space<hbm>>
    %dma_start3A_211 = arith.constant 0 : i32
    %dma_start3A_212 = tpu.memref_slice %arg4[%add3A_208, %dma_start3A_211] : memref<12288x1024xf32, #tpu.memory_space<hbm>> -> memref<32x1024xf32, #tpu.memory_space<hbm>>
    tpu.enqueue_dma source(%arg6 : memref<32x1024xf32, #tpu.memory_space<vmem>>) target(%dma_start3A_212 : memref<32x1024xf32, #tpu.memory_space<hbm>>) target_semaphore(%arg9 : memref<!tpu.dma_semaphore, #tpu.memory_space<semaphore_mem>>)
    %dma_wait3A_213 = arith.constant 0 : i32
    %dma_wait3A_214 = tpu.memref_slice %arg4[%add3A_188, %dma_wait3A_213] : memref<12288x1024xf32, #tpu.memory_space<hbm>> -> memref<32x1024xf32, #tpu.memory_space<hbm>>
    %dma_wait3A_215 = arith.constant 0 : i32
    %dma_wait3A_216 = tpu.memref_slice %arg4[%add3A_188, %dma_wait3A_215] : memref<12288x1024xf32, #tpu.memory_space<hbm>> -> memref<32x1024xf32, #tpu.memory_space<hbm>>
    tpu.wait_dma2 semaphore(%arg9 : memref<!tpu.dma_semaphore, #tpu.memory_space<semaphore_mem>>) src(%arg7 : memref<32x1024xf32, #tpu.memory_space<vmem>>) dst(%dma_wait3A_216 : memref<32x1024xf32, #tpu.memory_space<hbm>>)
    %dma_start3A_217 = arith.constant 352 : i32
    %dma_start3A_218 = tpu.memref_slice %arg5[%dma_start3A_217] : memref<384xi32, #tpu.memory_space<vmem>> -> memref<32xi32, #tpu.memory_space<vmem>>
    %dma_start3A_219 = arith.constant 0 : i32
    %dma_start3A_220 = arith.constant 0 : i32
    %dma_start3A_221 = tpu.memref_slice %arg2[%dma_start3A_219, %dma_start3A_220] : memref<4096x1024xf32, #tpu.memory_space<hbm>> -> memref<4096x1024xf32, #tpu.memory_space<hbm>>
    tpu.enqueue_indirect_dma source(%dma_start3A_221 : memref<4096x1024xf32, #tpu.memory_space<hbm>>) target(%arg7 : memref<32x1024xf32, #tpu.memory_space<vmem>>) offsets(%dma_start3A_218 : memref<32xi32, #tpu.memory_space<vmem>>) semaphore(%arg8 : memref<!tpu.dma_semaphore, #tpu.memory_space<semaphore_mem>>)
    %dma_wait3A_222 = arith.constant 352 : i32
    %dma_wait3A_223 = tpu.memref_slice %arg5[%dma_wait3A_222] : memref<384xi32, #tpu.memory_space<vmem>> -> memref<32xi32, #tpu.memory_space<vmem>>
    %dma_wait3A_224 = arith.constant 0 : i32
    %dma_wait3A_225 = arith.constant 0 : i32
    %dma_wait3A_226 = tpu.memref_slice %arg2[%dma_wait3A_224, %dma_wait3A_225] : memref<4096x1024xf32, #tpu.memory_space<hbm>> -> memref<4096x1024xf32, #tpu.memory_space<hbm>>
    tpu.wait_indirect_dma semaphore(%arg8 : memref<!tpu.dma_semaphore, #tpu.memory_space<semaphore_mem>>) src(%dma_wait3A_226 : memref<4096x1024xf32, #tpu.memory_space<hbm>>) dst(%arg7 : memref<32x1024xf32, #tpu.memory_space<vmem>>)
    %add3A_227 = arith.constant 352 : i32
    %add3A_228 = arith.addi %mul3A_2, %add3A_227 : i32
    %dma_start3A_229 = arith.constant 0 : i32
    %dma_start3A_230 = tpu.memref_slice %arg4[%add3A_228, %dma_start3A_229] : memref<12288x1024xf32, #tpu.memory_space<hbm>> -> memref<32x1024xf32, #tpu.memory_space<hbm>>
    %dma_start3A_231 = arith.constant 0 : i32
    %dma_start3A_232 = tpu.memref_slice %arg4[%add3A_228, %dma_start3A_231] : memref<12288x1024xf32, #tpu.memory_space<hbm>> -> memref<32x1024xf32, #tpu.memory_space<hbm>>
    tpu.enqueue_dma source(%arg7 : memref<32x1024xf32, #tpu.memory_space<vmem>>) target(%dma_start3A_232 : memref<32x1024xf32, #tpu.memory_space<hbm>>) target_semaphore(%arg9 : memref<!tpu.dma_semaphore, #tpu.memory_space<semaphore_mem>>)
    %dma_wait3A_233 = arith.constant 0 : i32
    %dma_wait3A_234 = tpu.memref_slice %arg4[%add3A_208, %dma_wait3A_233] : memref<12288x1024xf32, #tpu.memory_space<hbm>> -> memref<32x1024xf32, #tpu.memory_space<hbm>>
    %dma_wait3A_235 = arith.constant 0 : i32
    %dma_wait3A_236 = tpu.memref_slice %arg4[%add3A_208, %dma_wait3A_235] : memref<12288x1024xf32, #tpu.memory_space<hbm>> -> memref<32x1024xf32, #tpu.memory_space<hbm>>
    tpu.wait_dma2 semaphore(%arg9 : memref<!tpu.dma_semaphore, #tpu.memory_space<semaphore_mem>>) src(%arg6 : memref<32x1024xf32, #tpu.memory_space<vmem>>) dst(%dma_wait3A_236 : memref<32x1024xf32, #tpu.memory_space<hbm>>)
    %dma_wait3A_237 = arith.constant 0 : i32
    %dma_wait3A_238 = tpu.memref_slice %arg4[%add3A_228, %dma_wait3A_237] : memref<12288x1024xf32, #tpu.memory_space<hbm>> -> memref<32x1024xf32, #tpu.memory_space<hbm>>
    %dma_wait3A_239 = arith.constant 0 : i32
    %dma_wait3A_240 = tpu.memref_slice %arg4[%add3A_228, %dma_wait3A_239] : memref<12288x1024xf32, #tpu.memory_space<hbm>> -> memref<32x1024xf32, #tpu.memory_space<hbm>>
    tpu.wait_dma2 semaphore(%arg9 : memref<!tpu.dma_semaphore, #tpu.memory_space<semaphore_mem>>) src(%arg7 : memref<32x1024xf32, #tpu.memory_space<vmem>>) dst(%dma_wait3A_240 : memref<32x1024xf32, #tpu.memory_space<hbm>>)
    return
  }
}

module attributes {stable_mosaic.version = 14 : i64} {
  func.func @_route_kernel(%arg0: i32, %arg1: memref<256x1024xf32, #tpu.memory_space<vmem>>, %arg2: memref<1024x1024xf32, #tpu.memory_space<vmem>>, %arg3: memref<1x1024xf32, #tpu.memory_space<vmem>>, %arg4: memref<256x1xi32, #tpu.memory_space<vmem>>, %arg5: memref<256x1xi32, #tpu.memory_space<vmem>>, %arg6: memref<1x128xf32, #tpu.memory_space<vmem>>) attributes {dimension_semantics = [#tpu.dimension_semantics<arbitrary>], iteration_bounds = array<i64: 16>, scalar_prefetch = 0 : i64, scratch_operands = 0 : i64, tpu.core_type = #tpu.core_type<tc>, window_params = [{transform_indices = @transform_0, window_bounds = array<i64: 256, 1024>}, {pipeline_mode = #tpu.pipeline_mode<synchronous>, transform_indices = @transform_1, window_bounds = array<i64: 1024, 1024>}, {pipeline_mode = #tpu.pipeline_mode<synchronous>, transform_indices = @transform_2, window_bounds = array<i64: 1, 1024>}, {transform_indices = @transform_3, window_bounds = array<i64: 256, 1>}, {transform_indices = @transform_4, window_bounds = array<i64: 256, 1>}, {pipeline_mode = #tpu.pipeline_mode<synchronous>, transform_indices = @transform_5, window_bounds = array<i64: 1, 128>}]} {
    %get3A = arith.constant 0 : index
    %get3A_0 = arith.constant 0 : index
    %get3A_1 = vector.load %arg1[%get3A, %get3A_0] : memref<256x1024xf32, #tpu.memory_space<vmem>>, vector<256x1024xf32>
    %get3A_2 = arith.constant 0 : index
    %get3A_3 = arith.constant 0 : index
    %get3A_4 = vector.load %arg2[%get3A_2, %get3A_3] : memref<1024x1024xf32, #tpu.memory_space<vmem>>, vector<1024x1024xf32>
    %dot_general3A = arith.constant dense<0.000000e+00> : vector<256x1024xf32>
    %dot_general3A_5 = tpu.matmul %get3A_1, %get3A_4, %dot_general3A {dimension_numbers = #tpu.dot_dimension_numbers<[1], [0], [0], [1], [0, 0, 1, 1], [], []>, precision = #tpu.contract_precision<fp32>, transpose_lhs_hint = false} : vector<256x1024xf32>, vector<1024x1024xf32>, vector<256x1024xf32> -> vector<256x1024xf32>
    %get3A_6 = arith.constant 0 : index
    %get3A_7 = arith.constant 0 : index
    %get3A_8 = vector.load %arg3[%get3A_6, %get3A_7] : memref<1x1024xf32, #tpu.memory_space<vmem>>, vector<1x1024xf32>
    %add3A = vector.broadcast %get3A_8 : vector<1x1024xf32> to vector<256x1024xf32>
    %add3A_9 = arith.addf %dot_general3A_5, %add3A : vector<256x1024xf32>
    %broadcast_in_dim3A = arith.constant 0 : i32
    %broadcast_in_dim3A_10 = vector.broadcast %broadcast_in_dim3A : i32 to vector<256x1xi32>
    %iota3A = tpu.iota {dimensions = array<i32: 1>} : vector<256x1024xi32>
    %eq3A = vector.broadcast %broadcast_in_dim3A_10 : vector<256x1xi32> to vector<256x1024xi32>
    %eq3A_11 = arith.cmpi eq, %iota3A, %eq3A : vector<256x1024xi32>
    %jit3A = arith.constant 0.000000e+00 : f32
    %broadcast_in_dim3A_12 = vector.broadcast %jit3A : f32 to vector<256x1024xf32>
    %select_n3A = arith.select %eq3A_11, %add3A_9, %broadcast_in_dim3A_12 : vector<256x1024xi1>, vector<256x1024xf32>
    %reduce_sum3A = arith.constant dense<0.000000e+00> : vector<256xf32>
    %reduce_sum3A_13 = vector.multi_reduction <add>, %select_n3A, %reduce_sum3A [1] : vector<256x1024xf32> to vector<256xf32>
    %broadcast_in_dim3A_14 = vector.shape_cast %reduce_sum3A_13 : vector<256xf32> to vector<256x1xf32>
    %ge3A = arith.constant 0.000000e+00 : f32
    %ge3A_15 = vector.broadcast %ge3A : f32 to vector<256x1xf32>
    %ge3A_16 = arith.cmpf oge, %broadcast_in_dim3A_14, %ge3A_15 : vector<256x1xf32>
    %convert_element_type3A = arith.extui %ge3A_16 : vector<256x1xi1> to vector<256x1xi32>
    %mul3A = arith.constant 2 : i32
    %mul3A_17 = vector.broadcast %mul3A : i32 to vector<256x1xi32>
    %mul3A_18 = arith.muli %mul3A_17, %broadcast_in_dim3A_10 : vector<256x1xi32>
    %add3A_19 = arith.constant 1 : i32
    %add3A_20 = vector.broadcast %add3A_19 : i32 to vector<256x1xi32>
    %add3A_21 = arith.addi %mul3A_18, %add3A_20 : vector<256x1xi32>
    %add3A_22 = arith.addi %add3A_21, %convert_element_type3A : vector<256x1xi32>
    %eq3A_23 = vector.broadcast %add3A_22 : vector<256x1xi32> to vector<256x1024xi32>
    %eq3A_24 = arith.cmpi eq, %iota3A, %eq3A_23 : vector<256x1024xi32>
    %jit3A_25 = arith.constant 0.000000e+00 : f32
    %broadcast_in_dim3A_26 = vector.broadcast %jit3A_25 : f32 to vector<256x1024xf32>
    %select_n3A_27 = arith.select %eq3A_24, %add3A_9, %broadcast_in_dim3A_26 : vector<256x1024xi1>, vector<256x1024xf32>
    %reduce_sum3A_28 = arith.constant dense<0.000000e+00> : vector<256xf32>
    %reduce_sum3A_29 = vector.multi_reduction <add>, %select_n3A_27, %reduce_sum3A_28 [1] : vector<256x1024xf32> to vector<256xf32>
    %broadcast_in_dim3A_30 = vector.shape_cast %reduce_sum3A_29 : vector<256xf32> to vector<256x1xf32>
    %ge3A_31 = arith.constant 0.000000e+00 : f32
    %ge3A_32 = vector.broadcast %ge3A_31 : f32 to vector<256x1xf32>
    %ge3A_33 = arith.cmpf oge, %broadcast_in_dim3A_30, %ge3A_32 : vector<256x1xf32>
    %convert_element_type3A_34 = arith.extui %ge3A_33 : vector<256x1xi1> to vector<256x1xi32>
    %mul3A_35 = arith.constant 2 : i32
    %mul3A_36 = vector.broadcast %mul3A_35 : i32 to vector<256x1xi32>
    %mul3A_37 = arith.muli %mul3A_36, %add3A_22 : vector<256x1xi32>
    %add3A_38 = arith.constant 1 : i32
    %add3A_39 = vector.broadcast %add3A_38 : i32 to vector<256x1xi32>
    %add3A_40 = arith.addi %mul3A_37, %add3A_39 : vector<256x1xi32>
    %add3A_41 = arith.addi %add3A_40, %convert_element_type3A_34 : vector<256x1xi32>
    %eq3A_42 = vector.broadcast %add3A_41 : vector<256x1xi32> to vector<256x1024xi32>
    %eq3A_43 = arith.cmpi eq, %iota3A, %eq3A_42 : vector<256x1024xi32>
    %jit3A_44 = arith.constant 0.000000e+00 : f32
    %broadcast_in_dim3A_45 = vector.broadcast %jit3A_44 : f32 to vector<256x1024xf32>
    %select_n3A_46 = arith.select %eq3A_43, %add3A_9, %broadcast_in_dim3A_45 : vector<256x1024xi1>, vector<256x1024xf32>
    %reduce_sum3A_47 = arith.constant dense<0.000000e+00> : vector<256xf32>
    %reduce_sum3A_48 = vector.multi_reduction <add>, %select_n3A_46, %reduce_sum3A_47 [1] : vector<256x1024xf32> to vector<256xf32>
    %broadcast_in_dim3A_49 = vector.shape_cast %reduce_sum3A_48 : vector<256xf32> to vector<256x1xf32>
    %ge3A_50 = arith.constant 0.000000e+00 : f32
    %ge3A_51 = vector.broadcast %ge3A_50 : f32 to vector<256x1xf32>
    %ge3A_52 = arith.cmpf oge, %broadcast_in_dim3A_49, %ge3A_51 : vector<256x1xf32>
    %convert_element_type3A_53 = arith.extui %ge3A_52 : vector<256x1xi1> to vector<256x1xi32>
    %mul3A_54 = arith.constant 2 : i32
    %mul3A_55 = vector.broadcast %mul3A_54 : i32 to vector<256x1xi32>
    %mul3A_56 = arith.muli %mul3A_55, %add3A_41 : vector<256x1xi32>
    %add3A_57 = arith.constant 1 : i32
    %add3A_58 = vector.broadcast %add3A_57 : i32 to vector<256x1xi32>
    %add3A_59 = arith.addi %mul3A_56, %add3A_58 : vector<256x1xi32>
    %add3A_60 = arith.addi %add3A_59, %convert_element_type3A_53 : vector<256x1xi32>
    %eq3A_61 = vector.broadcast %add3A_60 : vector<256x1xi32> to vector<256x1024xi32>
    %eq3A_62 = arith.cmpi eq, %iota3A, %eq3A_61 : vector<256x1024xi32>
    %jit3A_63 = arith.constant 0.000000e+00 : f32
    %broadcast_in_dim3A_64 = vector.broadcast %jit3A_63 : f32 to vector<256x1024xf32>
    %select_n3A_65 = arith.select %eq3A_62, %add3A_9, %broadcast_in_dim3A_64 : vector<256x1024xi1>, vector<256x1024xf32>
    %reduce_sum3A_66 = arith.constant dense<0.000000e+00> : vector<256xf32>
    %reduce_sum3A_67 = vector.multi_reduction <add>, %select_n3A_65, %reduce_sum3A_66 [1] : vector<256x1024xf32> to vector<256xf32>
    %broadcast_in_dim3A_68 = vector.shape_cast %reduce_sum3A_67 : vector<256xf32> to vector<256x1xf32>
    %ge3A_69 = arith.constant 0.000000e+00 : f32
    %ge3A_70 = vector.broadcast %ge3A_69 : f32 to vector<256x1xf32>
    %ge3A_71 = arith.cmpf oge, %broadcast_in_dim3A_68, %ge3A_70 : vector<256x1xf32>
    %convert_element_type3A_72 = arith.extui %ge3A_71 : vector<256x1xi1> to vector<256x1xi32>
    %mul3A_73 = arith.constant 2 : i32
    %mul3A_74 = vector.broadcast %mul3A_73 : i32 to vector<256x1xi32>
    %mul3A_75 = arith.muli %mul3A_74, %add3A_60 : vector<256x1xi32>
    %add3A_76 = arith.constant 1 : i32
    %add3A_77 = vector.broadcast %add3A_76 : i32 to vector<256x1xi32>
    %add3A_78 = arith.addi %mul3A_75, %add3A_77 : vector<256x1xi32>
    %add3A_79 = arith.addi %add3A_78, %convert_element_type3A_72 : vector<256x1xi32>
    %eq3A_80 = vector.broadcast %add3A_79 : vector<256x1xi32> to vector<256x1024xi32>
    %eq3A_81 = arith.cmpi eq, %iota3A, %eq3A_80 : vector<256x1024xi32>
    %jit3A_82 = arith.constant 0.000000e+00 : f32
    %broadcast_in_dim3A_83 = vector.broadcast %jit3A_82 : f32 to vector<256x1024xf32>
    %select_n3A_84 = arith.select %eq3A_81, %add3A_9, %broadcast_in_dim3A_83 : vector<256x1024xi1>, vector<256x1024xf32>
    %reduce_sum3A_85 = arith.constant dense<0.000000e+00> : vector<256xf32>
    %reduce_sum3A_86 = vector.multi_reduction <add>, %select_n3A_84, %reduce_sum3A_85 [1] : vector<256x1024xf32> to vector<256xf32>
    %broadcast_in_dim3A_87 = vector.shape_cast %reduce_sum3A_86 : vector<256xf32> to vector<256x1xf32>
    %ge3A_88 = arith.constant 0.000000e+00 : f32
    %ge3A_89 = vector.broadcast %ge3A_88 : f32 to vector<256x1xf32>
    %ge3A_90 = arith.cmpf oge, %broadcast_in_dim3A_87, %ge3A_89 : vector<256x1xf32>
    %convert_element_type3A_91 = arith.extui %ge3A_90 : vector<256x1xi1> to vector<256x1xi32>
    %mul3A_92 = arith.constant 2 : i32
    %mul3A_93 = vector.broadcast %mul3A_92 : i32 to vector<256x1xi32>
    %mul3A_94 = arith.muli %mul3A_93, %add3A_79 : vector<256x1xi32>
    %add3A_95 = arith.constant 1 : i32
    %add3A_96 = vector.broadcast %add3A_95 : i32 to vector<256x1xi32>
    %add3A_97 = arith.addi %mul3A_94, %add3A_96 : vector<256x1xi32>
    %add3A_98 = arith.addi %add3A_97, %convert_element_type3A_91 : vector<256x1xi32>
    %eq3A_99 = vector.broadcast %add3A_98 : vector<256x1xi32> to vector<256x1024xi32>
    %eq3A_100 = arith.cmpi eq, %iota3A, %eq3A_99 : vector<256x1024xi32>
    %jit3A_101 = arith.constant 0.000000e+00 : f32
    %broadcast_in_dim3A_102 = vector.broadcast %jit3A_101 : f32 to vector<256x1024xf32>
    %select_n3A_103 = arith.select %eq3A_100, %add3A_9, %broadcast_in_dim3A_102 : vector<256x1024xi1>, vector<256x1024xf32>
    %reduce_sum3A_104 = arith.constant dense<0.000000e+00> : vector<256xf32>
    %reduce_sum3A_105 = vector.multi_reduction <add>, %select_n3A_103, %reduce_sum3A_104 [1] : vector<256x1024xf32> to vector<256xf32>
    %broadcast_in_dim3A_106 = vector.shape_cast %reduce_sum3A_105 : vector<256xf32> to vector<256x1xf32>
    %ge3A_107 = arith.constant 0.000000e+00 : f32
    %ge3A_108 = vector.broadcast %ge3A_107 : f32 to vector<256x1xf32>
    %ge3A_109 = arith.cmpf oge, %broadcast_in_dim3A_106, %ge3A_108 : vector<256x1xf32>
    %convert_element_type3A_110 = arith.extui %ge3A_109 : vector<256x1xi1> to vector<256x1xi32>
    %mul3A_111 = arith.constant 2 : i32
    %mul3A_112 = vector.broadcast %mul3A_111 : i32 to vector<256x1xi32>
    %mul3A_113 = arith.muli %mul3A_112, %add3A_98 : vector<256x1xi32>
    %add3A_114 = arith.constant 1 : i32
    %add3A_115 = vector.broadcast %add3A_114 : i32 to vector<256x1xi32>
    %add3A_116 = arith.addi %mul3A_113, %add3A_115 : vector<256x1xi32>
    %add3A_117 = arith.addi %add3A_116, %convert_element_type3A_110 : vector<256x1xi32>
    %eq3A_118 = vector.broadcast %add3A_117 : vector<256x1xi32> to vector<256x1024xi32>
    %eq3A_119 = arith.cmpi eq, %iota3A, %eq3A_118 : vector<256x1024xi32>
    %jit3A_120 = arith.constant 0.000000e+00 : f32
    %broadcast_in_dim3A_121 = vector.broadcast %jit3A_120 : f32 to vector<256x1024xf32>
    %select_n3A_122 = arith.select %eq3A_119, %add3A_9, %broadcast_in_dim3A_121 : vector<256x1024xi1>, vector<256x1024xf32>
    %reduce_sum3A_123 = arith.constant dense<0.000000e+00> : vector<256xf32>
    %reduce_sum3A_124 = vector.multi_reduction <add>, %select_n3A_122, %reduce_sum3A_123 [1] : vector<256x1024xf32> to vector<256xf32>
    %broadcast_in_dim3A_125 = vector.shape_cast %reduce_sum3A_124 : vector<256xf32> to vector<256x1xf32>
    %ge3A_126 = arith.constant 0.000000e+00 : f32
    %ge3A_127 = vector.broadcast %ge3A_126 : f32 to vector<256x1xf32>
    %ge3A_128 = arith.cmpf oge, %broadcast_in_dim3A_125, %ge3A_127 : vector<256x1xf32>
    %convert_element_type3A_129 = arith.extui %ge3A_128 : vector<256x1xi1> to vector<256x1xi32>
    %mul3A_130 = arith.constant 2 : i32
    %mul3A_131 = vector.broadcast %mul3A_130 : i32 to vector<256x1xi32>
    %mul3A_132 = arith.muli %mul3A_131, %add3A_117 : vector<256x1xi32>
    %add3A_133 = arith.constant 1 : i32
    %add3A_134 = vector.broadcast %add3A_133 : i32 to vector<256x1xi32>
    %add3A_135 = arith.addi %mul3A_132, %add3A_134 : vector<256x1xi32>
    %add3A_136 = arith.addi %add3A_135, %convert_element_type3A_129 : vector<256x1xi32>
    %eq3A_137 = vector.broadcast %add3A_136 : vector<256x1xi32> to vector<256x1024xi32>
    %eq3A_138 = arith.cmpi eq, %iota3A, %eq3A_137 : vector<256x1024xi32>
    %jit3A_139 = arith.constant 0.000000e+00 : f32
    %broadcast_in_dim3A_140 = vector.broadcast %jit3A_139 : f32 to vector<256x1024xf32>
    %select_n3A_141 = arith.select %eq3A_138, %add3A_9, %broadcast_in_dim3A_140 : vector<256x1024xi1>, vector<256x1024xf32>
    %reduce_sum3A_142 = arith.constant dense<0.000000e+00> : vector<256xf32>
    %reduce_sum3A_143 = vector.multi_reduction <add>, %select_n3A_141, %reduce_sum3A_142 [1] : vector<256x1024xf32> to vector<256xf32>
    %broadcast_in_dim3A_144 = vector.shape_cast %reduce_sum3A_143 : vector<256xf32> to vector<256x1xf32>
    %ge3A_145 = arith.constant 0.000000e+00 : f32
    %ge3A_146 = vector.broadcast %ge3A_145 : f32 to vector<256x1xf32>
    %ge3A_147 = arith.cmpf oge, %broadcast_in_dim3A_144, %ge3A_146 : vector<256x1xf32>
    %convert_element_type3A_148 = arith.extui %ge3A_147 : vector<256x1xi1> to vector<256x1xi32>
    %mul3A_149 = arith.constant 2 : i32
    %mul3A_150 = vector.broadcast %mul3A_149 : i32 to vector<256x1xi32>
    %mul3A_151 = arith.muli %mul3A_150, %add3A_136 : vector<256x1xi32>
    %add3A_152 = arith.constant 1 : i32
    %add3A_153 = vector.broadcast %add3A_152 : i32 to vector<256x1xi32>
    %add3A_154 = arith.addi %mul3A_151, %add3A_153 : vector<256x1xi32>
    %add3A_155 = arith.addi %add3A_154, %convert_element_type3A_148 : vector<256x1xi32>
    %eq3A_156 = vector.broadcast %add3A_155 : vector<256x1xi32> to vector<256x1024xi32>
    %eq3A_157 = arith.cmpi eq, %iota3A, %eq3A_156 : vector<256x1024xi32>
    %jit3A_158 = arith.constant 0.000000e+00 : f32
    %broadcast_in_dim3A_159 = vector.broadcast %jit3A_158 : f32 to vector<256x1024xf32>
    %select_n3A_160 = arith.select %eq3A_157, %add3A_9, %broadcast_in_dim3A_159 : vector<256x1024xi1>, vector<256x1024xf32>
    %reduce_sum3A_161 = arith.constant dense<0.000000e+00> : vector<256xf32>
    %reduce_sum3A_162 = vector.multi_reduction <add>, %select_n3A_160, %reduce_sum3A_161 [1] : vector<256x1024xf32> to vector<256xf32>
    %broadcast_in_dim3A_163 = vector.shape_cast %reduce_sum3A_162 : vector<256xf32> to vector<256x1xf32>
    %ge3A_164 = arith.constant 0.000000e+00 : f32
    %ge3A_165 = vector.broadcast %ge3A_164 : f32 to vector<256x1xf32>
    %ge3A_166 = arith.cmpf oge, %broadcast_in_dim3A_163, %ge3A_165 : vector<256x1xf32>
    %convert_element_type3A_167 = arith.extui %ge3A_166 : vector<256x1xi1> to vector<256x1xi32>
    %mul3A_168 = arith.constant 2 : i32
    %mul3A_169 = vector.broadcast %mul3A_168 : i32 to vector<256x1xi32>
    %mul3A_170 = arith.muli %mul3A_169, %add3A_155 : vector<256x1xi32>
    %add3A_171 = arith.constant 1 : i32
    %add3A_172 = vector.broadcast %add3A_171 : i32 to vector<256x1xi32>
    %add3A_173 = arith.addi %mul3A_170, %add3A_172 : vector<256x1xi32>
    %add3A_174 = arith.addi %add3A_173, %convert_element_type3A_167 : vector<256x1xi32>
    %eq3A_175 = vector.broadcast %add3A_174 : vector<256x1xi32> to vector<256x1024xi32>
    %eq3A_176 = arith.cmpi eq, %iota3A, %eq3A_175 : vector<256x1024xi32>
    %jit3A_177 = arith.constant 0.000000e+00 : f32
    %broadcast_in_dim3A_178 = vector.broadcast %jit3A_177 : f32 to vector<256x1024xf32>
    %select_n3A_179 = arith.select %eq3A_176, %add3A_9, %broadcast_in_dim3A_178 : vector<256x1024xi1>, vector<256x1024xf32>
    %reduce_sum3A_180 = arith.constant dense<0.000000e+00> : vector<256xf32>
    %reduce_sum3A_181 = vector.multi_reduction <add>, %select_n3A_179, %reduce_sum3A_180 [1] : vector<256x1024xf32> to vector<256xf32>
    %broadcast_in_dim3A_182 = vector.shape_cast %reduce_sum3A_181 : vector<256xf32> to vector<256x1xf32>
    %ge3A_183 = arith.constant 0.000000e+00 : f32
    %ge3A_184 = vector.broadcast %ge3A_183 : f32 to vector<256x1xf32>
    %ge3A_185 = arith.cmpf oge, %broadcast_in_dim3A_182, %ge3A_184 : vector<256x1xf32>
    %convert_element_type3A_186 = arith.extui %ge3A_185 : vector<256x1xi1> to vector<256x1xi32>
    %mul3A_187 = arith.constant 2 : i32
    %mul3A_188 = vector.broadcast %mul3A_187 : i32 to vector<256x1xi32>
    %mul3A_189 = arith.muli %mul3A_188, %add3A_174 : vector<256x1xi32>
    %add3A_190 = arith.constant 1 : i32
    %add3A_191 = vector.broadcast %add3A_190 : i32 to vector<256x1xi32>
    %add3A_192 = arith.addi %mul3A_189, %add3A_191 : vector<256x1xi32>
    %add3A_193 = arith.addi %add3A_192, %convert_element_type3A_186 : vector<256x1xi32>
    %sub3A = arith.constant 1023 : i32
    %sub3A_194 = vector.broadcast %sub3A : i32 to vector<256x1xi32>
    %sub3A_195 = arith.subi %add3A_193, %sub3A_194 : vector<256x1xi32>
    %swap3A = arith.constant 0 : index
    %swap3A_196 = arith.constant 0 : index
    %swap3A_197 = vector.load %arg4[%swap3A, %swap3A_196] : memref<256x1xi32, #tpu.memory_space<vmem>>, vector<256x1xi32>
    tpu.vector_store %arg4[%swap3A, %swap3A_196], %sub3A_195 {strides = array<i32>} : memref<256x1xi32, #tpu.memory_space<vmem>>, vector<256x1xi32>,
    %jit3A_198 = arith.constant 8 : i32
    %div3A = vector.broadcast %jit3A_198 : i32 to vector<256x1xi32>
    %div3A_199 = arith.divsi %sub3A_195, %div3A : vector<256x1xi32>
    %sign3A = arith.constant 0 : i32
    %sign3A_200 = vector.broadcast %sign3A : i32 to vector<256x1xi32>
    %sign3A_201 = arith.cmpi sgt, %sub3A_195, %sign3A_200 : vector<256x1xi32>
    %sign3A_202 = arith.extui %sign3A_201 : vector<256x1xi1> to vector<256x1xi32>
    %sign3A_203 = arith.constant 0 : i32
    %sign3A_204 = vector.broadcast %sign3A_203 : i32 to vector<256x1xi32>
    %sign3A_205 = arith.cmpi slt, %sub3A_195, %sign3A_204 : vector<256x1xi32>
    %sign3A_206 = arith.extui %sign3A_205 : vector<256x1xi1> to vector<256x1xi32>
    %sign3A_207 = arith.subi %sign3A_202, %sign3A_206 : vector<256x1xi32>
    %sign3A_208 = arith.constant 0 : i32
    %sign3A_209 = arith.cmpi sgt, %jit3A_198, %sign3A_208 : i32
    %sign3A_210 = arith.extui %sign3A_209 : i1 to i32
    %sign3A_211 = arith.constant 0 : i32
    %sign3A_212 = arith.cmpi slt, %jit3A_198, %sign3A_211 : i32
    %sign3A_213 = arith.extui %sign3A_212 : i1 to i32
    %sign3A_214 = arith.subi %sign3A_210, %sign3A_213 : i32
    %ne3A = vector.broadcast %sign3A_214 : i32 to vector<256x1xi32>
    %ne3A_215 = arith.cmpi ne, %sign3A_207, %ne3A : vector<256x1xi32>
    %rem3A = vector.broadcast %jit3A_198 : i32 to vector<256x1xi32>
    %rem3A_216 = arith.remsi %sub3A_195, %rem3A : vector<256x1xi32>
    %ne3A_217 = arith.constant 0 : i32
    %ne3A_218 = vector.broadcast %ne3A_217 : i32 to vector<256x1xi32>
    %ne3A_219 = arith.cmpi ne, %rem3A_216, %ne3A_218 : vector<256x1xi32>
    %and3A = arith.andi %ne3A_215, %ne3A_219 : vector<256x1xi1>
    %sub3A_220 = arith.constant 1 : i32
    %sub3A_221 = vector.broadcast %sub3A_220 : i32 to vector<256x1xi32>
    %sub3A_222 = arith.subi %div3A_199, %sub3A_221 : vector<256x1xi32>
    %select_n3A_223 = arith.select %and3A, %sub3A_222, %div3A_199 : vector<256x1xi1>, vector<256x1xi32>
    %iota3A_224 = tpu.iota {dimensions = array<i32: 1>} : vector<256x128xi32>
    %eq3A_225 = vector.broadcast %select_n3A_223 : vector<256x1xi32> to vector<256x128xi32>
    %eq3A_226 = arith.cmpi eq, %iota3A_224, %eq3A_225 : vector<256x128xi32>
    %convert_element_type3A_227 = arith.extui %eq3A_226 : vector<256x128xi1> to vector<256x128xi32>
    %convert_element_type3A_228 = arith.sitofp %convert_element_type3A_227 : vector<256x128xi32> to vector<256x128xf32>
    %eq3A_229 = arith.constant 0 : i32
    %eq3A_230 = arith.cmpi eq, %arg0, %eq3A_229 : i32
    %convert_element_type3A_231 = arith.extui %eq3A_230 : i1 to i32
    %cond3A = arith.constant 0 : i32
    %cond3A_232 = arith.cmpi ne, %convert_element_type3A_231, %cond3A : i32
    scf.if %cond3A_232 {
      %broadcast_in_dim3A_263 = arith.constant 0.000000e+00 : f32
      %broadcast_in_dim3A_264 = vector.broadcast %broadcast_in_dim3A_263 : f32 to vector<1x128xf32>
      %swap3A_265 = arith.constant 0 : index
      %swap3A_266 = arith.constant 0 : index
      %swap3A_267 = vector.load %arg6[%swap3A_265, %swap3A_266] : memref<1x128xf32, #tpu.memory_space<vmem>>, vector<1x128xf32>
      tpu.vector_store %arg6[%swap3A_265, %swap3A_266], %broadcast_in_dim3A_264 {strides = array<i32>} : memref<1x128xf32, #tpu.memory_space<vmem>>, vector<1x128xf32>,
    } else {
    }
    %get3A_233 = arith.constant 0 : index
    %get3A_234 = arith.constant 0 : index
    %get3A_235 = vector.load %arg6[%get3A_233, %get3A_234] : memref<1x128xf32, #tpu.memory_space<vmem>>, vector<1x128xf32>
    %iota3A_236 = tpu.iota {dimensions = array<i32: 0>} : vector<256x256xi32>
    %iota3A_237 = tpu.iota {dimensions = array<i32: 1>} : vector<256x256xi32>
    %lt3A = arith.cmpi slt, %iota3A_237, %iota3A_236 : vector<256x256xi32>
    %convert_element_type3A_238 = arith.extui %lt3A : vector<256x256xi1> to vector<256x256xi32>
    %convert_element_type3A_239 = arith.sitofp %convert_element_type3A_238 : vector<256x256xi32> to vector<256x256xf32>
    %dot_general3A_240 = arith.constant dense<0.000000e+00> : vector<256x128xf32>
    %dot_general3A_241 = tpu.matmul %convert_element_type3A_239, %convert_element_type3A_228, %dot_general3A_240 {dimension_numbers = #tpu.dot_dimension_numbers<[1], [0], [0], [1], [0, 0, 1, 1], [], []>, transpose_lhs_hint = false} : vector<256x256xf32>, vector<256x128xf32>, vector<256x128xf32> -> vector<256x128xf32>
    %mul3A_242 = arith.mulf %dot_general3A_241, %convert_element_type3A_228 : vector<256x128xf32>
    %reduce_sum3A_243 = arith.constant dense<0.000000e+00> : vector<256xf32>
    %reduce_sum3A_244 = vector.multi_reduction <add>, %mul3A_242, %reduce_sum3A_243 [1] : vector<256x128xf32> to vector<256xf32>
    %broadcast_in_dim3A_245 = vector.shape_cast %reduce_sum3A_244 : vector<256xf32> to vector<256x1xf32>
    %mul3A_246 = vector.broadcast %get3A_235 : vector<1x128xf32> to vector<256x128xf32>
    %mul3A_247 = arith.mulf %mul3A_246, %convert_element_type3A_228 : vector<256x128xf32>
    %reduce_sum3A_248 = arith.constant dense<0.000000e+00> : vector<256xf32>
    %reduce_sum3A_249 = vector.multi_reduction <add>, %mul3A_247, %reduce_sum3A_248 [1] : vector<256x128xf32> to vector<256xf32>
    %broadcast_in_dim3A_250 = vector.shape_cast %reduce_sum3A_249 : vector<256xf32> to vector<256x1xf32>
    %add3A_251 = arith.addf %broadcast_in_dim3A_245, %broadcast_in_dim3A_250 : vector<256x1xf32>
    %convert_element_type3A_252 = arith.fptosi %add3A_251 : vector<256x1xf32> to vector<256x1xi32>
    %swap3A_253 = arith.constant 0 : index
    %swap3A_254 = arith.constant 0 : index
    %swap3A_255 = vector.load %arg5[%swap3A_253, %swap3A_254] : memref<256x1xi32, #tpu.memory_space<vmem>>, vector<256x1xi32>
    tpu.vector_store %arg5[%swap3A_253, %swap3A_254], %convert_element_type3A_252 {strides = array<i32>} : memref<256x1xi32, #tpu.memory_space<vmem>>, vector<256x1xi32>,
    %reduce_sum3A_256 = arith.constant dense<0.000000e+00> : vector<128xf32>
    %reduce_sum3A_257 = vector.multi_reduction <add>, %convert_element_type3A_228, %reduce_sum3A_256 [0] : vector<256x128xf32> to vector<128xf32>
    %broadcast_in_dim3A_258 = vector.shape_cast %reduce_sum3A_257 : vector<128xf32> to vector<1x128xf32>
    %add3A_259 = arith.addf %get3A_235, %broadcast_in_dim3A_258 : vector<1x128xf32>
    %swap3A_260 = arith.constant 0 : index
    %swap3A_261 = arith.constant 0 : index
    %swap3A_262 = vector.load %arg6[%swap3A_260, %swap3A_261] : memref<1x128xf32, #tpu.memory_space<vmem>>, vector<1x128xf32>
    tpu.vector_store %arg6[%swap3A_260, %swap3A_261], %add3A_259 {strides = array<i32>} : memref<1x128xf32, #tpu.memory_space<vmem>>, vector<1x128xf32>,
    return
  }
  func.func @transform_0(%arg0: i32) -> (i32, i32) {
    %c0_i32 = arith.constant 0 : i32
    %c0_i32_0 = arith.constant 0 : i32
    return %arg0, %c0_i32 : i32, i32
  }
  func.func @transform_1(%arg0: i32) -> (i32, i32) {
    %c0_i32 = arith.constant 0 : i32
    %c0_i32_0 = arith.constant 0 : i32
    %c0_i32_1 = arith.constant 0 : i32
    return %c0_i32, %c0_i32_0 : i32, i32
  }
  func.func @transform_2(%arg0: i32) -> (i32, i32) {
    %c0_i32 = arith.constant 0 : i32
    %c0_i32_0 = arith.constant 0 : i32
    %c0_i32_1 = arith.constant 0 : i32
    return %c0_i32, %c0_i32_0 : i32, i32
  }
  func.func @transform_3(%arg0: i32) -> (i32, i32) {
    %c0_i32 = arith.constant 0 : i32
    %c0_i32_0 = arith.constant 0 : i32
    return %arg0, %c0_i32 : i32, i32
  }
  func.func @transform_4(%arg0: i32) -> (i32, i32) {
    %c0_i32 = arith.constant 0 : i32
    %c0_i32_0 = arith.constant 0 : i32
    return %arg0, %c0_i32 : i32, i32
  }
  func.func @transform_5(%arg0: i32) -> (i32, i32) {
    %c0_i32 = arith.constant 0 : i32
    %c0_i32_0 = arith.constant 0 : i32
    %c0_i32_1 = arith.constant 0 : i32
    return %c0_i32, %c0_i32_0 : i32, i32
  }
}

module attributes {stable_mosaic.version = 14 : i64} {
  func.func @_ffn_group_kernel(%arg0: i32, %arg1: memref<192xi32, #tpu.memory_space<smem>>, %arg2: memref<64x1024xf32, #tpu.memory_space<vmem>>, %arg3: memref<1x64x8xf32, #tpu.memory_space<vmem>>, %arg4: memref<8x1024x32xf32, #tpu.memory_space<vmem>>, %arg5: memref<1x8x32xf32, #tpu.memory_space<vmem>>, %arg6: memref<8x32x1024xf32, #tpu.memory_space<vmem>>, %arg7: memref<1x8x1024xf32, #tpu.memory_space<vmem>>, %arg8: memref<64x1024xf32, #tpu.memory_space<vmem>>) attributes {dimension_semantics = [#tpu.dimension_semantics<arbitrary>], iteration_bounds = array<i64: 192>, scalar_prefetch = 1 : i64, scratch_operands = 0 : i64, tpu.core_type = #tpu.core_type<tc>, window_params = [{transform_indices = @transform_0, window_bounds = array<i64: 64, 1024>}, {transform_indices = @transform_1, window_bounds = array<i64: 1, 64, 8>}, {transform_indices = @transform_2, window_bounds = array<i64: 8, 1024, 32>}, {transform_indices = @transform_3, window_bounds = array<i64: 1, 8, 32>}, {transform_indices = @transform_4, window_bounds = array<i64: 8, 32, 1024>}, {transform_indices = @transform_5, window_bounds = array<i64: 1, 8, 1024>}, {transform_indices = @transform_6, window_bounds = array<i64: 64, 1024>}]} {
    %get3A = arith.constant 0 : index
    %get3A_0 = arith.constant 0 : index
    %get3A_1 = vector.load %arg2[%get3A, %get3A_0] : memref<64x1024xf32, #tpu.memory_space<vmem>>, vector<64x1024xf32>
    %get3A_2 = arith.constant 0 : index
    %get3A_3 = arith.constant 0 : index
    %get3A_4 = arith.constant 0 : index
    %get3A_5 = vector.load %arg3[%get3A_2, %get3A_3, %get3A_4] : memref<1x64x8xf32, #tpu.memory_space<vmem>>, vector<1x64x8xf32>
    %get3A_6 = vector.shape_cast %get3A_5 : vector<1x64x8xf32> to vector<64x8xf32>
    %get3A_7 = arith.constant 0 : index
    %get3A_8 = arith.constant 0 : index
    %get3A_9 = arith.constant 0 : index
    %get3A_10 = vector.load %arg4[%get3A_7, %get3A_8, %get3A_9] : memref<8x1024x32xf32, #tpu.memory_space<vmem>>, vector<1x1024x32xf32>
    %get3A_11 = vector.shape_cast %get3A_10 : vector<1x1024x32xf32> to vector<1024x32xf32>
    %dot_general3A = arith.constant dense<0.000000e+00> : vector<64x32xf32>
    %dot_general3A_12 = tpu.matmul %get3A_1, %get3A_11, %dot_general3A {dimension_numbers = #tpu.dot_dimension_numbers<[1], [0], [0], [1], [0, 0, 1, 1], [], []>, transpose_lhs_hint = false} : vector<64x1024xf32>, vector<1024x32xf32>, vector<64x32xf32> -> vector<64x32xf32>
    %get3A_13 = arith.constant 0 : index
    %get3A_14 = arith.constant 0 : index
    %get3A_15 = arith.constant 0 : index
    %get3A_16 = vector.load %arg5[%get3A_13, %get3A_14, %get3A_15] : memref<1x8x32xf32, #tpu.memory_space<vmem>>, vector<1x1x32xf32>
    %get3A_17 = vector.shape_cast %get3A_16 : vector<1x1x32xf32> to vector<32xf32>
    %broadcast_in_dim3A = vector.shape_cast %get3A_17 : vector<32xf32> to vector<1x32xf32>
    %add3A = vector.broadcast %broadcast_in_dim3A : vector<1x32xf32> to vector<64x32xf32>
    %add3A_18 = arith.addf %dot_general3A_12, %add3A : vector<64x32xf32>
    %max3A = arith.constant 0.000000e+00 : f32
    %max3A_19 = vector.broadcast %max3A : f32 to vector<64x32xf32>
    %max3A_20 = arith.maximumf %add3A_18, %max3A_19 : vector<64x32xf32>
    %slice3A = vector.extract_strided_slice %get3A_6 {offsets = [0, 0], sizes = [64, 1], strides = [1, 1]} : vector<64x8xf32> to vector<64x1xf32>
    %mul3A = vector.broadcast %slice3A : vector<64x1xf32> to vector<64x32xf32>
    %mul3A_21 = arith.mulf %max3A_20, %mul3A : vector<64x32xf32>
    %get3A_22 = arith.constant 1 : index
    %get3A_23 = arith.constant 0 : index
    %get3A_24 = arith.constant 0 : index
    %get3A_25 = vector.load %arg4[%get3A_22, %get3A_23, %get3A_24] : memref<8x1024x32xf32, #tpu.memory_space<vmem>>, vector<1x1024x32xf32>
    %get3A_26 = vector.shape_cast %get3A_25 : vector<1x1024x32xf32> to vector<1024x32xf32>
    %dot_general3A_27 = arith.constant dense<0.000000e+00> : vector<64x32xf32>
    %dot_general3A_28 = tpu.matmul %get3A_1, %get3A_26, %dot_general3A_27 {dimension_numbers = #tpu.dot_dimension_numbers<[1], [0], [0], [1], [0, 0, 1, 1], [], []>, transpose_lhs_hint = false} : vector<64x1024xf32>, vector<1024x32xf32>, vector<64x32xf32> -> vector<64x32xf32>
    %get3A_29 = arith.constant 0 : index
    %get3A_30 = arith.constant 1 : index
    %get3A_31 = arith.constant 0 : index
    %get3A_32 = vector.load %arg5[%get3A_29, %get3A_30, %get3A_31] : memref<1x8x32xf32, #tpu.memory_space<vmem>>, vector<1x1x32xf32>
    %get3A_33 = vector.shape_cast %get3A_32 : vector<1x1x32xf32> to vector<32xf32>
    %broadcast_in_dim3A_34 = vector.shape_cast %get3A_33 : vector<32xf32> to vector<1x32xf32>
    %add3A_35 = vector.broadcast %broadcast_in_dim3A_34 : vector<1x32xf32> to vector<64x32xf32>
    %add3A_36 = arith.addf %dot_general3A_28, %add3A_35 : vector<64x32xf32>
    %max3A_37 = arith.constant 0.000000e+00 : f32
    %max3A_38 = vector.broadcast %max3A_37 : f32 to vector<64x32xf32>
    %max3A_39 = arith.maximumf %add3A_36, %max3A_38 : vector<64x32xf32>
    %slice3A_40 = vector.extract_strided_slice %get3A_6 {offsets = [0, 1], sizes = [64, 1], strides = [1, 1]} : vector<64x8xf32> to vector<64x1xf32>
    %mul3A_41 = vector.broadcast %slice3A_40 : vector<64x1xf32> to vector<64x32xf32>
    %mul3A_42 = arith.mulf %max3A_39, %mul3A_41 : vector<64x32xf32>
    %get3A_43 = arith.constant 2 : index
    %get3A_44 = arith.constant 0 : index
    %get3A_45 = arith.constant 0 : index
    %get3A_46 = vector.load %arg4[%get3A_43, %get3A_44, %get3A_45] : memref<8x1024x32xf32, #tpu.memory_space<vmem>>, vector<1x1024x32xf32>
    %get3A_47 = vector.shape_cast %get3A_46 : vector<1x1024x32xf32> to vector<1024x32xf32>
    %dot_general3A_48 = arith.constant dense<0.000000e+00> : vector<64x32xf32>
    %dot_general3A_49 = tpu.matmul %get3A_1, %get3A_47, %dot_general3A_48 {dimension_numbers = #tpu.dot_dimension_numbers<[1], [0], [0], [1], [0, 0, 1, 1], [], []>, transpose_lhs_hint = false} : vector<64x1024xf32>, vector<1024x32xf32>, vector<64x32xf32> -> vector<64x32xf32>
    %get3A_50 = arith.constant 0 : index
    %get3A_51 = arith.constant 2 : index
    %get3A_52 = arith.constant 0 : index
    %get3A_53 = vector.load %arg5[%get3A_50, %get3A_51, %get3A_52] : memref<1x8x32xf32, #tpu.memory_space<vmem>>, vector<1x1x32xf32>
    %get3A_54 = vector.shape_cast %get3A_53 : vector<1x1x32xf32> to vector<32xf32>
    %broadcast_in_dim3A_55 = vector.shape_cast %get3A_54 : vector<32xf32> to vector<1x32xf32>
    %add3A_56 = vector.broadcast %broadcast_in_dim3A_55 : vector<1x32xf32> to vector<64x32xf32>
    %add3A_57 = arith.addf %dot_general3A_49, %add3A_56 : vector<64x32xf32>
    %max3A_58 = arith.constant 0.000000e+00 : f32
    %max3A_59 = vector.broadcast %max3A_58 : f32 to vector<64x32xf32>
    %max3A_60 = arith.maximumf %add3A_57, %max3A_59 : vector<64x32xf32>
    %slice3A_61 = vector.extract_strided_slice %get3A_6 {offsets = [0, 2], sizes = [64, 1], strides = [1, 1]} : vector<64x8xf32> to vector<64x1xf32>
    %mul3A_62 = vector.broadcast %slice3A_61 : vector<64x1xf32> to vector<64x32xf32>
    %mul3A_63 = arith.mulf %max3A_60, %mul3A_62 : vector<64x32xf32>
    %get3A_64 = arith.constant 3 : index
    %get3A_65 = arith.constant 0 : index
    %get3A_66 = arith.constant 0 : index
    %get3A_67 = vector.load %arg4[%get3A_64, %get3A_65, %get3A_66] : memref<8x1024x32xf32, #tpu.memory_space<vmem>>, vector<1x1024x32xf32>
    %get3A_68 = vector.shape_cast %get3A_67 : vector<1x1024x32xf32> to vector<1024x32xf32>
    %dot_general3A_69 = arith.constant dense<0.000000e+00> : vector<64x32xf32>
    %dot_general3A_70 = tpu.matmul %get3A_1, %get3A_68, %dot_general3A_69 {dimension_numbers = #tpu.dot_dimension_numbers<[1], [0], [0], [1], [0, 0, 1, 1], [], []>, transpose_lhs_hint = false} : vector<64x1024xf32>, vector<1024x32xf32>, vector<64x32xf32> -> vector<64x32xf32>
    %get3A_71 = arith.constant 0 : index
    %get3A_72 = arith.constant 3 : index
    %get3A_73 = arith.constant 0 : index
    %get3A_74 = vector.load %arg5[%get3A_71, %get3A_72, %get3A_73] : memref<1x8x32xf32, #tpu.memory_space<vmem>>, vector<1x1x32xf32>
    %get3A_75 = vector.shape_cast %get3A_74 : vector<1x1x32xf32> to vector<32xf32>
    %broadcast_in_dim3A_76 = vector.shape_cast %get3A_75 : vector<32xf32> to vector<1x32xf32>
    %add3A_77 = vector.broadcast %broadcast_in_dim3A_76 : vector<1x32xf32> to vector<64x32xf32>
    %add3A_78 = arith.addf %dot_general3A_70, %add3A_77 : vector<64x32xf32>
    %max3A_79 = arith.constant 0.000000e+00 : f32
    %max3A_80 = vector.broadcast %max3A_79 : f32 to vector<64x32xf32>
    %max3A_81 = arith.maximumf %add3A_78, %max3A_80 : vector<64x32xf32>
    %slice3A_82 = vector.extract_strided_slice %get3A_6 {offsets = [0, 3], sizes = [64, 1], strides = [1, 1]} : vector<64x8xf32> to vector<64x1xf32>
    %mul3A_83 = vector.broadcast %slice3A_82 : vector<64x1xf32> to vector<64x32xf32>
    %mul3A_84 = arith.mulf %max3A_81, %mul3A_83 : vector<64x32xf32>
    %get3A_85 = arith.constant 4 : index
    %get3A_86 = arith.constant 0 : index
    %get3A_87 = arith.constant 0 : index
    %get3A_88 = vector.load %arg4[%get3A_85, %get3A_86, %get3A_87] : memref<8x1024x32xf32, #tpu.memory_space<vmem>>, vector<1x1024x32xf32>
    %get3A_89 = vector.shape_cast %get3A_88 : vector<1x1024x32xf32> to vector<1024x32xf32>
    %dot_general3A_90 = arith.constant dense<0.000000e+00> : vector<64x32xf32>
    %dot_general3A_91 = tpu.matmul %get3A_1, %get3A_89, %dot_general3A_90 {dimension_numbers = #tpu.dot_dimension_numbers<[1], [0], [0], [1], [0, 0, 1, 1], [], []>, transpose_lhs_hint = false} : vector<64x1024xf32>, vector<1024x32xf32>, vector<64x32xf32> -> vector<64x32xf32>
    %get3A_92 = arith.constant 0 : index
    %get3A_93 = arith.constant 4 : index
    %get3A_94 = arith.constant 0 : index
    %get3A_95 = vector.load %arg5[%get3A_92, %get3A_93, %get3A_94] : memref<1x8x32xf32, #tpu.memory_space<vmem>>, vector<1x1x32xf32>
    %get3A_96 = vector.shape_cast %get3A_95 : vector<1x1x32xf32> to vector<32xf32>
    %broadcast_in_dim3A_97 = vector.shape_cast %get3A_96 : vector<32xf32> to vector<1x32xf32>
    %add3A_98 = vector.broadcast %broadcast_in_dim3A_97 : vector<1x32xf32> to vector<64x32xf32>
    %add3A_99 = arith.addf %dot_general3A_91, %add3A_98 : vector<64x32xf32>
    %max3A_100 = arith.constant 0.000000e+00 : f32
    %max3A_101 = vector.broadcast %max3A_100 : f32 to vector<64x32xf32>
    %max3A_102 = arith.maximumf %add3A_99, %max3A_101 : vector<64x32xf32>
    %slice3A_103 = vector.extract_strided_slice %get3A_6 {offsets = [0, 4], sizes = [64, 1], strides = [1, 1]} : vector<64x8xf32> to vector<64x1xf32>
    %mul3A_104 = vector.broadcast %slice3A_103 : vector<64x1xf32> to vector<64x32xf32>
    %mul3A_105 = arith.mulf %max3A_102, %mul3A_104 : vector<64x32xf32>
    %get3A_106 = arith.constant 5 : index
    %get3A_107 = arith.constant 0 : index
    %get3A_108 = arith.constant 0 : index
    %get3A_109 = vector.load %arg4[%get3A_106, %get3A_107, %get3A_108] : memref<8x1024x32xf32, #tpu.memory_space<vmem>>, vector<1x1024x32xf32>
    %get3A_110 = vector.shape_cast %get3A_109 : vector<1x1024x32xf32> to vector<1024x32xf32>
    %dot_general3A_111 = arith.constant dense<0.000000e+00> : vector<64x32xf32>
    %dot_general3A_112 = tpu.matmul %get3A_1, %get3A_110, %dot_general3A_111 {dimension_numbers = #tpu.dot_dimension_numbers<[1], [0], [0], [1], [0, 0, 1, 1], [], []>, transpose_lhs_hint = false} : vector<64x1024xf32>, vector<1024x32xf32>, vector<64x32xf32> -> vector<64x32xf32>
    %get3A_113 = arith.constant 0 : index
    %get3A_114 = arith.constant 5 : index
    %get3A_115 = arith.constant 0 : index
    %get3A_116 = vector.load %arg5[%get3A_113, %get3A_114, %get3A_115] : memref<1x8x32xf32, #tpu.memory_space<vmem>>, vector<1x1x32xf32>
    %get3A_117 = vector.shape_cast %get3A_116 : vector<1x1x32xf32> to vector<32xf32>
    %broadcast_in_dim3A_118 = vector.shape_cast %get3A_117 : vector<32xf32> to vector<1x32xf32>
    %add3A_119 = vector.broadcast %broadcast_in_dim3A_118 : vector<1x32xf32> to vector<64x32xf32>
    %add3A_120 = arith.addf %dot_general3A_112, %add3A_119 : vector<64x32xf32>
    %max3A_121 = arith.constant 0.000000e+00 : f32
    %max3A_122 = vector.broadcast %max3A_121 : f32 to vector<64x32xf32>
    %max3A_123 = arith.maximumf %add3A_120, %max3A_122 : vector<64x32xf32>
    %slice3A_124 = vector.extract_strided_slice %get3A_6 {offsets = [0, 5], sizes = [64, 1], strides = [1, 1]} : vector<64x8xf32> to vector<64x1xf32>
    %mul3A_125 = vector.broadcast %slice3A_124 : vector<64x1xf32> to vector<64x32xf32>
    %mul3A_126 = arith.mulf %max3A_123, %mul3A_125 : vector<64x32xf32>
    %get3A_127 = arith.constant 6 : index
    %get3A_128 = arith.constant 0 : index
    %get3A_129 = arith.constant 0 : index
    %get3A_130 = vector.load %arg4[%get3A_127, %get3A_128, %get3A_129] : memref<8x1024x32xf32, #tpu.memory_space<vmem>>, vector<1x1024x32xf32>
    %get3A_131 = vector.shape_cast %get3A_130 : vector<1x1024x32xf32> to vector<1024x32xf32>
    %dot_general3A_132 = arith.constant dense<0.000000e+00> : vector<64x32xf32>
    %dot_general3A_133 = tpu.matmul %get3A_1, %get3A_131, %dot_general3A_132 {dimension_numbers = #tpu.dot_dimension_numbers<[1], [0], [0], [1], [0, 0, 1, 1], [], []>, transpose_lhs_hint = false} : vector<64x1024xf32>, vector<1024x32xf32>, vector<64x32xf32> -> vector<64x32xf32>
    %get3A_134 = arith.constant 0 : index
    %get3A_135 = arith.constant 6 : index
    %get3A_136 = arith.constant 0 : index
    %get3A_137 = vector.load %arg5[%get3A_134, %get3A_135, %get3A_136] : memref<1x8x32xf32, #tpu.memory_space<vmem>>, vector<1x1x32xf32>
    %get3A_138 = vector.shape_cast %get3A_137 : vector<1x1x32xf32> to vector<32xf32>
    %broadcast_in_dim3A_139 = vector.shape_cast %get3A_138 : vector<32xf32> to vector<1x32xf32>
    %add3A_140 = vector.broadcast %broadcast_in_dim3A_139 : vector<1x32xf32> to vector<64x32xf32>
    %add3A_141 = arith.addf %dot_general3A_133, %add3A_140 : vector<64x32xf32>
    %max3A_142 = arith.constant 0.000000e+00 : f32
    %max3A_143 = vector.broadcast %max3A_142 : f32 to vector<64x32xf32>
    %max3A_144 = arith.maximumf %add3A_141, %max3A_143 : vector<64x32xf32>
    %slice3A_145 = vector.extract_strided_slice %get3A_6 {offsets = [0, 6], sizes = [64, 1], strides = [1, 1]} : vector<64x8xf32> to vector<64x1xf32>
    %mul3A_146 = vector.broadcast %slice3A_145 : vector<64x1xf32> to vector<64x32xf32>
    %mul3A_147 = arith.mulf %max3A_144, %mul3A_146 : vector<64x32xf32>
    %get3A_148 = arith.constant 7 : index
    %get3A_149 = arith.constant 0 : index
    %get3A_150 = arith.constant 0 : index
    %get3A_151 = vector.load %arg4[%get3A_148, %get3A_149, %get3A_150] : memref<8x1024x32xf32, #tpu.memory_space<vmem>>, vector<1x1024x32xf32>
    %get3A_152 = vector.shape_cast %get3A_151 : vector<1x1024x32xf32> to vector<1024x32xf32>
    %dot_general3A_153 = arith.constant dense<0.000000e+00> : vector<64x32xf32>
    %dot_general3A_154 = tpu.matmul %get3A_1, %get3A_152, %dot_general3A_153 {dimension_numbers = #tpu.dot_dimension_numbers<[1], [0], [0], [1], [0, 0, 1, 1], [], []>, transpose_lhs_hint = false} : vector<64x1024xf32>, vector<1024x32xf32>, vector<64x32xf32> -> vector<64x32xf32>
    %get3A_155 = arith.constant 0 : index
    %get3A_156 = arith.constant 7 : index
    %get3A_157 = arith.constant 0 : index
    %get3A_158 = vector.load %arg5[%get3A_155, %get3A_156, %get3A_157] : memref<1x8x32xf32, #tpu.memory_space<vmem>>, vector<1x1x32xf32>
    %get3A_159 = vector.shape_cast %get3A_158 : vector<1x1x32xf32> to vector<32xf32>
    %broadcast_in_dim3A_160 = vector.shape_cast %get3A_159 : vector<32xf32> to vector<1x32xf32>
    %add3A_161 = vector.broadcast %broadcast_in_dim3A_160 : vector<1x32xf32> to vector<64x32xf32>
    %add3A_162 = arith.addf %dot_general3A_154, %add3A_161 : vector<64x32xf32>
    %max3A_163 = arith.constant 0.000000e+00 : f32
    %max3A_164 = vector.broadcast %max3A_163 : f32 to vector<64x32xf32>
    %max3A_165 = arith.maximumf %add3A_162, %max3A_164 : vector<64x32xf32>
    %slice3A_166 = vector.extract_strided_slice %get3A_6 {offsets = [0, 7], sizes = [64, 1], strides = [1, 1]} : vector<64x8xf32> to vector<64x1xf32>
    %mul3A_167 = vector.broadcast %slice3A_166 : vector<64x1xf32> to vector<64x32xf32>
    %mul3A_168 = arith.mulf %max3A_165, %mul3A_167 : vector<64x32xf32>
    %get3A_169 = arith.constant 0 : index
    %get3A_170 = arith.constant 0 : index
    %get3A_171 = arith.constant 0 : index
    %get3A_172 = vector.load %arg7[%get3A_169, %get3A_170, %get3A_171] : memref<1x8x1024xf32, #tpu.memory_space<vmem>>, vector<1x8x1024xf32>
    %get3A_173 = vector.shape_cast %get3A_172 : vector<1x8x1024xf32> to vector<8x1024xf32>
    %dot_general3A_174 = arith.constant dense<0.000000e+00> : vector<64x1024xf32>
    %dot_general3A_175 = tpu.matmul %get3A_6, %get3A_173, %dot_general3A_174 {dimension_numbers = #tpu.dot_dimension_numbers<[1], [0], [0], [1], [0, 0, 1, 1], [], []>, transpose_lhs_hint = false} : vector<64x8xf32>, vector<8x1024xf32>, vector<64x1024xf32> -> vector<64x1024xf32>
    %get3A_176 = arith.constant 0 : index
    %get3A_177 = arith.constant 0 : index
    %get3A_178 = arith.constant 0 : index
    %get3A_179 = vector.load %arg6[%get3A_176, %get3A_177, %get3A_178] : memref<8x32x1024xf32, #tpu.memory_space<vmem>>, vector<1x32x1024xf32>
    %get3A_180 = vector.shape_cast %get3A_179 : vector<1x32x1024xf32> to vector<32x1024xf32>
    %dot_general3A_181 = arith.constant dense<0.000000e+00> : vector<64x1024xf32>
    %dot_general3A_182 = tpu.matmul %mul3A_21, %get3A_180, %dot_general3A_181 {dimension_numbers = #tpu.dot_dimension_numbers<[1], [0], [0], [1], [0, 0, 1, 1], [], []>, transpose_lhs_hint = false} : vector<64x32xf32>, vector<32x1024xf32>, vector<64x1024xf32> -> vector<64x1024xf32>
    %get3A_183 = arith.constant 1 : index
    %get3A_184 = arith.constant 0 : index
    %get3A_185 = arith.constant 0 : index
    %get3A_186 = vector.load %arg6[%get3A_183, %get3A_184, %get3A_185] : memref<8x32x1024xf32, #tpu.memory_space<vmem>>, vector<1x32x1024xf32>
    %get3A_187 = vector.shape_cast %get3A_186 : vector<1x32x1024xf32> to vector<32x1024xf32>
    %dot_general3A_188 = arith.constant dense<0.000000e+00> : vector<64x1024xf32>
    %dot_general3A_189 = tpu.matmul %mul3A_42, %get3A_187, %dot_general3A_188 {dimension_numbers = #tpu.dot_dimension_numbers<[1], [0], [0], [1], [0, 0, 1, 1], [], []>, transpose_lhs_hint = false} : vector<64x32xf32>, vector<32x1024xf32>, vector<64x1024xf32> -> vector<64x1024xf32>
    %get3A_190 = arith.constant 2 : index
    %get3A_191 = arith.constant 0 : index
    %get3A_192 = arith.constant 0 : index
    %get3A_193 = vector.load %arg6[%get3A_190, %get3A_191, %get3A_192] : memref<8x32x1024xf32, #tpu.memory_space<vmem>>, vector<1x32x1024xf32>
    %get3A_194 = vector.shape_cast %get3A_193 : vector<1x32x1024xf32> to vector<32x1024xf32>
    %dot_general3A_195 = arith.constant dense<0.000000e+00> : vector<64x1024xf32>
    %dot_general3A_196 = tpu.matmul %mul3A_63, %get3A_194, %dot_general3A_195 {dimension_numbers = #tpu.dot_dimension_numbers<[1], [0], [0], [1], [0, 0, 1, 1], [], []>, transpose_lhs_hint = false} : vector<64x32xf32>, vector<32x1024xf32>, vector<64x1024xf32> -> vector<64x1024xf32>
    %get3A_197 = arith.constant 3 : index
    %get3A_198 = arith.constant 0 : index
    %get3A_199 = arith.constant 0 : index
    %get3A_200 = vector.load %arg6[%get3A_197, %get3A_198, %get3A_199] : memref<8x32x1024xf32, #tpu.memory_space<vmem>>, vector<1x32x1024xf32>
    %get3A_201 = vector.shape_cast %get3A_200 : vector<1x32x1024xf32> to vector<32x1024xf32>
    %dot_general3A_202 = arith.constant dense<0.000000e+00> : vector<64x1024xf32>
    %dot_general3A_203 = tpu.matmul %mul3A_84, %get3A_201, %dot_general3A_202 {dimension_numbers = #tpu.dot_dimension_numbers<[1], [0], [0], [1], [0, 0, 1, 1], [], []>, transpose_lhs_hint = false} : vector<64x32xf32>, vector<32x1024xf32>, vector<64x1024xf32> -> vector<64x1024xf32>
    %get3A_204 = arith.constant 4 : index
    %get3A_205 = arith.constant 0 : index
    %get3A_206 = arith.constant 0 : index
    %get3A_207 = vector.load %arg6[%get3A_204, %get3A_205, %get3A_206] : memref<8x32x1024xf32, #tpu.memory_space<vmem>>, vector<1x32x1024xf32>
    %get3A_208 = vector.shape_cast %get3A_207 : vector<1x32x1024xf32> to vector<32x1024xf32>
    %dot_general3A_209 = arith.constant dense<0.000000e+00> : vector<64x1024xf32>
    %dot_general3A_210 = tpu.matmul %mul3A_105, %get3A_208, %dot_general3A_209 {dimension_numbers = #tpu.dot_dimension_numbers<[1], [0], [0], [1], [0, 0, 1, 1], [], []>, transpose_lhs_hint = false} : vector<64x32xf32>, vector<32x1024xf32>, vector<64x1024xf32> -> vector<64x1024xf32>
    %get3A_211 = arith.constant 5 : index
    %get3A_212 = arith.constant 0 : index
    %get3A_213 = arith.constant 0 : index
    %get3A_214 = vector.load %arg6[%get3A_211, %get3A_212, %get3A_213] : memref<8x32x1024xf32, #tpu.memory_space<vmem>>, vector<1x32x1024xf32>
    %get3A_215 = vector.shape_cast %get3A_214 : vector<1x32x1024xf32> to vector<32x1024xf32>
    %dot_general3A_216 = arith.constant dense<0.000000e+00> : vector<64x1024xf32>
    %dot_general3A_217 = tpu.matmul %mul3A_126, %get3A_215, %dot_general3A_216 {dimension_numbers = #tpu.dot_dimension_numbers<[1], [0], [0], [1], [0, 0, 1, 1], [], []>, transpose_lhs_hint = false} : vector<64x32xf32>, vector<32x1024xf32>, vector<64x1024xf32> -> vector<64x1024xf32>
    %get3A_218 = arith.constant 6 : index
    %get3A_219 = arith.constant 0 : index
    %get3A_220 = arith.constant 0 : index
    %get3A_221 = vector.load %arg6[%get3A_218, %get3A_219, %get3A_220] : memref<8x32x1024xf32, #tpu.memory_space<vmem>>, vector<1x32x1024xf32>
    %get3A_222 = vector.shape_cast %get3A_221 : vector<1x32x1024xf32> to vector<32x1024xf32>
    %dot_general3A_223 = arith.constant dense<0.000000e+00> : vector<64x1024xf32>
    %dot_general3A_224 = tpu.matmul %mul3A_147, %get3A_222, %dot_general3A_223 {dimension_numbers = #tpu.dot_dimension_numbers<[1], [0], [0], [1], [0, 0, 1, 1], [], []>, transpose_lhs_hint = false} : vector<64x32xf32>, vector<32x1024xf32>, vector<64x1024xf32> -> vector<64x1024xf32>
    %get3A_225 = arith.constant 7 : index
    %get3A_226 = arith.constant 0 : index
    %get3A_227 = arith.constant 0 : index
    %get3A_228 = vector.load %arg6[%get3A_225, %get3A_226, %get3A_227] : memref<8x32x1024xf32, #tpu.memory_space<vmem>>, vector<1x32x1024xf32>
    %get3A_229 = vector.shape_cast %get3A_228 : vector<1x32x1024xf32> to vector<32x1024xf32>
    %dot_general3A_230 = arith.constant dense<0.000000e+00> : vector<64x1024xf32>
    %dot_general3A_231 = tpu.matmul %mul3A_168, %get3A_229, %dot_general3A_230 {dimension_numbers = #tpu.dot_dimension_numbers<[1], [0], [0], [1], [0, 0, 1, 1], [], []>, transpose_lhs_hint = false} : vector<64x32xf32>, vector<32x1024xf32>, vector<64x1024xf32> -> vector<64x1024xf32>
    %add3A_232 = arith.addf %dot_general3A_175, %dot_general3A_182 : vector<64x1024xf32>
    %add3A_233 = arith.addf %dot_general3A_189, %dot_general3A_196 : vector<64x1024xf32>
    %add3A_234 = arith.addf %dot_general3A_203, %dot_general3A_210 : vector<64x1024xf32>
    %add3A_235 = arith.addf %dot_general3A_217, %dot_general3A_224 : vector<64x1024xf32>
    %add3A_236 = arith.addf %add3A_232, %add3A_233 : vector<64x1024xf32>
    %add3A_237 = arith.addf %add3A_234, %add3A_235 : vector<64x1024xf32>
    %add3A_238 = arith.addf %add3A_236, %add3A_237 : vector<64x1024xf32>
    %add3A_239 = arith.addf %add3A_238, %dot_general3A_231 : vector<64x1024xf32>
    %swap3A = arith.constant 0 : index
    %swap3A_240 = arith.constant 0 : index
    %swap3A_241 = vector.load %arg8[%swap3A, %swap3A_240] : memref<64x1024xf32, #tpu.memory_space<vmem>>, vector<64x1024xf32>
    tpu.vector_store %arg8[%swap3A, %swap3A_240], %add3A_239 {strides = array<i32>} : memref<64x1024xf32, #tpu.memory_space<vmem>>, vector<64x1024xf32>,
    return
  }
  func.func @transform_0(%arg0: i32, %arg1: memref<192xi32, #tpu.memory_space<smem>>) -> (i32, i32) {
    %c0_i32 = arith.constant 0 : i32
    %c0_i32_0 = arith.constant 0 : i32
    return %arg0, %c0_i32 : i32, i32
  }
  func.func @transform_1(%arg0: i32, %arg1: memref<192xi32, #tpu.memory_space<smem>>) -> (i32, i32, i32) {
    %c0_i32 = arith.constant 0 : i32
    %c0_i32_0 = arith.constant 0 : i32
    %c0_i32_1 = arith.constant 0 : i32
    return %arg0, %c0_i32, %c0_i32_0 : i32, i32, i32
  }
  func.func @transform_2(%arg0: i32, %arg1: memref<192xi32, #tpu.memory_space<smem>>) -> (i32, i32, i32) {
    %get3A = arith.index_cast %arg0 : i32 to index
    %get3A_0 = memref.load %arg1[%get3A] : memref<192xi32, #tpu.memory_space<smem>>
    %c0_i32 = arith.constant 0 : i32
    %c0_i32_1 = arith.constant 0 : i32
    %c0_i32_2 = arith.constant 0 : i32
    return %get3A_0, %c0_i32, %c0_i32_1 : i32, i32, i32
  }
  func.func @transform_3(%arg0: i32, %arg1: memref<192xi32, #tpu.memory_space<smem>>) -> (i32, i32, i32) {
    %get3A = arith.index_cast %arg0 : i32 to index
    %get3A_0 = memref.load %arg1[%get3A] : memref<192xi32, #tpu.memory_space<smem>>
    %c0_i32 = arith.constant 0 : i32
    %c0_i32_1 = arith.constant 0 : i32
    %c0_i32_2 = arith.constant 0 : i32
    return %get3A_0, %c0_i32, %c0_i32_1 : i32, i32, i32
  }
  func.func @transform_4(%arg0: i32, %arg1: memref<192xi32, #tpu.memory_space<smem>>) -> (i32, i32, i32) {
    %get3A = arith.index_cast %arg0 : i32 to index
    %get3A_0 = memref.load %arg1[%get3A] : memref<192xi32, #tpu.memory_space<smem>>
    %c0_i32 = arith.constant 0 : i32
    %c0_i32_1 = arith.constant 0 : i32
    %c0_i32_2 = arith.constant 0 : i32
    return %get3A_0, %c0_i32, %c0_i32_1 : i32, i32, i32
  }
  func.func @transform_5(%arg0: i32, %arg1: memref<192xi32, #tpu.memory_space<smem>>) -> (i32, i32, i32) {
    %get3A = arith.index_cast %arg0 : i32 to index
    %get3A_0 = memref.load %arg1[%get3A] : memref<192xi32, #tpu.memory_space<smem>>
    %c0_i32 = arith.constant 0 : i32
    %c0_i32_1 = arith.constant 0 : i32
    %c0_i32_2 = arith.constant 0 : i32
    return %get3A_0, %c0_i32, %c0_i32_1 : i32, i32, i32
  }
  func.func @transform_6(%arg0: i32, %arg1: memref<192xi32, #tpu.memory_space<smem>>) -> (i32, i32) {
    %c0_i32 = arith.constant 0 : i32
    %c0_i32_0 = arith.constant 0 : i32
    return %arg0, %c0_i32 : i32, i32
  }
}

</mosaic_0001>

<sc_bundles>
// kernel: kernel.6.cloned.1.call-start
scs
__scs_entry_jumppad:
0x0: {  	(pc) =	sbr.rel $0x88, $3  }
0x1: {  	(tag) =	ssettag $0x0;
	lr =	simm.s32 $0x1  }
0x2: {  	[smem:$0x3F9A] =	sst lr;
	_ =	strace $0xD0000000  }
0x3: {  	_ = 	snop  }
0x4: {  	_ = 	snop  }
0x5: {  	_ = 	snop  }
0x6: {  	_ = 	snop  }
0x7: {  	_ = 	snop  }
__scs_overlays_trampoline_lowered:
0x8: {  	[smem:$0x3FA9] =	sst s0  }
0x9: {  	[smem:$0x3FAA] =	sst s1  }
0xa: {  	[smem:$0x3FAB] =	sst s2  }
0xb: {  	[smem:$0x3FAC] =	sst s3  }
0xc: {  	[smem:$0x3FAD] =	sst s4  }
0xd: {  	[smem:$0x3FAE] =	sst s5  }
0xe: {  	[smem:$0x3FAF] =	sst s6  }
0xf: {  	[smem:$0x3FB0] =	sst s7  }
0x10: {  	[smem:$0x3FB1] =	sst s8  }
0x11: {  	[smem:$0x3FB2] =	sst s9;
	s0 =	simm.s32 @!p0 $0x0  }
0x12: {  	s1 =	sld [smem:$0x3F98];
	s0 =	simm.s32 @p0 $0x1  }
0x13: {  	[smem:$0x3FB3] =	sst s0;
	s0 =	simm.s32 @!p1 $0x0  }
0x14: {  	s2 =	sld [smem:$0x3F97];
	s0 =	simm.s32 @p1 $0x1  }
0x15: {  	[smem:$0x3FB4] =	sst s0;
	s0 =	simm.s32 @!p2 $0x0  }
0x16: {  	s3 =	sld [smem:$0x3FDB];
	s0 =	simm.s32 @p2 $0x1  }
0x17: {  	s4 =	simm.s32 $0x1BF5;
	[smem:$0x3FB6] =	sst s0  }
0x18: {  	s0 =	sld [smem:$0x3F99];
	_ =	swait.ge [sflag:s4], $0x0  }
0x19: {  	s7 =	sld [smem:$0x3F9A]  }
0x1a: {  	s8 =	sadd.s32 $0xFFFFE003, lr  }
0x1b: {  	s9 =	sadd.s32 $0xFFFFFEF7, lr;
	s5 =	simm.s32 $0xFFFFFFFF;
	p2 =	slt.u32 s8, $0xFFFFF086  }
0x1c: {  	p1 =	slt.u32 s9, $0xF7A;
	s5 =	simm.s32 @!p2 $0x0  }
0x1d: {  	s5 =	simm.s32 @p1 $0x1;
	p0 =	seq.s32 s7, s2  }
0x1e: {  	s7 =	smul.u32 @!p0 $0xF7A, s2;
	p2 =	seq.s32 @!p0 s5, $0x0  }
0x1f: {  	s9 =	smul.u32 $0xF7A, s1;
	s8 =	simm.s32 @!p0 $0x1BF5;
	p2 =	por !p2, p0  }
0x20: {  	[sflag:s8] =	ssyncset.s32 @!p0 $0xFFFFF086;
	s6 =	sadd.s32 @!p0 s3, s7;
	s7 =	simm.s32 @!p0 $0x108  }
0x21: {  	s3 =	sadd.s32 s3, s9;
	s6 =	sadd.s32 @!p0 $0x88, s6;
	s7 =	simm.s32 @p2 $0x1082  }
0x22: {  	[simem:s7], [sflag:s8] =	dma.local @!p0 [hbm:s6], $0xF7A  }
0x23: {  	s9 =	sor.u32 $0xD0000000, s2;
	s6 =	simm.s32 $0x108;
	_ =	swait.ge @!p0 [sflag:s8], $0x0  }
0x24: {  	s3 =	sadd.s32 $0x88, s3;
	s6 =	simm.s32 @!p1 $0x1082;
	[sflag:s4] =	ssyncset.s32 $0xFFFFF086  }
0x25: {  	[simem:s6], [sflag:s4] =	dma.local [hbm:s3], $0xF7A  }
0x26: {  	[smem:$0x3F9A] =	sst s1;
	(tag) =	ssettag s2;
	_ =	strace s9  }
0x27: {  	s1 =	sld [smem:$0x3FAA]  }
0x28: {  	s2 =	sld [smem:$0x3FAB]  }
0x29: {  	s4 =	sld [smem:$0x3FAD]  }
0x2a: {  	p0 =	seq.s32 s5, $0x0;
	s5 =	sld [smem:$0x3FAE]  }
0x2b: {  	s6 =	sld [smem:$0x3FAF]  }
0x2c: {  	s7 =	sld [smem:$0x3FB0]  }
0x2d: {  	s3 =	simm.s32 $0x108;
	s8 =	sld [smem:$0x3FB1]  }
0x2e: {  	s3 =	simm.s32 @!p0 $0x1082;
	s9 =	sld [smem:$0x3FB2]  }
0x2f: {  	lr =	sadd.s32 s0, s3;
	s0 =	sld [smem:$0x3FA9]  }
0x30: {  	s3 =	sld [smem:$0x3FAC]  }
0x31: {  	[smem:$0x3FB5] =	sst s10  }
0x32: {  	s10 =	sld [smem:$0x3FB3];
	_ =	sdelay $0x3  }
0x33: {  	p0 =	seq.s32 s10, $0x1;
	s10 =	sld [smem:$0x3FB5];
	_ =	sdelay $0x3  }
0x34: {  	[smem:$0x3FB5] =	sst s10  }
0x35: {  	s10 =	sld [smem:$0x3FB4];
	_ =	sdelay $0x3  }
0x36: {  	p1 =	seq.s32 s10, $0x1;
	s10 =	sld [smem:$0x3FB5];
	_ =	sdelay $0x3  }
0x37: {  	[smem:$0x3FB5] =	sst s10  }
0x38: {  	s10 =	sld [smem:$0x3FB6]  }
0x39: {  	_ = 	snop;
	(pc) =	sbr.ind lr, $3  }
0x3a: {  	_ = 	snop  }
0x3b: {  	_ = 	snop  }
0x3c: {  	p2 =	seq.s32 s10, $0x1;
	s10 =	sld [smem:$0x3FB5]  }
0x3d: {  	_ =	shalt  }
0x3e: {  	_ =	shalt  }
0x3f: {  	_ =	shalt  }
0x40: {  	_ =	shalt  }
0x41: {  	_ =	shalt  }
0x42: {  	_ =	shalt  }
0x43: {  	_ =	shalt  }
0x44: {  	_ =	shalt  }
0x45: {  	_ =	shalt  }
0x46: {  	_ =	shalt  }
0x47: {  	_ =	shalt  }
0x48: {  	_ =	shalt  }
0x49: {  	_ =	shalt  }
0x4a: {  	_ =	shalt  }
0x4b: {  	_ =	shalt  }
0x4c: {  	_ =	shalt  }
0x4d: {  	_ =	shalt  }
0x4e: {  	_ =	shalt  }
0x4f: {  	_ =	shalt  }
0x50: {  	_ =	shalt  }
0x51: {  	_ =	shalt  }
0x52: {  	_ =	shalt  }
0x53: {  	_ =	shalt  }
0x54: {  	_ =	shalt  }
0x55: {  	_ =	shalt  }
0x56: {  	_ =	shalt  }
0x57: {  	_ =	shalt  }
0x58: {  	_ =	shalt  }
0x59: {  	_ =	shalt  }
0x5a: {  	_ =	shalt  }
0x5b: {  	_ =	shalt  }
0x5c: {  	_ =	shalt  }
0x5d: {  	_ =	shalt  }
0x5e: {  	_ =	shalt  }
0x5f: {  	_ =	shalt  }
0x60: {  	_ =	shalt  }
0x61: {  	_ =	shalt  }
0x62: {  	_ =	shalt  }
0x63: {  	_ =	shalt  }
0x64: {  	_ =	shalt  }
0x65: {  	_ =	shalt  }
0x66: {  	_ =	shalt  }
0x67: {  	_ =	shalt  }
0x68: {  	_ =	shalt  }
0x69: {  	_ =	shalt  }
0x6a: {  	_ =	shalt  }
0x6b: {  	_ =	shalt  }
0x6c: {  	_ =	shalt  }
0x6d: {  	_ =	shalt  }
0x6e: {  	_ =	shalt  }
0x6f: {  	_ =	shalt  }
0x70: {  	_ =	shalt  }
0x71: {  	_ =	shalt  }
0x72: {  	_ =	shalt  }
0x73: {  	_ =	shalt  }
0x74: {  	_ =	shalt  }
0x75: {  	_ =	shalt  }
0x76: {  	_ =	shalt  }
0x77: {  	_ =	shalt  }
0x78: {  	_ =	shalt  }
0x79: {  	_ =	shalt  }
0x7a: {  	_ =	shalt  }
0x7b: {  	_ =	shalt  }
0x7c: {  	_ =	shalt  }
0x7d: {  	_ =	shalt  }
0x7e: {  	_ =	shalt  }
0x7f: {  	_ =	shalt  }
0x80: {  	_ =	shalt  }
0x81: {  	_ =	shalt  }
0x82: {  	_ =	shalt  }
0x83: {  	_ =	shalt  }
0x84: {  	_ =	shalt  }
0x85: {  	_ =	shalt  }
0x86: {  	_ =	shalt  }
0x87: {  	_ =	shalt  }
.Lfunc_end0:
.L_simem_size_0:
called_computation_lowered:
.L_overlay_start_0:
0x88: {  	s2 =	sld [smem:$0x3FD9]  }
0x89: {  	s3 =	sld [smem:$0x3FFE];
	_ =	sdelay $0x1  }
0x8a: {  	s1 =	srdreg.scid  }
0x8b: {  	s0 =	sand.u32 $0x1, s1  }
0x8c: {  	s17 =	sshll.u32 s0, $0xA;
	s2 =	sadd.s32 s3, s2  }
0x8d: {  	s2 =	sadd.s32 s2, s17  }
0x8e: {  	[smem:$0x3FC1] =	sst s2  }
0x8f: {  	_ = 	snop  }
0x90: {  	s2 =	sld [smem:$0x3FC9];
	(tm) =	ssettm $0x1  }
0x91: {  	s18 =	sld [smem:$0x3FFB];
	_ =	sdelay $0x3  }
0x92: {  	_ =	strace s18  }
0x93: {  	s3 =	sld [smem:$0x3FFC];
	_ =	sdelay $0x3  }
0x94: {  	_ =	strace s3  }
0x95: {  	s3 =	sld [smem:$0x3FFD];
	_ =	sdelay $0x3  }
0x96: {  	_ =	strace s3  }
0x97: {  	_ =	strace $0x8FFFFFFF  }
0x98: {  	s19 =	sld [smem:$0x3FDB];
	_ =	sdelay $0x1  }
0x99: {  	s4 =	simm.s32 $_scs_section_size  }
0x9a: {  	s5 =	simm.s32 $_size__tile_overlayer_lowered;
	s6 =	simm.s32 $_tile_overlayer_lowered  }
0x9b: {  	s22 =	simm.s32 $0x1BFF;
	s21 =	sshll.u32 s6, $0x1;
	s3 =	sadd.s32 s4, s19  }
0x9c: {  	s7 =	simm.s32 $0x0;
	s20 =	sshll.u32 s5, $0x1;
	s5 =	sadd.s32 s21, s3  }
0x9d: {  	[timem:s7], [sflag:s22] =	dma.local [hbm:s5], s20  }
0x9e: {  	_ =	swait.ge [sflag:s22], s20  }
0x9f: {  	s4 =	ssub.s32 $0x0, s20;
	[sflag:s22] =	ssyncset.done $0x0  }
0xa0: {  	[sflag:s22] =	ssyncadd.s32 s4;
	_ =	sdelay $0x1  }
0xa1: {  	s23 =	simm.s32 $0x1B8B  }
0xa2: {  	_ =	swait.ge [sflag:s23], $0x1  }
0xa3: {  	[sflag:s23] =	ssyncset.done $0x0  }
0xa4: {  	s25 =	simm.s32 $0x1B8E;
	s24 =	sld [smem:$0x3FFE];
	[sflag:s23] =	ssyncadd.s32 $0xFFFFFFFF  }
0xa5: {  	s26 =	simm.s32 $execute0_lowered;
	[smem:$0x3FD2] =	sst s25  }
0xa6: {  	s5 =	sshll.u32 s26, $0x1;
	_ =	strace $0x80000046;
	[dreg:$0x1] =	wrdreg $0xFFFFFFFF  }
0xa7: {  	s28 =	simm.s32 $_size_execute0_lowered;
	s3 =	sadd.s32 s3, s5;
	[dreg:$0x0] =	wrdreg $0x0  }
0xa8: {  	s5 =	sshll.u32 s28, $0x1;
	[dreg:$0x2] =	wrdreg s3  }
0xa9: {  	[dreg:$0x3] =	wrdreg s5  }
0xaa: {  	[dreg:$0x4] =	wrdreg $0xC0  }
0xab: {  	_ =	task [dreg:s7], $0x5FFFF  }
0xac: {  	[dreg:$0x1] =	wrdreg $0xFFFFFFFF  }
0xad: {  	[dreg:$0x0] =	wrdreg $0x60  }
0xae: {  	[dreg:$0x2] =	wrdreg s2  }
0xaf: {  	[dreg:$0x3] =	wrdreg s24  }
0xb0: {  	[dreg:$0x4] =	wrdreg $0x9  }
0xb1: {  	_ =	task.clear_ibuf [dreg:s7], $0x5FFFF;
	_ =	strace $0x90000046  }
0xb2: {  	s29 =	simm.s32 $0x9;
	_ =	strace $0x80000048  }
0xb3: {  	_ =	swait.ge [sflag:s29], $0x1  }
0xb4: {  	[sflag:s29] =	ssyncadd.s32 $0xFFFFFFFF  }
0xb5: {  	_ =	strace $0x90000048  }
0xb6: {  	_ =	sfence  }
0xb7: {  	s30 =	sld [smem:$0x0];
	_ =	sdelay $0x2  }
0xb8: {  	s31 =	sshll.u32 s1, $0xD;
	s1 =	sshrl.u32 s1, $0x2  }
0xb9: {  	s3 =	sand.u32 $0x4000, s31;
	s1 =	sadd.s32 s1, s30  }
0xba: {  	s0 =	sor.u32 s3, s0;
	s1 =	sshll.u32 s1, $0x11  }
0xbb: {  	s0 =	sor.u32 s1, s0  }
0xbc: {  	s0 =	sadd.s32 $0x8F2B, s0  }
0xbd: {  	[sflag:s0] =	ssyncadd.remote.s32 $0x1  }
0xbe: {  	_ =	sfence.sel $0xFFFF  }
0xbf: {  	[dreg:$0x0] =	wrdreg $0xFFFFFFFF;
	(pc) =	sbr.abs _section_cstart, $3  }
0xc0: {  	[dreg:$0x1] =	wrdreg $0xFFFFFFFF  }
0xc1: {  	_ =	task.clear_ibuf [dreg:s7], $0x2FFFF;
	_ =	strace $0x9FFFFFFF  }
0xc2: {  	(tm) =	ssettm $0x7FFFFFFF  }
0xc3: {  	_ =	shalt  }
tec
execute0_lowered:
.L_overlay_start_1:
0x0: {  	(tag) =	ssettag $0x1  }
0x1: {  	s0 =	srdreg.scid;
	s1 =	stileid.u32  }
0x2: {  	s0 =	sand.u32 $0x1, s0;
	s1 =	sshll.u32 s1, $0x1  }
0x3: {  	s1 =	sor.u32 s0, s1  }
0x4: {  	s2 =	rddreg [dreg:$0x0];
	s5 =	smul.u32 $0x30, s1  }
0x5: {  	s4 =	rddreg [dreg:$0x1];
	s3 =	simm.s32 $0x0  }
0x6: {  	[smem:$0x7FF] =	sst s3;
	s6 =	smul.u32 $0xC000, s1;
	s5 =	sadd.s32 s5, s4  }
0x7: {  	_ =	strace $0x80000047;
	s4 =	sadd.s32 $0xE00, s4;
	s5 =	sadd.s32 $0x800, s5  }
0x8: {  	s1 =	smul.u32 $0x60000, s1;
	s6 =	sadd.s32 s4, s6;
	[dreg:$0x3] =	wrdreg s5  }
0x9: {  	s14 =	simm.s32 $0x180;
	s20 =	sadd.s32 $0x1000, s6;
	[dreg:$0xf] =	wrdreg s6  }
0xa: {  	s1 =	sshrl.u32 s1, $0x3;
	s21 =	sadd.s32 $0x2000, s6;
	[dreg:$0x4] =	wrdreg s20  }
0xb: {  	s1 =	sadd.s32 s4, s1;
	s22 =	sadd.s32 $0x3000, s6;
	[dreg:$0x5] =	wrdreg s21  }
0xc: {  	s28 =	simm.s32 $0x8180;
	s4 =	sadd.s32 $0x4000, s1;
	[dreg:$0x6] =	wrdreg s22  }
0xd: {  	s19 =	simm.s32 $0x2;
	s23 =	sadd.s32 $0x5000, s1;
	[dreg:$0x7] =	wrdreg s4  }
0xe: {  	s7 =	sadd.s32 $0x300, s2;
	s24 =	sadd.s32 $0x6000, s1;
	[dreg:$0x8] =	wrdreg s23  }
0xf: {  	s0 =	ssub.s32 $0x2, s0;
	s25 =	sadd.s32 $0x7000, s1;
	[dreg:$0x9] =	wrdreg s24  }
0x10: {  	s29 =	sshrl.u32 s0, $0x1;
	s26 =	sadd.s32 $0x8000, s1;
	[dreg:$0xa] =	wrdreg s25  }
0x11: {  	s0 =	ssub.s32 s0, s29;
	s30 =	sadd.s32 $0x9000, s1;
	[dreg:$0xb] =	wrdreg s26  }
0x12: {  	v2 =	vlaneseq.u32;
	s8 =	smax.u32 s0, $0x1;
	s31 =	sadd.s32 $0xA000, s1;
	[dreg:$0xc] =	wrdreg s30  }
0x13: {  	vm0 =	vmmov $0xffff;
	v1 =	vshrl.u32 v2, $0x3;
	s5 =	sadd.s32 $0x100, s2;
	s1 =	sadd.s32 $0xB000, s1;
	[dreg:$0xd] =	wrdreg s31  }
0x14: {  	v0 =	vand.u32 $0x7, v2;
	v2 =	vor.u32 $0x8, v2;
	v1 =	vmul.u32 $0x8, v1;
	s6 =	sadd.s32 $0x200, s2;
	[dreg:$0xe] =	wrdreg s1;
	s26 =	simm.s32 $0x1  }
.LBB2_1:
0x15: {  	s20 =	rddreg [dreg:$0x3];
	s21 =	simm.s32 $0x3  }
0x16: {  	[tilespmem:s3], [sflag:$0x3] =	stream.linear.gather [hbm4b:s20+s3], $0x180, $0x38;
	[tilespmem:$0x10180] =	vst v63  }
0x17: {  	_ =	swait.ge [sflag:s21], $0x180  }
0x18: {  	[sflag:s21] =	ssyncset.done $0x0  }
0x19: {  	[sflag:s21] =	ssyncadd.s32 $0xFFFFFE80  }
0x1a: {  	v3 =	vld [tilespmem:$0x0];
	_ =	sdelay $0x4  }
0x1b: {  	v4 =	vshll.u32 v3, $0x3  }
0x1c: {  	v3 =	vand.u32 $0x7, v3;
	v4 =	vand.u32 $0xFFFFFFC0, v4  }
0x1d: {  	v3 =	vor.u32 v3, v4  }
0x1e: {  	v4 =	vperm.xlane v3, v0;
	_ =	sdelay $0x1  }
0x1f: {  	v4 =	vadd.s32 v1, v4;
	_ =	sdelay $0x4  }
0x20: {  	[tilespmem:s14], [sflag:$0x1] =	stream.indirect_vreg.gather [hbm4b:s2+s3], $0x80, v4, vm0, $0xb8;
	[tilespmem:$0x10180] =	vst v63  }
0x21: {  	s0 =	simm.s32 $0x980;
	v3 =	vperm.xlane v3, v2  }
0x22: {  	[tilespmem:s0], [sflag:$0x1] =	stream.indirect_vreg.gather [hbm4b:s5+s3], $0x80, v4, vm0, $0xb8;
	[tilespmem:$0x10180] =	vst v63  }
0x23: {  	s22 =	simm.s32 $0x1180;
	v3 =	vadd.s32 v1, v3  }
0x24: {  	[tilespmem:s22], [sflag:$0x1] =	stream.indirect_vreg.gather [hbm4b:s6+s3], $0x80, v4, vm0, $0xb8;
	[tilespmem:$0x10180] =	vst v63  }
0x25: {  	s23 =	simm.s32 $0x1980  }
0x26: {  	[tilespmem:s23], [sflag:$0x1] =	stream.indirect_vreg.gather [hbm4b:s7+s3], $0x80, v4, vm0, $0xb8;
	[tilespmem:$0x10180] =	vst v63  }
0x27: {  	s24 =	simm.s32 $0x2180  }
0x28: {  	[tilespmem:s24], [sflag:$0x1] =	stream.indirect_vreg.gather [hbm4b:s2+s3], $0x80, v3, vm0, $0xb8;
	[tilespmem:$0x10180] =	vst v63  }
0x29: {  	s25 =	simm.s32 $0x2980  }
0x2a: {  	[tilespmem:s25], [sflag:$0x1] =	stream.indirect_vreg.gather [hbm4b:s5+s3], $0x80, v3, vm0, $0xb8;
	[tilespmem:$0x10180] =	vst v63  }
0x2b: {  	s30 =	simm.s32 $0x3180  }
0x2c: {  	[tilespmem:s30], [sflag:$0x1] =	stream.indirect_vreg.gather [hbm4b:s6+s3], $0x80, v3, vm0, $0xb8;
	[tilespmem:$0x10180] =	vst v63  }
0x2d: {  	s31 =	simm.s32 $0x3980  }
0x2e: {  	[tilespmem:s31], [sflag:$0x1] =	stream.indirect_vreg.gather [hbm4b:s7+s3], $0x80, v3, vm0, $0xb8;
	[tilespmem:$0x10180] =	vst v63  }
0x2f: {  	v3 =	vld [tilespmem:$0x10];
	_ =	sdelay $0x4  }
0x30: {  	v41 =	vshll.u32 v3, $0x3  }
0x31: {  	v3 =	vand.u32 $0x7, v3;
	v4 =	vand.u32 $0xFFFFFFC0, v41  }
0x32: {  	v3 =	vor.u32 v3, v4  }
0x33: {  	v4 =	vperm.xlane v3, v0;
	_ =	sdelay $0x1  }
0x34: {  	v4 =	vadd.s32 v1, v4;
	_ =	sdelay $0x3  }
0x35: {  	s1 =	simm.s32 $0x4180  }
0x36: {  	[tilespmem:s1], [sflag:$0x1] =	stream.indirect_vreg.gather [hbm4b:s2+s3], $0x80, v4, vm0, $0xb8;
	[tilespmem:$0x10180] =	vst v63  }
0x37: {  	s9 =	simm.s32 $0x4980;
	v3 =	vperm.xlane v3, v2  }
0x38: {  	[tilespmem:s9], [sflag:$0x1] =	stream.indirect_vreg.gather [hbm4b:s5+s3], $0x80, v4, vm0, $0xb8;
	[tilespmem:$0x10180] =	vst v63  }
0x39: {  	s11 =	simm.s32 $0x5180;
	v3 =	vadd.s32 v1, v3  }
0x3a: {  	[tilespmem:s11], [sflag:$0x1] =	stream.indirect_vreg.gather [hbm4b:s6+s3], $0x80, v4, vm0, $0xb8;
	[tilespmem:$0x10180] =	vst v63  }
0x3b: {  	s12 =	simm.s32 $0x5980  }
0x3c: {  	[tilespmem:s12], [sflag:$0x1] =	stream.indirect_vreg.gather [hbm4b:s7+s3], $0x80, v4, vm0, $0xb8;
	[tilespmem:$0x10180] =	vst v63  }
0x3d: {  	s13 =	simm.s32 $0x6180  }
0x3e: {  	[tilespmem:s13], [sflag:$0x1] =	stream.indirect_vreg.gather [hbm4b:s2+s3], $0x80, v3, vm0, $0xb8;
	[tilespmem:$0x10180] =	vst v63  }
0x3f: {  	s15 =	simm.s32 $0x6980  }
0x40: {  	[tilespmem:s15], [sflag:$0x1] =	stream.indirect_vreg.gather [hbm4b:s5+s3], $0x80, v3, vm0, $0xb8;
	[tilespmem:$0x10180] =	vst v63  }
0x41: {  	s16 =	simm.s32 $0x7180  }
0x42: {  	[tilespmem:s16], [sflag:$0x1] =	stream.indirect_vreg.gather [hbm4b:s6+s3], $0x80, v3, vm0, $0xb8;
	[tilespmem:$0x10180] =	vst v63  }
0x43: {  	s17 =	simm.s32 $0x7980  }
0x44: {  	[tilespmem:s17], [sflag:$0x1] =	stream.indirect_vreg.gather [hbm4b:s7+s3], $0x80, v3, vm0, $0xb8;
	[tilespmem:$0x10180] =	vst v63  }
0x45: {  	_ =	swait.ge [sflag:s26], $0x8000  }
0x46: {  	[sflag:s26] =	ssyncset.done $0x0  }
0x47: {  	s18 =	rddreg [dreg:$0xf];
	[sflag:s26] =	ssyncadd.s32 $0xFFFF8000  }
0x48: {  	[hbm4b:s18+s3] =	stream.linear.scatter [tilespmem:s14], [sflag:$0x2], $0x8000, $0x38;
	[tilespmem:$0x10180] =	vst v63  }
0x49: {  	v3 =	vld [tilespmem:$0x20];
	_ =	sdelay $0x4  }
0x4a: {  	v42 =	vshll.u32 v3, $0x3  }
0x4b: {  	v3 =	vand.u32 $0x7, v3;
	v4 =	vand.u32 $0xFFFFFFC0, v42  }
0x4c: {  	v3 =	vor.u32 v3, v4  }
0x4d: {  	v4 =	vperm.xlane v3, v0;
	_ =	sdelay $0x1  }
0x4e: {  	v4 =	vadd.s32 v1, v4;
	_ =	sdelay $0x4  }
0x4f: {  	[tilespmem:s28], [sflag:$0x1] =	stream.indirect_vreg.gather [hbm4b:s2+s3], $0x80, v4, vm0, $0xb8;
	[tilespmem:$0x10180] =	vst v63  }
0x50: {  	s21 =	simm.s32 $0x8980;
	v3 =	vperm.xlane v3, v2  }
0x51: {  	[tilespmem:s21], [sflag:$0x1] =	stream.indirect_vreg.gather [hbm4b:s5+s3], $0x80, v4, vm0, $0xb8;
	[tilespmem:$0x10180] =	vst v63  }
0x52: {  	s22 =	simm.s32 $0x9180;
	v3 =	vadd.s32 v1, v3  }
0x53: {  	[tilespmem:s22], [sflag:$0x1] =	stream.indirect_vreg.gather [hbm4b:s6+s3], $0x80, v4, vm0, $0xb8;
	[tilespmem:$0x10180] =	vst v63  }
0x54: {  	s9 =	simm.s32 $0x9980  }
0x55: {  	[tilespmem:s9], [sflag:$0x1] =	stream.indirect_vreg.gather [hbm4b:s7+s3], $0x80, v4, vm0, $0xb8;
	[tilespmem:$0x10180] =	vst v63  }
0x56: {  	s11 =	simm.s32 $0xA180  }
0x57: {  	[tilespmem:s11], [sflag:$0x1] =	stream.indirect_vreg.gather [hbm4b:s2+s3], $0x80, v3, vm0, $0xb8;
	[tilespmem:$0x10180] =	vst v63  }
0x58: {  	s12 =	simm.s32 $0xA980  }
0x59: {  	[tilespmem:s12], [sflag:$0x1] =	stream.indirect_vreg.gather [hbm4b:s5+s3], $0x80, v3, vm0, $0xb8;
	[tilespmem:$0x10180] =	vst v63  }
0x5a: {  	s13 =	simm.s32 $0xB180  }
0x5b: {  	[tilespmem:s13], [sflag:$0x1] =	stream.indirect_vreg.gather [hbm4b:s6+s3], $0x80, v3, vm0, $0xb8;
	[tilespmem:$0x10180] =	vst v63  }
0x5c: {  	s15 =	simm.s32 $0xB980  }
0x5d: {  	[tilespmem:s15], [sflag:$0x1] =	stream.indirect_vreg.gather [hbm4b:s7+s3], $0x80, v3, vm0, $0xb8;
	[tilespmem:$0x10180] =	vst v63  }
0x5e: {  	v3 =	vld [tilespmem:$0x30];
	_ =	sdelay $0x4  }
0x5f: {  	v43 =	vshll.u32 v3, $0x3  }
0x60: {  	v3 =	vand.u32 $0x7, v3;
	v4 =	vand.u32 $0xFFFFFFC0, v43  }
0x61: {  	v3 =	vor.u32 v3, v4  }
0x62: {  	v4 =	vperm.xlane v3, v0;
	_ =	sdelay $0x1  }
0x63: {  	v4 =	vadd.s32 v1, v4;
	_ =	sdelay $0x3  }
0x64: {  	s17 =	simm.s32 $0xC180  }
0x65: {  	[tilespmem:s17], [sflag:$0x1] =	stream.indirect_vreg.gather [hbm4b:s2+s3], $0x80, v4, vm0, $0xb8;
	[tilespmem:$0x10180] =	vst v63  }
0x66: {  	s18 =	simm.s32 $0xC980;
	v3 =	vperm.xlane v3, v2  }
0x67: {  	[tilespmem:s18], [sflag:$0x1] =	stream.indirect_vreg.gather [hbm4b:s5+s3], $0x80, v4, vm0, $0xb8;
	[tilespmem:$0x10180] =	vst v63  }
0x68: {  	s21 =	simm.s32 $0xD180;
	v3 =	vadd.s32 v1, v3  }
0x69: {  	[tilespmem:s21], [sflag:$0x1] =	stream.indirect_vreg.gather [hbm4b:s6+s3], $0x80, v4, vm0, $0xb8;
	[tilespmem:$0x10180] =	vst v63  }
0x6a: {  	s0 =	simm.s32 $0xD980  }
0x6b: {  	[tilespmem:s0], [sflag:$0x1] =	stream.indirect_vreg.gather [hbm4b:s7+s3], $0x80, v4, vm0, $0xb8;
	[tilespmem:$0x10180] =	vst v63  }
0x6c: {  	s13 =	simm.s32 $0xE180  }
0x6d: {  	[tilespmem:s13], [sflag:$0x1] =	stream.indirect_vreg.gather [hbm4b:s2+s3], $0x80, v3, vm0, $0xb8;
	[tilespmem:$0x10180] =	vst v63  }
0x6e: {  	s17 =	simm.s32 $0xE980  }
0x6f: {  	[tilespmem:s17], [sflag:$0x1] =	stream.indirect_vreg.gather [hbm4b:s5+s3], $0x80, v3, vm0, $0xb8;
	[tilespmem:$0x10180] =	vst v63  }
0x70: {  	s18 =	simm.s32 $0xF180  }
0x71: {  	[tilespmem:s18], [sflag:$0x1] =	stream.indirect_vreg.gather [hbm4b:s6+s3], $0x80, v3, vm0, $0xb8;
	[tilespmem:$0x10180] =	vst v63  }
0x72: {  	s21 =	simm.s32 $0xF980  }
0x73: {  	[tilespmem:s21], [sflag:$0x1] =	stream.indirect_vreg.gather [hbm4b:s7+s3], $0x80, v3, vm0, $0xb8;
	[tilespmem:$0x10180] =	vst v63  }
0x74: {  	_ =	swait.ge [sflag:s26], $0x8000  }
0x75: {  	[sflag:s26] =	ssyncset.done $0x0  }
0x76: {  	s0 =	rddreg [dreg:$0x4];
	[sflag:s26] =	ssyncadd.s32 $0xFFFF8000  }
0x77: {  	[hbm4b:s0+s3] =	stream.linear.scatter [tilespmem:s28], [sflag:$0x2], $0x8000, $0x38;
	[tilespmem:$0x10180] =	vst v63  }
0x78: {  	_ =	swait.ge [sflag:s19], $0x8000  }
0x79: {  	[sflag:s19] =	ssyncset.done $0x0  }
0x7a: {  	[sflag:s19] =	ssyncadd.s32 $0xFFFF8000  }
0x7b: {  	v3 =	vld [tilespmem:$0x40];
	_ =	sdelay $0x4  }
0x7c: {  	v44 =	vshll.u32 v3, $0x3  }
0x7d: {  	v3 =	vand.u32 $0x7, v3;
	v4 =	vand.u32 $0xFFFFFFC0, v44  }
0x7e: {  	v3 =	vor.u32 v3, v4  }
0x7f: {  	v4 =	vperm.xlane v3, v0;
	_ =	sdelay $0x1  }
0x80: {  	v4 =	vadd.s32 v1, v4;
	_ =	sdelay $0x4  }
0x81: {  	[tilespmem:s14], [sflag:$0x1] =	stream.indirect_vreg.gather [hbm4b:s2+s3], $0x80, v4, vm0, $0xb8;
	[tilespmem:$0x10180] =	vst v63  }
0x82: {  	s29 =	simm.s32 $0x980;
	v3 =	vperm.xlane v3, v2  }
0x83: {  	[tilespmem:s29], [sflag:$0x1] =	stream.indirect_vreg.gather [hbm4b:s5+s3], $0x80, v4, vm0, $0xb8;
	[tilespmem:$0x10180] =	vst v63  }
0x84: {  	s4 =	simm.s32 $0x1180;
	v3 =	vadd.s32 v1, v3  }
0x85: {  	[tilespmem:s4], [sflag:$0x1] =	stream.indirect_vreg.gather [hbm4b:s6+s3], $0x80, v4, vm0, $0xb8;
	[tilespmem:$0x10180] =	vst v63  }
0x86: {  	s10 =	simm.s32 $0x1980  }
0x87: {  	[tilespmem:s10], [sflag:$0x1] =	stream.indirect_vreg.gather [hbm4b:s7+s3], $0x80, v4, vm0, $0xb8;
	[tilespmem:$0x10180] =	vst v63  }
0x88: {  	s23 =	simm.s32 $0x2180  }
0x89: {  	[tilespmem:s23], [sflag:$0x1] =	stream.indirect_vreg.gather [hbm4b:s2+s3], $0x80, v3, vm0, $0xb8;
	[tilespmem:$0x10180] =	vst v63  }
0x8a: {  	s24 =	simm.s32 $0x2980  }
0x8b: {  	[tilespmem:s24], [sflag:$0x1] =	stream.indirect_vreg.gather [hbm4b:s5+s3], $0x80, v3, vm0, $0xb8;
	[tilespmem:$0x10180] =	vst v63  }
0x8c: {  	s25 =	simm.s32 $0x3180  }
0x8d: {  	[tilespmem:s25], [sflag:$0x1] =	stream.indirect_vreg.gather [hbm4b:s6+s3], $0x80, v3, vm0, $0xb8;
	[tilespmem:$0x10180] =	vst v63  }
0x8e: {  	s30 =	simm.s32 $0x3980  }
0x8f: {  	[tilespmem:s30], [sflag:$0x1] =	stream.indirect_vreg.gather [hbm4b:s7+s3], $0x80, v3, vm0, $0xb8;
	[tilespmem:$0x10180] =	vst v63  }
0x90: {  	v3 =	vld [tilespmem:$0x50];
	_ =	sdelay $0x4  }
0x91: {  	v45 =	vshll.u32 v3, $0x3  }
0x92: {  	v3 =	vand.u32 $0x7, v3;
	v4 =	vand.u32 $0xFFFFFFC0, v45  }
0x93: {  	v3 =	vor.u32 v3, v4  }
0x94: {  	v4 =	vperm.xlane v3, v0;
	_ =	sdelay $0x1  }
0x95: {  	v4 =	vadd.s32 v1, v4;
	_ =	sdelay $0x3  }
0x96: {  	s31 =	simm.s32 $0x4180  }
0x97: {  	[tilespmem:s31], [sflag:$0x1] =	stream.indirect_vreg.gather [hbm4b:s2+s3], $0x80, v4, vm0, $0xb8;
	[tilespmem:$0x10180] =	vst v63  }
0x98: {  	s30 =	simm.s32 $0x4980;
	v3 =	vperm.xlane v3, v2  }
0x99: {  	[tilespmem:s30], [sflag:$0x1] =	stream.indirect_vreg.gather [hbm4b:s5+s3], $0x80, v4, vm0, $0xb8;
	[tilespmem:$0x10180] =	vst v63  }
0x9a: {  	s10 =	simm.s32 $0x5180;
	v3 =	vadd.s32 v1, v3  }
0x9b: {  	[tilespmem:s10], [sflag:$0x1] =	stream.indirect_vreg.gather [hbm4b:s6+s3], $0x80, v4, vm0, $0xb8;
	[tilespmem:$0x10180] =	vst v63  }
0x9c: {  	s23 =	simm.s32 $0x5980  }
0x9d: {  	[tilespmem:s23], [sflag:$0x1] =	stream.indirect_vreg.gather [hbm4b:s7+s3], $0x80, v4, vm0, $0xb8;
	[tilespmem:$0x10180] =	vst v63  }
0x9e: {  	s24 =	simm.s32 $0x6180  }
0x9f: {  	[tilespmem:s24], [sflag:$0x1] =	stream.indirect_vreg.gather [hbm4b:s2+s3], $0x80, v3, vm0, $0xb8;
	[tilespmem:$0x10180] =	vst v63  }
0xa0: {  	s25 =	simm.s32 $0x6980  }
0xa1: {  	[tilespmem:s25], [sflag:$0x1] =	stream.indirect_vreg.gather [hbm4b:s5+s3], $0x80, v3, vm0, $0xb8;
	[tilespmem:$0x10180] =	vst v63  }
0xa2: {  	s29 =	simm.s32 $0x7180  }
0xa3: {  	[tilespmem:s29], [sflag:$0x1] =	stream.indirect_vreg.gather [hbm4b:s6+s3], $0x80, v3, vm0, $0xb8;
	[tilespmem:$0x10180] =	vst v63  }
0xa4: {  	s31 =	simm.s32 $0x7980  }
0xa5: {  	[tilespmem:s31], [sflag:$0x1] =	stream.indirect_vreg.gather [hbm4b:s7+s3], $0x80, v3, vm0, $0xb8;
	[tilespmem:$0x10180] =	vst v63  }
0xa6: {  	_ =	swait.ge [sflag:s26], $0x8000  }
0xa7: {  	[sflag:s26] =	ssyncset.done $0x0  }
0xa8: {  	s4 =	rddreg [dreg:$0x5];
	[sflag:s26] =	ssyncadd.s32 $0xFFFF8000  }
0xa9: {  	[hbm4b:s4+s3] =	stream.linear.scatter [tilespmem:s14], [sflag:$0x2], $0x8000, $0x38;
	[tilespmem:$0x10180] =	vst v63  }
0xaa: {  	_ =	swait.ge [sflag:s19], $0x8000  }
0xab: {  	[sflag:s19] =	ssyncset.done $0x0  }
0xac: {  	[sflag:s19] =	ssyncadd.s32 $0xFFFF8000  }
0xad: {  	v3 =	vld [tilespmem:$0x60];
	_ =	sdelay $0x4  }
0xae: {  	v46 =	vshll.u32 v3, $0x3  }
0xaf: {  	v3 =	vand.u32 $0x7, v3;
	v4 =	vand.u32 $0xFFFFFFC0, v46  }
0xb0: {  	v3 =	vor.u32 v3, v4  }
0xb1: {  	v4 =	vperm.xlane v3, v0;
	_ =	sdelay $0x1  }
0xb2: {  	v4 =	vadd.s32 v1, v4;
	_ =	sdelay $0x4  }
0xb3: {  	[tilespmem:s28], [sflag:$0x1] =	stream.indirect_vreg.gather [hbm4b:s2+s3], $0x80, v4, vm0, $0xb8;
	[tilespmem:$0x10180] =	vst v63  }
0xb4: {  	s1 =	simm.s32 $0x8980;
	v3 =	vperm.xlane v3, v2  }
0xb5: {  	[tilespmem:s1], [sflag:$0x1] =	stream.indirect_vreg.gather [hbm4b:s5+s3], $0x80, v4, vm0, $0xb8;
	[tilespmem:$0x10180] =	vst v63  }
0xb6: {  	s0 =	simm.s32 $0x9180;
	v3 =	vadd.s32 v1, v3  }
0xb7: {  	[tilespmem:s0], [sflag:$0x1] =	stream.indirect_vreg.gather [hbm4b:s6+s3], $0x80, v4, vm0, $0xb8;
	[tilespmem:$0x10180] =	vst v63  }
0xb8: {  	s1 =	simm.s32 $0x9980  }
0xb9: {  	[tilespmem:s1], [sflag:$0x1] =	stream.indirect_vreg.gather [hbm4b:s7+s3], $0x80, v4, vm0, $0xb8;
	[tilespmem:$0x10180] =	vst v63  }
0xba: {  	s4 =	simm.s32 $0xA180  }
0xbb: {  	[tilespmem:s4], [sflag:$0x1] =	stream.indirect_vreg.gather [hbm4b:s2+s3], $0x80, v3, vm0, $0xb8;
	[tilespmem:$0x10180] =	vst v63  }
0xbc: {  	s16 =	simm.s32 $0xA980  }
0xbd: {  	[tilespmem:s16], [sflag:$0x1] =	stream.indirect_vreg.gather [hbm4b:s5+s3], $0x80, v3, vm0, $0xb8;
	[tilespmem:$0x10180] =	vst v63  }
0xbe: {  	s22 =	simm.s32 $0xB180  }
0xbf: {  	[tilespmem:s22], [sflag:$0x1] =	stream.indirect_vreg.gather [hbm4b:s6+s3], $0x80, v3, vm0, $0xb8;
	[tilespmem:$0x10180] =	vst v63  }
0xc0: {  	s9 =	simm.s32 $0xB980  }
0xc1: {  	[tilespmem:s9], [sflag:$0x1] =	stream.indirect_vreg.gather [hbm4b:s7+s3], $0x80, v3, vm0, $0xb8;
	[tilespmem:$0x10180] =	vst v63  }
0xc2: {  	v3 =	vld [tilespmem:$0x70];
	_ =	sdelay $0x4  }
0xc3: {  	v47 =	vshll.u32 v3, $0x3  }
0xc4: {  	v3 =	vand.u32 $0x7, v3;
	v4 =	vand.u32 $0xFFFFFFC0, v47  }
0xc5: {  	v3 =	vor.u32 v3, v4  }
0xc6: {  	v4 =	vperm.xlane v3, v0;
	_ =	sdelay $0x1  }
0xc7: {  	v4 =	vadd.s32 v1, v4;
	_ =	sdelay $0x3  }
0xc8: {  	s11 =	simm.s32 $0xC180  }
0xc9: {  	[tilespmem:s11], [sflag:$0x1] =	stream.indirect_vreg.gather [hbm4b:s2+s3], $0x80, v4, vm0, $0xb8;
	[tilespmem:$0x10180] =	vst v63  }
0xca: {  	s12 =	simm.s32 $0xC980;
	v3 =	vperm.xlane v3, v2  }
0xcb: {  	[tilespmem:s12], [sflag:$0x1] =	stream.indirect_vreg.gather [hbm4b:s5+s3], $0x80, v4, vm0, $0xb8;
	[tilespmem:$0x10180] =	vst v63  }
0xcc: {  	v3 =	vadd.s32 v1, v3;
	s12 =	simm.s32 $0xD180  }
0xcd: {  	[tilespmem:s12], [sflag:$0x1] =	stream.indirect_vreg.gather [hbm4b:s6+s3], $0x80, v4, vm0, $0xb8;
	[tilespmem:$0x10180] =	vst v63  }
0xce: {  	s15 =	simm.s32 $0xD980  }
0xcf: {  	[tilespmem:s15], [sflag:$0x1] =	stream.indirect_vreg.gather [hbm4b:s7+s3], $0x80, v4, vm0, $0xb8;
	[tilespmem:$0x10180] =	vst v63  }
0xd0: {  	s15 =	simm.s32 $0xE180  }
0xd1: {  	[tilespmem:s15], [sflag:$0x1] =	stream.indirect_vreg.gather [hbm4b:s2+s3], $0x80, v3, vm0, $0xb8;
	[tilespmem:$0x10180] =	vst v63  }
0xd2: {  	s16 =	simm.s32 $0xE980  }
0xd3: {  	[tilespmem:s16], [sflag:$0x1] =	stream.indirect_vreg.gather [hbm4b:s5+s3], $0x80, v3, vm0, $0xb8;
	[tilespmem:$0x10180] =	vst v63  }
0xd4: {  	s20 =	simm.s32 $0xF180  }
0xd5: {  	[tilespmem:s20], [sflag:$0x1] =	stream.indirect_vreg.gather [hbm4b:s6+s3], $0x80, v3, vm0, $0xb8;
	[tilespmem:$0x10180] =	vst v63  }
0xd6: {  	s13 =	simm.s32 $0xF980  }
0xd7: {  	[tilespmem:s13], [sflag:$0x1] =	stream.indirect_vreg.gather [hbm4b:s7+s3], $0x80, v3, vm0, $0xb8;
	[tilespmem:$0x10180] =	vst v63  }
0xd8: {  	_ =	swait.ge [sflag:s26], $0x8000  }
0xd9: {  	[sflag:s26] =	ssyncset.done $0x0  }
0xda: {  	s20 =	rddreg [dreg:$0x6];
	[sflag:s26] =	ssyncadd.s32 $0xFFFF8000  }
0xdb: {  	[hbm4b:s20+s3] =	stream.linear.scatter [tilespmem:s28], [sflag:$0x2], $0x8000, $0x38;
	[tilespmem:$0x10180] =	vst v63  }
0xdc: {  	_ =	swait.ge [sflag:s19], $0x8000  }
0xdd: {  	[sflag:s19] =	ssyncset.done $0x0  }
0xde: {  	[sflag:s19] =	ssyncadd.s32 $0xFFFF8000  }
0xdf: {  	v3 =	vld [tilespmem:$0x80];
	_ =	sdelay $0x4  }
0xe0: {  	v48 =	vshll.u32 v3, $0x3  }
0xe1: {  	v3 =	vand.u32 $0x7, v3;
	v4 =	vand.u32 $0xFFFFFFC0, v48  }
0xe2: {  	v3 =	vor.u32 v3, v4  }
0xe3: {  	v4 =	vperm.xlane v3, v0;
	_ =	sdelay $0x1  }
0xe4: {  	v4 =	vadd.s32 v1, v4;
	_ =	sdelay $0x4  }
0xe5: {  	[tilespmem:s14], [sflag:$0x1] =	stream.indirect_vreg.gather [hbm4b:s2+s3], $0x80, v4, vm0, $0xb8;
	[tilespmem:$0x10180] =	vst v63  }
0xe6: {  	s20 =	simm.s32 $0x980;
	v3 =	vperm.xlane v3, v2  }
0xe7: {  	[tilespmem:s20], [sflag:$0x1] =	stream.indirect_vreg.gather [hbm4b:s5+s3], $0x80, v4, vm0, $0xb8;
	[tilespmem:$0x10180] =	vst v63  }
0xe8: {  	v3 =	vadd.s32 v1, v3;
	s20 =	simm.s32 $0x1180  }
0xe9: {  	[tilespmem:s20], [sflag:$0x1] =	stream.indirect_vreg.gather [hbm4b:s6+s3], $0x80, v4, vm0, $0xb8;
	[tilespmem:$0x10180] =	vst v63  }
0xea: {  	s20 =	simm.s32 $0x1980  }
0xeb: {  	[tilespmem:s20], [sflag:$0x1] =	stream.indirect_vreg.gather [hbm4b:s7+s3], $0x80, v4, vm0, $0xb8;
	[tilespmem:$0x10180] =	vst v63  }
0xec: {  	s20 =	simm.s32 $0x2180  }
0xed: {  	[tilespmem:s20], [sflag:$0x1] =	stream.indirect_vreg.gather [hbm4b:s2+s3], $0x80, v3, vm0, $0xb8;
	[tilespmem:$0x10180] =	vst v63  }
0xee: {  	s20 =	simm.s32 $0x2980  }
0xef: {  	[tilespmem:s20], [sflag:$0x1] =	stream.indirect_vreg.gather [hbm4b:s5+s3], $0x80, v3, vm0, $0xb8;
	[tilespmem:$0x10180] =	vst v63  }
0xf0: {  	s20 =	simm.s32 $0x3180  }
0xf1: {  	[tilespmem:s20], [sflag:$0x1] =	stream.indirect_vreg.gather [hbm4b:s6+s3], $0x80, v3, vm0, $0xb8;
	[tilespmem:$0x10180] =	vst v63  }
0xf2: {  	s20 =	simm.s32 $0x3980  }
0xf3: {  	[tilespmem:s20], [sflag:$0x1] =	stream.indirect_vreg.gather [hbm4b:s7+s3], $0x80, v3, vm0, $0xb8;
	[tilespmem:$0x10180] =	vst v63  }
0xf4: {  	v3 =	vld [tilespmem:$0x90];
	_ =	sdelay $0x4  }
0xf5: {  	v49 =	vshll.u32 v3, $0x3  }
0xf6: {  	v3 =	vand.u32 $0x7, v3;
	v4 =	vand.u32 $0xFFFFFFC0, v49  }
0xf7: {  	v3 =	vor.u32 v3, v4  }
0xf8: {  	v4 =	vperm.xlane v3, v0;
	_ =	sdelay $0x1  }
0xf9: {  	v4 =	vadd.s32 v1, v4;
	_ =	sdelay $0x3  }
0xfa: {  	s20 =	simm.s32 $0x4180  }
0xfb: {  	[tilespmem:s20], [sflag:$0x1] =	stream.indirect_vreg.gather [hbm4b:s2+s3], $0x80, v4, vm0, $0xb8;
	[tilespmem:$0x10180] =	vst v63  }
0xfc: {  	v3 =	vperm.xlane v3, v2  }
0xfd: {  	[tilespmem:s30], [sflag:$0x1] =	stream.indirect_vreg.gather [hbm4b:s5+s3], $0x80, v4, vm0, $0xb8;
	[tilespmem:$0x10180] =	vst v63  }
0xfe: {  	v3 =	vadd.s32 v1, v3  }
0xff: {  	[tilespmem:s10], [sflag:$0x1] =	stream.indirect_vreg.gather [hbm4b:s6+s3], $0x80, v4, vm0, $0xb8;
	[tilespmem:$0x10180] =	vst v63  }
0x100: {  	_ = 	snop  }
0x101: {  	[tilespmem:s23], [sflag:$0x1] =	stream.indirect_vreg.gather [hbm4b:s7+s3], $0x80, v4, vm0, $0xb8;
	[tilespmem:$0x10180] =	vst v63  }
0x102: {  	_ = 	snop  }
0x103: {  	[tilespmem:s24], [sflag:$0x1] =	stream.indirect_vreg.gather [hbm4b:s2+s3], $0x80, v3, vm0, $0xb8;
	[tilespmem:$0x10180] =	vst v63  }
0x104: {  	_ = 	snop  }
0x105: {  	[tilespmem:s25], [sflag:$0x1] =	stream.indirect_vreg.gather [hbm4b:s5+s3], $0x80, v3, vm0, $0xb8;
	[tilespmem:$0x10180] =	vst v63  }
0x106: {  	_ = 	snop  }
0x107: {  	[tilespmem:s29], [sflag:$0x1] =	stream.indirect_vreg.gather [hbm4b:s6+s3], $0x80, v3, vm0, $0xb8;
	[tilespmem:$0x10180] =	vst v63  }
0x108: {  	_ = 	snop  }
0x109: {  	[tilespmem:s31], [sflag:$0x1] =	stream.indirect_vreg.gather [hbm4b:s7+s3], $0x80, v3, vm0, $0xb8;
	[tilespmem:$0x10180] =	vst v63  }
0x10a: {  	_ =	swait.ge [sflag:s26], $0x8000  }
0x10b: {  	[sflag:s26] =	ssyncset.done $0x0  }
0x10c: {  	s31 =	rddreg [dreg:$0x7];
	[sflag:s26] =	ssyncadd.s32 $0xFFFF8000  }
0x10d: {  	[hbm4b:s31+s3] =	stream.linear.scatter [tilespmem:s14], [sflag:$0x2], $0x8000, $0x38;
	[tilespmem:$0x10180] =	vst v63  }
0x10e: {  	_ =	swait.ge [sflag:s19], $0x8000  }
0x10f: {  	[sflag:s19] =	ssyncset.done $0x0  }
0x110: {  	[sflag:s19] =	ssyncadd.s32 $0xFFFF8000  }
0x111: {  	v3 =	vld [tilespmem:$0xA0];
	_ =	sdelay $0x4  }
0x112: {  	v50 =	vshll.u32 v3, $0x3  }
0x113: {  	v3 =	vand.u32 $0x7, v3;
	v4 =	vand.u32 $0xFFFFFFC0, v50  }
0x114: {  	v3 =	vor.u32 v3, v4  }
0x115: {  	v4 =	vperm.xlane v3, v0;
	_ =	sdelay $0x1  }
0x116: {  	v4 =	vadd.s32 v1, v4;
	_ =	sdelay $0x4  }
0x117: {  	[tilespmem:s28], [sflag:$0x1] =	stream.indirect_vreg.gather [hbm4b:s2+s3], $0x80, v4, vm0, $0xb8;
	[tilespmem:$0x10180] =	vst v63  }
0x118: {  	s31 =	simm.s32 $0x8980;
	v3 =	vperm.xlane v3, v2  }
0x119: {  	[tilespmem:s31], [sflag:$0x1] =	stream.indirect_vreg.gather [hbm4b:s5+s3], $0x80, v4, vm0, $0xb8;
	[tilespmem:$0x10180] =	vst v63  }
0x11a: {  	v3 =	vadd.s32 v1, v3  }
0x11b: {  	[tilespmem:s0], [sflag:$0x1] =	stream.indirect_vreg.gather [hbm4b:s6+s3], $0x80, v4, vm0, $0xb8;
	[tilespmem:$0x10180] =	vst v63  }
0x11c: {  	_ = 	snop  }
0x11d: {  	[tilespmem:s1], [sflag:$0x1] =	stream.indirect_vreg.gather [hbm4b:s7+s3], $0x80, v4, vm0, $0xb8;
	[tilespmem:$0x10180] =	vst v63  }
0x11e: {  	_ = 	snop  }
0x11f: {  	[tilespmem:s4], [sflag:$0x1] =	stream.indirect_vreg.gather [hbm4b:s2+s3], $0x80, v3, vm0, $0xb8;
	[tilespmem:$0x10180] =	vst v63  }
0x120: {  	s17 =	simm.s32 $0xA980  }
0x121: {  	[tilespmem:s17], [sflag:$0x1] =	stream.indirect_vreg.gather [hbm4b:s5+s3], $0x80, v3, vm0, $0xb8;
	[tilespmem:$0x10180] =	vst v63  }
0x122: {  	s22 =	simm.s32 $0xB180  }
0x123: {  	[tilespmem:s22], [sflag:$0x1] =	stream.indirect_vreg.gather [hbm4b:s6+s3], $0x80, v3, vm0, $0xb8;
	[tilespmem:$0x10180] =	vst v63  }
0x124: {  	s18 =	simm.s32 $0xB980  }
0x125: {  	[tilespmem:s18], [sflag:$0x1] =	stream.indirect_vreg.gather [hbm4b:s7+s3], $0x80, v3, vm0, $0xb8;
	[tilespmem:$0x10180] =	vst v63  }
0x126: {  	v3 =	vld [tilespmem:$0xB0];
	_ =	sdelay $0x4  }
0x127: {  	v51 =	vshll.u32 v3, $0x3  }
0x128: {  	v3 =	vand.u32 $0x7, v3;
	v4 =	vand.u32 $0xFFFFFFC0, v51  }
0x129: {  	v3 =	vor.u32 v3, v4  }
0x12a: {  	v4 =	vperm.xlane v3, v0;
	_ =	sdelay $0x1  }
0x12b: {  	v4 =	vadd.s32 v1, v4;
	_ =	sdelay $0x3  }
0x12c: {  	s21 =	simm.s32 $0xC180  }
0x12d: {  	[tilespmem:s21], [sflag:$0x1] =	stream.indirect_vreg.gather [hbm4b:s2+s3], $0x80, v4, vm0, $0xb8;
	[tilespmem:$0x10180] =	vst v63  }
0x12e: {  	s22 =	simm.s32 $0xC980;
	v3 =	vperm.xlane v3, v2  }
0x12f: {  	[tilespmem:s22], [sflag:$0x1] =	stream.indirect_vreg.gather [hbm4b:s5+s3], $0x80, v4, vm0, $0xb8;
	[tilespmem:$0x10180] =	vst v63  }
0x130: {  	s9 =	simm.s32 $0xD180;
	v3 =	vadd.s32 v1, v3  }
0x131: {  	[tilespmem:s9], [sflag:$0x1] =	stream.indirect_vreg.gather [hbm4b:s6+s3], $0x80, v4, vm0, $0xb8;
	[tilespmem:$0x10180] =	vst v63  }
0x132: {  	s11 =	simm.s32 $0xD980  }
0x133: {  	[tilespmem:s11], [sflag:$0x1] =	stream.indirect_vreg.gather [hbm4b:s7+s3], $0x80, v4, vm0, $0xb8;
	[tilespmem:$0x10180] =	vst v63  }
0x134: {  	s12 =	simm.s32 $0xE180  }
0x135: {  	[tilespmem:s12], [sflag:$0x1] =	stream.indirect_vreg.gather [hbm4b:s2+s3], $0x80, v3, vm0, $0xb8;
	[tilespmem:$0x10180] =	vst v63  }
0x136: {  	s15 =	simm.s32 $0xE980  }
0x137: {  	[tilespmem:s15], [sflag:$0x1] =	stream.indirect_vreg.gather [hbm4b:s5+s3], $0x80, v3, vm0, $0xb8;
	[tilespmem:$0x10180] =	vst v63  }
0x138: {  	s16 =	simm.s32 $0xF180  }
0x139: {  	[tilespmem:s16], [sflag:$0x1] =	stream.indirect_vreg.gather [hbm4b:s6+s3], $0x80, v3, vm0, $0xb8;
	[tilespmem:$0x10180] =	vst v63  }
0x13a: {  	s13 =	simm.s32 $0xF980  }
0x13b: {  	[tilespmem:s13], [sflag:$0x1] =	stream.indirect_vreg.gather [hbm4b:s7+s3], $0x80, v3, vm0, $0xb8;
	[tilespmem:$0x10180] =	vst v63  }
0x13c: {  	_ =	swait.ge [sflag:s26], $0x8000  }
0x13d: {  	[sflag:s26] =	ssyncset.done $0x0  }
0x13e: {  	s16 =	rddreg [dreg:$0x8];
	[sflag:s26] =	ssyncadd.s32 $0xFFFF8000  }
0x13f: {  	[hbm4b:s16+s3] =	stream.linear.scatter [tilespmem:s28], [sflag:$0x2], $0x8000, $0x38;
	[tilespmem:$0x10180] =	vst v63  }
0x140: {  	_ =	swait.ge [sflag:s19], $0x8000  }
0x141: {  	[sflag:s19] =	ssyncset.done $0x0  }
0x142: {  	[sflag:s19] =	ssyncadd.s32 $0xFFFF8000  }
0x143: {  	v3 =	vld [tilespmem:$0xC0];
	_ =	sdelay $0x4  }
0x144: {  	v52 =	vshll.u32 v3, $0x3  }
0x145: {  	v3 =	vand.u32 $0x7, v3;
	v4 =	vand.u32 $0xFFFFFFC0, v52  }
0x146: {  	v3 =	vor.u32 v3, v4  }
0x147: {  	v4 =	vperm.xlane v3, v0;
	_ =	sdelay $0x1  }
0x148: {  	v4 =	vadd.s32 v1, v4;
	_ =	sdelay $0x4  }
0x149: {  	[tilespmem:s14], [sflag:$0x1] =	stream.indirect_vreg.gather [hbm4b:s2+s3], $0x80, v4, vm0, $0xb8;
	[tilespmem:$0x10180] =	vst v63  }
0x14a: {  	s20 =	simm.s32 $0x980;
	v3 =	vperm.xlane v3, v2  }
0x14b: {  	[tilespmem:s20], [sflag:$0x1] =	stream.indirect_vreg.gather [hbm4b:s5+s3], $0x80, v4, vm0, $0xb8;
	[tilespmem:$0x10180] =	vst v63  }
0x14c: {  	v3 =	vadd.s32 v1, v3;
	s20 =	simm.s32 $0x1180  }
0x14d: {  	[tilespmem:s20], [sflag:$0x1] =	stream.indirect_vreg.gather [hbm4b:s6+s3], $0x80, v4, vm0, $0xb8;
	[tilespmem:$0x10180] =	vst v63  }
0x14e: {  	s20 =	simm.s32 $0x1980  }
0x14f: {  	[tilespmem:s20], [sflag:$0x1] =	stream.indirect_vreg.gather [hbm4b:s7+s3], $0x80, v4, vm0, $0xb8;
	[tilespmem:$0x10180] =	vst v63  }
0x150: {  	s20 =	simm.s32 $0x2180  }
0x151: {  	[tilespmem:s20], [sflag:$0x1] =	stream.indirect_vreg.gather [hbm4b:s2+s3], $0x80, v3, vm0, $0xb8;
	[tilespmem:$0x10180] =	vst v63  }
0x152: {  	s20 =	simm.s32 $0x2980  }
0x153: {  	[tilespmem:s20], [sflag:$0x1] =	stream.indirect_vreg.gather [hbm4b:s5+s3], $0x80, v3, vm0, $0xb8;
	[tilespmem:$0x10180] =	vst v63  }
0x154: {  	s20 =	simm.s32 $0x3180  }
0x155: {  	[tilespmem:s20], [sflag:$0x1] =	stream.indirect_vreg.gather [hbm4b:s6+s3], $0x80, v3, vm0, $0xb8;
	[tilespmem:$0x10180] =	vst v63  }
0x156: {  	s20 =	simm.s32 $0x3980  }
0x157: {  	[tilespmem:s20], [sflag:$0x1] =	stream.indirect_vreg.gather [hbm4b:s7+s3], $0x80, v3, vm0, $0xb8;
	[tilespmem:$0x10180] =	vst v63  }
0x158: {  	v3 =	vld [tilespmem:$0xD0];
	_ =	sdelay $0x4  }
0x159: {  	v53 =	vshll.u32 v3, $0x3  }
0x15a: {  	v3 =	vand.u32 $0x7, v3;
	v4 =	vand.u32 $0xFFFFFFC0, v53  }
0x15b: {  	v3 =	vor.u32 v3, v4  }
0x15c: {  	v4 =	vperm.xlane v3, v0;
	_ =	sdelay $0x1  }
0x15d: {  	v4 =	vadd.s32 v1, v4;
	_ =	sdelay $0x3  }
0x15e: {  	s20 =	simm.s32 $0x4180  }
0x15f: {  	[tilespmem:s20], [sflag:$0x1] =	stream.indirect_vreg.gather [hbm4b:s2+s3], $0x80, v4, vm0, $0xb8;
	[tilespmem:$0x10180] =	vst v63  }
0x160: {  	v3 =	vperm.xlane v3, v2;
	s20 =	simm.s32 $0x4980  }
0x161: {  	[tilespmem:s20], [sflag:$0x1] =	stream.indirect_vreg.gather [hbm4b:s5+s3], $0x80, v4, vm0, $0xb8;
	[tilespmem:$0x10180] =	vst v63  }
0x162: {  	s10 =	simm.s32 $0x5180;
	v3 =	vadd.s32 v1, v3  }
0x163: {  	[tilespmem:s10], [sflag:$0x1] =	stream.indirect_vreg.gather [hbm4b:s6+s3], $0x80, v4, vm0, $0xb8;
	[tilespmem:$0x10180] =	vst v63  }
0x164: {  	s23 =	simm.s32 $0x5980  }
0x165: {  	[tilespmem:s23], [sflag:$0x1] =	stream.indirect_vreg.gather [hbm4b:s7+s3], $0x80, v4, vm0, $0xb8;
	[tilespmem:$0x10180] =	vst v63  }
0x166: {  	s24 =	simm.s32 $0x6180  }
0x167: {  	[tilespmem:s24], [sflag:$0x1] =	stream.indirect_vreg.gather [hbm4b:s2+s3], $0x80, v3, vm0, $0xb8;
	[tilespmem:$0x10180] =	vst v63  }
0x168: {  	s25 =	simm.s32 $0x6980  }
0x169: {  	[tilespmem:s25], [sflag:$0x1] =	stream.indirect_vreg.gather [hbm4b:s5+s3], $0x80, v3, vm0, $0xb8;
	[tilespmem:$0x10180] =	vst v63  }
0x16a: {  	s30 =	simm.s32 $0x7180  }
0x16b: {  	[tilespmem:s30], [sflag:$0x1] =	stream.indirect_vreg.gather [hbm4b:s6+s3], $0x80, v3, vm0, $0xb8;
	[tilespmem:$0x10180] =	vst v63  }
0x16c: {  	s29 =	simm.s32 $0x7980  }
0x16d: {  	[tilespmem:s29], [sflag:$0x1] =	stream.indirect_vreg.gather [hbm4b:s7+s3], $0x80, v3, vm0, $0xb8;
	[tilespmem:$0x10180] =	vst v63  }
0x16e: {  	_ =	swait.ge [sflag:s26], $0x8000  }
0x16f: {  	[sflag:s26] =	ssyncset.done $0x0  }
0x170: {  	s25 =	rddreg [dreg:$0x9];
	[sflag:s26] =	ssyncadd.s32 $0xFFFF8000  }
0x171: {  	[hbm4b:s25+s3] =	stream.linear.scatter [tilespmem:s14], [sflag:$0x2], $0x8000, $0x38;
	[tilespmem:$0x10180] =	vst v63  }
0x172: {  	_ =	swait.ge [sflag:s19], $0x8000  }
0x173: {  	[sflag:s19] =	ssyncset.done $0x0  }
0x174: {  	[sflag:s19] =	ssyncadd.s32 $0xFFFF8000  }
0x175: {  	v3 =	vld [tilespmem:$0xE0];
	_ =	sdelay $0x4  }
0x176: {  	v54 =	vshll.u32 v3, $0x3  }
0x177: {  	v3 =	vand.u32 $0x7, v3;
	v4 =	vand.u32 $0xFFFFFFC0, v54  }
0x178: {  	v3 =	vor.u32 v3, v4  }
0x179: {  	v4 =	vperm.xlane v3, v0;
	_ =	sdelay $0x1  }
0x17a: {  	v4 =	vadd.s32 v1, v4;
	_ =	sdelay $0x4  }
0x17b: {  	[tilespmem:s28], [sflag:$0x1] =	stream.indirect_vreg.gather [hbm4b:s2+s3], $0x80, v4, vm0, $0xb8;
	[tilespmem:$0x10180] =	vst v63  }
0x17c: {  	s30 =	simm.s32 $0x8980;
	v3 =	vperm.xlane v3, v2  }
0x17d: {  	[tilespmem:s30], [sflag:$0x1] =	stream.indirect_vreg.gather [hbm4b:s5+s3], $0x80, v4, vm0, $0xb8;
	[tilespmem:$0x10180] =	vst v63  }
0x17e: {  	s0 =	simm.s32 $0x9180;
	v3 =	vadd.s32 v1, v3  }
0x17f: {  	[tilespmem:s0], [sflag:$0x1] =	stream.indirect_vreg.gather [hbm4b:s6+s3], $0x80, v4, vm0, $0xb8;
	[tilespmem:$0x10180] =	vst v63  }
0x180: {  	s1 =	simm.s32 $0x9980  }
0x181: {  	[tilespmem:s1], [sflag:$0x1] =	stream.indirect_vreg.gather [hbm4b:s7+s3], $0x80, v4, vm0, $0xb8;
	[tilespmem:$0x10180] =	vst v63  }
0x182: {  	s4 =	simm.s32 $0xA180  }
0x183: {  	[tilespmem:s4], [sflag:$0x1] =	stream.indirect_vreg.gather [hbm4b:s2+s3], $0x80, v3, vm0, $0xb8;
	[tilespmem:$0x10180] =	vst v63  }
0x184: {  	s31 =	simm.s32 $0xA980  }
0x185: {  	[tilespmem:s31], [sflag:$0x1] =	stream.indirect_vreg.gather [hbm4b:s5+s3], $0x80, v3, vm0, $0xb8;
	[tilespmem:$0x10180] =	vst v63  }
0x186: {  	s17 =	simm.s32 $0xB180  }
0x187: {  	[tilespmem:s17], [sflag:$0x1] =	stream.indirect_vreg.gather [hbm4b:s6+s3], $0x80, v3, vm0, $0xb8;
	[tilespmem:$0x10180] =	vst v63  }
0x188: {  	s18 =	simm.s32 $0xB980  }
0x189: {  	[tilespmem:s18], [sflag:$0x1] =	stream.indirect_vreg.gather [hbm4b:s7+s3], $0x80, v3, vm0, $0xb8;
	[tilespmem:$0x10180] =	vst v63  }
0x18a: {  	v3 =	vld [tilespmem:$0xF0];
	_ =	sdelay $0x4  }
0x18b: {  	v55 =	vshll.u32 v3, $0x3  }
0x18c: {  	v3 =	vand.u32 $0x7, v3;
	v4 =	vand.u32 $0xFFFFFFC0, v55  }
0x18d: {  	v3 =	vor.u32 v3, v4  }
0x18e: {  	v4 =	vperm.xlane v3, v0;
	_ =	sdelay $0x1  }
0x18f: {  	v4 =	vadd.s32 v1, v4;
	_ =	sdelay $0x3  }
0x190: {  	s21 =	simm.s32 $0xC180  }
0x191: {  	[tilespmem:s21], [sflag:$0x1] =	stream.indirect_vreg.gather [hbm4b:s2+s3], $0x80, v4, vm0, $0xb8;
	[tilespmem:$0x10180] =	vst v63  }
0x192: {  	s31 =	simm.s32 $0xC980;
	v3 =	vperm.xlane v3, v2  }
0x193: {  	[tilespmem:s31], [sflag:$0x1] =	stream.indirect_vreg.gather [hbm4b:s5+s3], $0x80, v4, vm0, $0xb8;
	[tilespmem:$0x10180] =	vst v63  }
0x194: {  	s22 =	simm.s32 $0xD180;
	v3 =	vadd.s32 v1, v3  }
0x195: {  	[tilespmem:s22], [sflag:$0x1] =	stream.indirect_vreg.gather [hbm4b:s6+s3], $0x80, v4, vm0, $0xb8;
	[tilespmem:$0x10180] =	vst v63  }
0x196: {  	s9 =	simm.s32 $0xD980  }
0x197: {  	[tilespmem:s9], [sflag:$0x1] =	stream.indirect_vreg.gather [hbm4b:s7+s3], $0x80, v4, vm0, $0xb8;
	[tilespmem:$0x10180] =	vst v63  }
0x198: {  	s11 =	simm.s32 $0xE180  }
0x199: {  	[tilespmem:s11], [sflag:$0x1] =	stream.indirect_vreg.gather [hbm4b:s2+s3], $0x80, v3, vm0, $0xb8;
	[tilespmem:$0x10180] =	vst v63  }
0x19a: {  	s12 =	simm.s32 $0xE980  }
0x19b: {  	[tilespmem:s12], [sflag:$0x1] =	stream.indirect_vreg.gather [hbm4b:s5+s3], $0x80, v3, vm0, $0xb8;
	[tilespmem:$0x10180] =	vst v63  }
0x19c: {  	s15 =	simm.s32 $0xF180  }
0x19d: {  	[tilespmem:s15], [sflag:$0x1] =	stream.indirect_vreg.gather [hbm4b:s6+s3], $0x80, v3, vm0, $0xb8;
	[tilespmem:$0x10180] =	vst v63  }
0x19e: {  	s13 =	simm.s32 $0xF980  }
0x19f: {  	[tilespmem:s13], [sflag:$0x1] =	stream.indirect_vreg.gather [hbm4b:s7+s3], $0x80, v3, vm0, $0xb8;
	[tilespmem:$0x10180] =	vst v63  }
0x1a0: {  	_ =	swait.ge [sflag:s26], $0x8000  }
0x1a1: {  	[sflag:s26] =	ssyncset.done $0x0  }
0x1a2: {  	s13 =	rddreg [dreg:$0xa];
	[sflag:s26] =	ssyncadd.s32 $0xFFFF8000  }
0x1a3: {  	[hbm4b:s13+s3] =	stream.linear.scatter [tilespmem:s28], [sflag:$0x2], $0x8000, $0x38;
	[tilespmem:$0x10180] =	vst v63  }
0x1a4: {  	_ =	swait.ge [sflag:s19], $0x8000  }
0x1a5: {  	[sflag:s19] =	ssyncset.done $0x0  }
0x1a6: {  	[sflag:s19] =	ssyncadd.s32 $0xFFFF8000  }
0x1a7: {  	v3 =	vld [tilespmem:$0x100];
	_ =	sdelay $0x4  }
0x1a8: {  	v56 =	vshll.u32 v3, $0x3  }
0x1a9: {  	v3 =	vand.u32 $0x7, v3;
	v4 =	vand.u32 $0xFFFFFFC0, v56  }
0x1aa: {  	v3 =	vor.u32 v3, v4  }
0x1ab: {  	v4 =	vperm.xlane v3, v0;
	_ =	sdelay $0x1  }
0x1ac: {  	v4 =	vadd.s32 v1, v4;
	_ =	sdelay $0x4  }
0x1ad: {  	[tilespmem:s14], [sflag:$0x1] =	stream.indirect_vreg.gather [hbm4b:s2+s3], $0x80, v4, vm0, $0xb8;
	[tilespmem:$0x10180] =	vst v63  }
0x1ae: {  	s22 =	simm.s32 $0x980;
	v3 =	vperm.xlane v3, v2  }
0x1af: {  	[tilespmem:s22], [sflag:$0x1] =	stream.indirect_vreg.gather [hbm4b:s5+s3], $0x80, v4, vm0, $0xb8;
	[tilespmem:$0x10180] =	vst v63  }
0x1b0: {  	s31 =	simm.s32 $0x1180;
	v3 =	vadd.s32 v1, v3  }
0x1b1: {  	[tilespmem:s31], [sflag:$0x1] =	stream.indirect_vreg.gather [hbm4b:s6+s3], $0x80, v4, vm0, $0xb8;
	[tilespmem:$0x10180] =	vst v63  }
0x1b2: {  	s13 =	simm.s32 $0x1980  }
0x1b3: {  	[tilespmem:s13], [sflag:$0x1] =	stream.indirect_vreg.gather [hbm4b:s7+s3], $0x80, v4, vm0, $0xb8;
	[tilespmem:$0x10180] =	vst v63  }
0x1b4: {  	s20 =	simm.s32 $0x2180  }
0x1b5: {  	[tilespmem:s20], [sflag:$0x1] =	stream.indirect_vreg.gather [hbm4b:s2+s3], $0x80, v3, vm0, $0xb8;
	[tilespmem:$0x10180] =	vst v63  }
0x1b6: {  	s22 =	simm.s32 $0x2980  }
0x1b7: {  	[tilespmem:s22], [sflag:$0x1] =	stream.indirect_vreg.gather [hbm4b:s5+s3], $0x80, v3, vm0, $0xb8;
	[tilespmem:$0x10180] =	vst v63  }
0x1b8: {  	s31 =	simm.s32 $0x3180  }
0x1b9: {  	[tilespmem:s31], [sflag:$0x1] =	stream.indirect_vreg.gather [hbm4b:s6+s3], $0x80, v3, vm0, $0xb8;
	[tilespmem:$0x10180] =	vst v63  }
0x1ba: {  	s13 =	simm.s32 $0x3980  }
0x1bb: {  	[tilespmem:s13], [sflag:$0x1] =	stream.indirect_vreg.gather [hbm4b:s7+s3], $0x80, v3, vm0, $0xb8;
	[tilespmem:$0x10180] =	vst v63  }
0x1bc: {  	v3 =	vld [tilespmem:$0x110];
	_ =	sdelay $0x4  }
0x1bd: {  	v57 =	vshll.u32 v3, $0x3  }
0x1be: {  	v3 =	vand.u32 $0x7, v3;
	v4 =	vand.u32 $0xFFFFFFC0, v57  }
0x1bf: {  	v3 =	vor.u32 v3, v4  }
0x1c0: {  	v4 =	vperm.xlane v3, v0;
	_ =	sdelay $0x1  }
0x1c1: {  	v4 =	vadd.s32 v1, v4;
	_ =	sdelay $0x3  }
0x1c2: {  	s20 =	simm.s32 $0x4180  }
0x1c3: {  	[tilespmem:s20], [sflag:$0x1] =	stream.indirect_vreg.gather [hbm4b:s2+s3], $0x80, v4, vm0, $0xb8;
	[tilespmem:$0x10180] =	vst v63  }
0x1c4: {  	s22 =	simm.s32 $0x4980;
	v3 =	vperm.xlane v3, v2  }
0x1c5: {  	[tilespmem:s22], [sflag:$0x1] =	stream.indirect_vreg.gather [hbm4b:s5+s3], $0x80, v4, vm0, $0xb8;
	[tilespmem:$0x10180] =	vst v63  }
0x1c6: {  	s10 =	simm.s32 $0x5180;
	v3 =	vadd.s32 v1, v3  }
0x1c7: {  	[tilespmem:s10], [sflag:$0x1] =	stream.indirect_vreg.gather [hbm4b:s6+s3], $0x80, v4, vm0, $0xb8;
	[tilespmem:$0x10180] =	vst v63  }
0x1c8: {  	s16 =	simm.s32 $0x5980  }
0x1c9: {  	[tilespmem:s16], [sflag:$0x1] =	stream.indirect_vreg.gather [hbm4b:s7+s3], $0x80, v4, vm0, $0xb8;
	[tilespmem:$0x10180] =	vst v63  }
0x1ca: {  	s24 =	simm.s32 $0x6180  }
0x1cb: {  	[tilespmem:s24], [sflag:$0x1] =	stream.indirect_vreg.gather [hbm4b:s2+s3], $0x80, v3, vm0, $0xb8;
	[tilespmem:$0x10180] =	vst v63  }
0x1cc: {  	s23 =	simm.s32 $0x6980  }
0x1cd: {  	[tilespmem:s23], [sflag:$0x1] =	stream.indirect_vreg.gather [hbm4b:s5+s3], $0x80, v3, vm0, $0xb8;
	[tilespmem:$0x10180] =	vst v63  }
0x1ce: {  	s31 =	simm.s32 $0x7180  }
0x1cf: {  	[tilespmem:s31], [sflag:$0x1] =	stream.indirect_vreg.gather [hbm4b:s6+s3], $0x80, v3, vm0, $0xb8;
	[tilespmem:$0x10180] =	vst v63  }
0x1d0: {  	s29 =	simm.s32 $0x7980  }
0x1d1: {  	[tilespmem:s29], [sflag:$0x1] =	stream.indirect_vreg.gather [hbm4b:s7+s3], $0x80, v3, vm0, $0xb8;
	[tilespmem:$0x10180] =	vst v63  }
0x1d2: {  	_ =	swait.ge [sflag:s26], $0x8000  }
0x1d3: {  	[sflag:s26] =	ssyncset.done $0x0  }
0x1d4: {  	s23 =	rddreg [dreg:$0xb];
	[sflag:s26] =	ssyncadd.s32 $0xFFFF8000  }
0x1d5: {  	[hbm4b:s23+s3] =	stream.linear.scatter [tilespmem:s14], [sflag:$0x2], $0x8000, $0x38;
	[tilespmem:$0x10180] =	vst v63  }
0x1d6: {  	_ =	swait.ge [sflag:s19], $0x8000  }
0x1d7: {  	[sflag:s19] =	ssyncset.done $0x0  }
0x1d8: {  	[sflag:s19] =	ssyncadd.s32 $0xFFFF8000  }
0x1d9: {  	v3 =	vld [tilespmem:$0x120];
	_ =	sdelay $0x4  }
0x1da: {  	v58 =	vshll.u32 v3, $0x3  }
0x1db: {  	v3 =	vand.u32 $0x7, v3;
	v4 =	vand.u32 $0xFFFFFFC0, v58  }
0x1dc: {  	v3 =	vor.u32 v3, v4  }
0x1dd: {  	v4 =	vperm.xlane v3, v0;
	_ =	sdelay $0x1  }
0x1de: {  	v4 =	vadd.s32 v1, v4;
	_ =	sdelay $0x4  }
0x1df: {  	[tilespmem:s28], [sflag:$0x1] =	stream.indirect_vreg.gather [hbm4b:s2+s3], $0x80, v4, vm0, $0xb8;
	[tilespmem:$0x10180] =	vst v63  }
0x1e0: {  	s24 =	simm.s32 $0x8980;
	v3 =	vperm.xlane v3, v2  }
0x1e1: {  	[tilespmem:s24], [sflag:$0x1] =	stream.indirect_vreg.gather [hbm4b:s5+s3], $0x80, v4, vm0, $0xb8;
	[tilespmem:$0x10180] =	vst v63  }
0x1e2: {  	s0 =	simm.s32 $0x9180;
	v3 =	vadd.s32 v1, v3  }
0x1e3: {  	[tilespmem:s0], [sflag:$0x1] =	stream.indirect_vreg.gather [hbm4b:s6+s3], $0x80, v4, vm0, $0xb8;
	[tilespmem:$0x10180] =	vst v63  }
0x1e4: {  	s1 =	simm.s32 $0x9980  }
0x1e5: {  	[tilespmem:s1], [sflag:$0x1] =	stream.indirect_vreg.gather [hbm4b:s7+s3], $0x80, v4, vm0, $0xb8;
	[tilespmem:$0x10180] =	vst v63  }
0x1e6: {  	s4 =	simm.s32 $0xA180  }
0x1e7: {  	[tilespmem:s4], [sflag:$0x1] =	stream.indirect_vreg.gather [hbm4b:s2+s3], $0x80, v3, vm0, $0xb8;
	[tilespmem:$0x10180] =	vst v63  }
0x1e8: {  	s30 =	simm.s32 $0xA980  }
0x1e9: {  	[tilespmem:s30], [sflag:$0x1] =	stream.indirect_vreg.gather [hbm4b:s5+s3], $0x80, v3, vm0, $0xb8;
	[tilespmem:$0x10180] =	vst v63  }
0x1ea: {  	s17 =	simm.s32 $0xB180  }
0x1eb: {  	[tilespmem:s17], [sflag:$0x1] =	stream.indirect_vreg.gather [hbm4b:s6+s3], $0x80, v3, vm0, $0xb8;
	[tilespmem:$0x10180] =	vst v63  }
0x1ec: {  	s20 =	simm.s32 $0xB980  }
0x1ed: {  	[tilespmem:s20], [sflag:$0x1] =	stream.indirect_vreg.gather [hbm4b:s7+s3], $0x80, v3, vm0, $0xb8;
	[tilespmem:$0x10180] =	vst v63  }
0x1ee: {  	v3 =	vld [tilespmem:$0x130];
	_ =	sdelay $0x4  }
0x1ef: {  	v59 =	vshll.u32 v3, $0x3  }
0x1f0: {  	v3 =	vand.u32 $0x7, v3;
	v4 =	vand.u32 $0xFFFFFFC0, v59  }
0x1f1: {  	v3 =	vor.u32 v3, v4  }
0x1f2: {  	v4 =	vperm.xlane v3, v0;
	_ =	sdelay $0x1  }
0x1f3: {  	v4 =	vadd.s32 v1, v4;
	_ =	sdelay $0x3  }
0x1f4: {  	s21 =	simm.s32 $0xC180  }
0x1f5: {  	[tilespmem:s21], [sflag:$0x1] =	stream.indirect_vreg.gather [hbm4b:s2+s3], $0x80, v4, vm0, $0xb8;
	[tilespmem:$0x10180] =	vst v63  }
0x1f6: {  	v3 =	vperm.xlane v3, v2;
	s21 =	simm.s32 $0xC980  }
0x1f7: {  	[tilespmem:s21], [sflag:$0x1] =	stream.indirect_vreg.gather [hbm4b:s5+s3], $0x80, v4, vm0, $0xb8;
	[tilespmem:$0x10180] =	vst v63  }
0x1f8: {  	s25 =	simm.s32 $0xD180;
	v3 =	vadd.s32 v1, v3  }
0x1f9: {  	[tilespmem:s25], [sflag:$0x1] =	stream.indirect_vreg.gather [hbm4b:s6+s3], $0x80, v4, vm0, $0xb8;
	[tilespmem:$0x10180] =	vst v63  }
0x1fa: {  	s18 =	simm.s32 $0xD980  }
0x1fb: {  	[tilespmem:s18], [sflag:$0x1] =	stream.indirect_vreg.gather [hbm4b:s7+s3], $0x80, v4, vm0, $0xb8;
	[tilespmem:$0x10180] =	vst v63  }
0x1fc: {  	s11 =	simm.s32 $0xE180  }
0x1fd: {  	[tilespmem:s11], [sflag:$0x1] =	stream.indirect_vreg.gather [hbm4b:s2+s3], $0x80, v3, vm0, $0xb8;
	[tilespmem:$0x10180] =	vst v63  }
0x1fe: {  	s12 =	simm.s32 $0xE980  }
0x1ff: {  	[tilespmem:s12], [sflag:$0x1] =	stream.indirect_vreg.gather [hbm4b:s5+s3], $0x80, v3, vm0, $0xb8;
	[tilespmem:$0x10180] =	vst v63  }
0x200: {  	s15 =	simm.s32 $0xF180  }
0x201: {  	[tilespmem:s15], [sflag:$0x1] =	stream.indirect_vreg.gather [hbm4b:s6+s3], $0x80, v3, vm0, $0xb8;
	[tilespmem:$0x10180] =	vst v63  }
0x202: {  	s20 =	simm.s32 $0xF980  }
0x203: {  	[tilespmem:s20], [sflag:$0x1] =	stream.indirect_vreg.gather [hbm4b:s7+s3], $0x80, v3, vm0, $0xb8;
	[tilespmem:$0x10180] =	vst v63  }
0x204: {  	_ =	swait.ge [sflag:s26], $0x8000  }
0x205: {  	[sflag:s26] =	ssyncset.done $0x0  }
0x206: {  	s25 =	rddreg [dreg:$0xc];
	[sflag:s26] =	ssyncadd.s32 $0xFFFF8000  }
0x207: {  	[hbm4b:s25+s3] =	stream.linear.scatter [tilespmem:s28], [sflag:$0x2], $0x8000, $0x38;
	[tilespmem:$0x10180] =	vst v63  }
0x208: {  	_ =	swait.ge [sflag:s19], $0x8000  }
0x209: {  	[sflag:s19] =	ssyncset.done $0x0  }
0x20a: {  	[sflag:s19] =	ssyncadd.s32 $0xFFFF8000  }
0x20b: {  	v3 =	vld [tilespmem:$0x140];
	_ =	sdelay $0x4  }
0x20c: {  	v60 =	vshll.u32 v3, $0x3  }
0x20d: {  	v3 =	vand.u32 $0x7, v3;
	v4 =	vand.u32 $0xFFFFFFC0, v60  }
0x20e: {  	v3 =	vor.u32 v3, v4  }
0x20f: {  	v4 =	vperm.xlane v3, v0;
	_ =	sdelay $0x1  }
0x210: {  	v4 =	vadd.s32 v1, v4;
	_ =	sdelay $0x4  }
0x211: {  	[tilespmem:s14], [sflag:$0x1] =	stream.indirect_vreg.gather [hbm4b:s2+s3], $0x80, v4, vm0, $0xb8;
	[tilespmem:$0x10180] =	vst v63  }
0x212: {  	s25 =	simm.s32 $0x980;
	v3 =	vperm.xlane v3, v2  }
0x213: {  	[tilespmem:s25], [sflag:$0x1] =	stream.indirect_vreg.gather [hbm4b:s5+s3], $0x80, v4, vm0, $0xb8;
	[tilespmem:$0x10180] =	vst v63  }
0x214: {  	v3 =	vadd.s32 v1, v3;
	s25 =	simm.s32 $0x1180  }
0x215: {  	[tilespmem:s25], [sflag:$0x1] =	stream.indirect_vreg.gather [hbm4b:s6+s3], $0x80, v4, vm0, $0xb8;
	[tilespmem:$0x10180] =	vst v63  }
0x216: {  	s25 =	simm.s32 $0x1980  }
0x217: {  	[tilespmem:s25], [sflag:$0x1] =	stream.indirect_vreg.gather [hbm4b:s7+s3], $0x80, v4, vm0, $0xb8;
	[tilespmem:$0x10180] =	vst v63  }
0x218: {  	s25 =	simm.s32 $0x2180  }
0x219: {  	[tilespmem:s25], [sflag:$0x1] =	stream.indirect_vreg.gather [hbm4b:s2+s3], $0x80, v3, vm0, $0xb8;
	[tilespmem:$0x10180] =	vst v63  }
0x21a: {  	s25 =	simm.s32 $0x2980  }
0x21b: {  	[tilespmem:s25], [sflag:$0x1] =	stream.indirect_vreg.gather [hbm4b:s5+s3], $0x80, v3, vm0, $0xb8;
	[tilespmem:$0x10180] =	vst v63  }
0x21c: {  	s25 =	simm.s32 $0x3180  }
0x21d: {  	[tilespmem:s25], [sflag:$0x1] =	stream.indirect_vreg.gather [hbm4b:s6+s3], $0x80, v3, vm0, $0xb8;
	[tilespmem:$0x10180] =	vst v63  }
0x21e: {  	s25 =	simm.s32 $0x3980  }
0x21f: {  	[tilespmem:s25], [sflag:$0x1] =	stream.indirect_vreg.gather [hbm4b:s7+s3], $0x80, v3, vm0, $0xb8;
	[tilespmem:$0x10180] =	vst v63  }
0x220: {  	v3 =	vld [tilespmem:$0x150];
	_ =	sdelay $0x4  }
0x221: {  	v61 =	vshll.u32 v3, $0x3  }
0x222: {  	v3 =	vand.u32 $0x7, v3;
	v4 =	vand.u32 $0xFFFFFFC0, v61  }
0x223: {  	v3 =	vor.u32 v3, v4  }
0x224: {  	v4 =	vperm.xlane v3, v0;
	_ =	sdelay $0x1  }
0x225: {  	v4 =	vadd.s32 v1, v4;
	_ =	sdelay $0x3  }
0x226: {  	s25 =	simm.s32 $0x4180  }
0x227: {  	[tilespmem:s25], [sflag:$0x1] =	stream.indirect_vreg.gather [hbm4b:s2+s3], $0x80, v4, vm0, $0xb8;
	[tilespmem:$0x10180] =	vst v63  }
0x228: {  	s9 =	simm.s32 $0x4980;
	v3 =	vperm.xlane v3, v2  }
0x229: {  	[tilespmem:s9], [sflag:$0x1] =	stream.indirect_vreg.gather [hbm4b:s5+s3], $0x80, v4, vm0, $0xb8;
	[tilespmem:$0x10180] =	vst v63  }
0x22a: {  	s13 =	simm.s32 $0x5180;
	v3 =	vadd.s32 v1, v3  }
0x22b: {  	[tilespmem:s13], [sflag:$0x1] =	stream.indirect_vreg.gather [hbm4b:s6+s3], $0x80, v4, vm0, $0xb8;
	[tilespmem:$0x10180] =	vst v63  }
0x22c: {  	s10 =	simm.s32 $0x5980  }
0x22d: {  	[tilespmem:s10], [sflag:$0x1] =	stream.indirect_vreg.gather [hbm4b:s7+s3], $0x80, v4, vm0, $0xb8;
	[tilespmem:$0x10180] =	vst v63  }
0x22e: {  	s22 =	simm.s32 $0x6180  }
0x22f: {  	[tilespmem:s22], [sflag:$0x1] =	stream.indirect_vreg.gather [hbm4b:s2+s3], $0x80, v3, vm0, $0xb8;
	[tilespmem:$0x10180] =	vst v63  }
0x230: {  	s16 =	simm.s32 $0x6980  }
0x231: {  	[tilespmem:s16], [sflag:$0x1] =	stream.indirect_vreg.gather [hbm4b:s5+s3], $0x80, v3, vm0, $0xb8;
	[tilespmem:$0x10180] =	vst v63  }
0x232: {  	s31 =	simm.s32 $0x7180  }
0x233: {  	[tilespmem:s31], [sflag:$0x1] =	stream.indirect_vreg.gather [hbm4b:s6+s3], $0x80, v3, vm0, $0xb8;
	[tilespmem:$0x10180] =	vst v63  }
0x234: {  	s29 =	simm.s32 $0x7980  }
0x235: {  	[tilespmem:s29], [sflag:$0x1] =	stream.indirect_vreg.gather [hbm4b:s7+s3], $0x80, v3, vm0, $0xb8;
	[tilespmem:$0x10180] =	vst v63  }
0x236: {  	_ =	swait.ge [sflag:s26], $0x8000  }
0x237: {  	[sflag:s26] =	ssyncset.done $0x0  }
0x238: {  	s22 =	rddreg [dreg:$0xd];
	[sflag:s26] =	ssyncadd.s32 $0xFFFF8000  }
0x239: {  	[hbm4b:s22+s3] =	stream.linear.scatter [tilespmem:s14], [sflag:$0x2], $0x8000, $0x38;
	[tilespmem:$0x10180] =	vst v63  }
0x23a: {  	_ =	swait.ge [sflag:s19], $0x8000  }
0x23b: {  	[sflag:s19] =	ssyncset.done $0x0  }
0x23c: {  	[sflag:s19] =	ssyncadd.s32 $0xFFFF8000  }
0x23d: {  	v3 =	vld [tilespmem:$0x160];
	_ =	sdelay $0x4  }
0x23e: {  	v62 =	vshll.u32 v3, $0x3  }
0x23f: {  	v3 =	vand.u32 $0x7, v3;
	v4 =	vand.u32 $0xFFFFFFC0, v62  }
0x240: {  	v3 =	vor.u32 v3, v4  }
0x241: {  	v4 =	vperm.xlane v3, v0;
	_ =	sdelay $0x1  }
0x242: {  	v4 =	vadd.s32 v1, v4;
	_ =	sdelay $0x4  }
0x243: {  	[tilespmem:s28], [sflag:$0x1] =	stream.indirect_vreg.gather [hbm4b:s2+s3], $0x80, v4, vm0, $0xb8;
	[tilespmem:$0x10180] =	vst v63  }
0x244: {  	s25 =	simm.s32 $0x8980;
	v3 =	vperm.xlane v3, v2  }
0x245: {  	[tilespmem:s25], [sflag:$0x1] =	stream.indirect_vreg.gather [hbm4b:s5+s3], $0x80, v4, vm0, $0xb8;
	[tilespmem:$0x10180] =	vst v63  }
0x246: {  	s23 =	simm.s32 $0x9180;
	v3 =	vadd.s32 v1, v3  }
0x247: {  	[tilespmem:s23], [sflag:$0x1] =	stream.indirect_vreg.gather [hbm4b:s6+s3], $0x80, v4, vm0, $0xb8;
	[tilespmem:$0x10180] =	vst v63  }
0x248: {  	s0 =	simm.s32 $0x9980  }
0x249: {  	[tilespmem:s0], [sflag:$0x1] =	stream.indirect_vreg.gather [hbm4b:s7+s3], $0x80, v4, vm0, $0xb8;
	[tilespmem:$0x10180] =	vst v63  }
0x24a: {  	s1 =	simm.s32 $0xA180  }
0x24b: {  	[tilespmem:s1], [sflag:$0x1] =	stream.indirect_vreg.gather [hbm4b:s2+s3], $0x80, v3, vm0, $0xb8;
	[tilespmem:$0x10180] =	vst v63  }
0x24c: {  	s30 =	simm.s32 $0xA980  }
0x24d: {  	[tilespmem:s30], [sflag:$0x1] =	stream.indirect_vreg.gather [hbm4b:s5+s3], $0x80, v3, vm0, $0xb8;
	[tilespmem:$0x10180] =	vst v63  }
0x24e: {  	s4 =	simm.s32 $0xB180  }
0x24f: {  	[tilespmem:s4], [sflag:$0x1] =	stream.indirect_vreg.gather [hbm4b:s6+s3], $0x80, v3, vm0, $0xb8;
	[tilespmem:$0x10180] =	vst v63  }
0x250: {  	s29 =	simm.s32 $0xB980  }
0x251: {  	[tilespmem:s29], [sflag:$0x1] =	stream.indirect_vreg.gather [hbm4b:s7+s3], $0x80, v3, vm0, $0xb8;
	[tilespmem:$0x10180] =	vst v63  }
0x252: {  	v3 =	vld [tilespmem:$0x170];
	_ =	sdelay $0x4  }
0x253: {  	v63 =	vshll.u32 v3, $0x3  }
0x254: {  	v3 =	vand.u32 $0x7, v3;
	v4 =	vand.u32 $0xFFFFFFC0, v63  }
0x255: {  	v3 =	vor.u32 v3, v4  }
0x256: {  	v4 =	vperm.xlane v3, v0;
	_ =	sdelay $0x1  }
0x257: {  	v4 =	vadd.s32 v1, v4;
	_ =	sdelay $0x3  }
0x258: {  	s24 =	simm.s32 $0xC180  }
0x259: {  	[tilespmem:s24], [sflag:$0x1] =	stream.indirect_vreg.gather [hbm4b:s2+s3], $0x80, v4, vm0, $0xb8;
	[tilespmem:$0x10180] =	vst v63  }
0x25a: {  	s30 =	simm.s32 $0xC980;
	v3 =	vperm.xlane v3, v2  }
0x25b: {  	[tilespmem:s30], [sflag:$0x1] =	stream.indirect_vreg.gather [hbm4b:s5+s3], $0x80, v4, vm0, $0xb8;
	[tilespmem:$0x10180] =	vst v63  }
0x25c: {  	s21 =	simm.s32 $0xD180;
	v3 =	vadd.s32 v1, v3  }
0x25d: {  	[tilespmem:s21], [sflag:$0x1] =	stream.indirect_vreg.gather [hbm4b:s6+s3], $0x80, v4, vm0, $0xb8;
	[tilespmem:$0x10180] =	vst v63  }
0x25e: {  	s17 =	simm.s32 $0xD980  }
0x25f: {  	[tilespmem:s17], [sflag:$0x1] =	stream.indirect_vreg.gather [hbm4b:s7+s3], $0x80, v4, vm0, $0xb8;
	[tilespmem:$0x10180] =	vst v63  }
0x260: {  	s18 =	simm.s32 $0xE180  }
0x261: {  	[tilespmem:s18], [sflag:$0x1] =	stream.indirect_vreg.gather [hbm4b:s2+s3], $0x80, v3, vm0, $0xb8;
	[tilespmem:$0x10180] =	vst v63  }
0x262: {  	s11 =	simm.s32 $0xE980  }
0x263: {  	[tilespmem:s11], [sflag:$0x1] =	stream.indirect_vreg.gather [hbm4b:s5+s3], $0x80, v3, vm0, $0xb8;
	[tilespmem:$0x10180] =	vst v63  }
0x264: {  	s12 =	simm.s32 $0xF180  }
0x265: {  	[tilespmem:s12], [sflag:$0x1] =	stream.indirect_vreg.gather [hbm4b:s6+s3], $0x80, v3, vm0, $0xb8;
	[tilespmem:$0x10180] =	vst v63  }
0x266: {  	s15 =	simm.s32 $0xF980  }
0x267: {  	[tilespmem:s15], [sflag:$0x1] =	stream.indirect_vreg.gather [hbm4b:s7+s3], $0x80, v3, vm0, $0xb8;
	[tilespmem:$0x10180] =	vst v63  }
0x268: {  	_ =	swait.ge [sflag:s26], $0x8000  }
0x269: {  	[sflag:s26] =	ssyncset.done $0x0  }
0x26a: {  	s31 =	rddreg [dreg:$0xe];
	[sflag:s26] =	ssyncadd.s32 $0xFFFF8000  }
0x26b: {  	[hbm4b:s31+s3] =	stream.linear.scatter [tilespmem:s28], [sflag:$0x2], $0x8000, $0x38;
	[tilespmem:$0x10180] =	vst v63  }
0x26c: {  	p0 =	sne.s32 s8, $0x1;
	_ =	swait.ge [sflag:s19], $0x8000  }
.Ltmp0:
0x26d: {  	[sflag:s19] =	ssyncset.done $0x0;
	(pc) =	sbr.rel @p0 .LBB2_1-.Ltmp0, $4  }
0x26e: {  	[sflag:s19] =	ssyncadd.s32 $0xFFFF8000  }
0x26f: {  	_ =	swait.ge [sflag:s19], $0x8000  }
0x270: {  	[sflag:s19] =	ssyncset.done $0x0  }
0x271: {  	s8 =	sadd.s32 $0xFFFFFFFF, s8;
	[sflag:s19] =	ssyncadd.s32 $0xFFFF8000  }
0x272: {  	_ =	sfence.sel $0x180000  }
0x273: {  	[bflag:$0x0] =	sbarrier.arrive $0xFFFF  }
0x274: {  	_ =	strace $0x90000047  }
0x275: {  	s0 =	stileid.u32;
	[bflag:$0x2] =	sbarrier.arrive $0xFFFF  }
0x276: {  	p0 =	sne.s32 s0, $0x0;
	s0 =	rddreg [dreg:$0x2]  }
0x277: {  	s0 =	sadd.s32 @!p0 $0x100000, s0  }
0x278: {  	[sflag:s0] =	ssyncadd.tile.s32 @!p0 $0x1;
	_ =	shalt  }
.Lfunc_end2:
_tile_overlayer_lowered:
.L_overlay_start_2:
0x279: {  	(tag) =	ssettag $0x2  }
0x27a: {  	s0 =	rddreg [dreg:$0x0];
	s2 =	stileid.u32  }
0x27b: {  	s1 =	rddreg [dreg:$0x1];
	p0 =	sne.s32 s2, $0x0  }
0x27c: {  	s3 =	rddreg [dreg:$0x2];
	[bflag:$0x3] =	sbarrier.arrive $0xFFFF;
	s2 =	simm.s32 @!p0 $0x1C03  }
0x27d: {  	[timem:s3], [sflag:s2] =	dma.local @!p0 [hbm:s0], s1  }
0x27e: {  	s0 =	simm.s32 @!p0 $0x3  }
0x27f: {  	_ =	swait.ge @!p0 [sflag:s0], s1  }
0x280: {  	s1 =	ssub.s32 @!p0 $0x0, s1;
	[sflag:s0] =	ssyncset.done @!p0 $0x0  }
0x281: {  	[sflag:s0] =	ssyncadd.s32 @!p0 s1  }
0x282: {  	[bflag:$0x3] =	sbarrier.arrive $0xFFFF  }
0x283: {  	_ =	shalt  }

// kernel: kernel.9.cloned.1.call-start
scs
__scs_entry_jumppad:
0x0: {  	(pc) =	sbr.rel $0x88, $3  }
0x1: {  	(tag) =	ssettag $0x0;
	lr =	simm.s32 $0x1  }
0x2: {  	[smem:$0x3F9A] =	sst lr;
	_ =	strace $0xD0000000  }
0x3: {  	_ = 	snop  }
0x4: {  	_ = 	snop  }
0x5: {  	_ = 	snop  }
0x6: {  	_ = 	snop  }
0x7: {  	_ = 	snop  }
__scs_overlays_trampoline_lowered:
0x8: {  	[smem:$0x3FA9] =	sst s0  }
0x9: {  	[smem:$0x3FAA] =	sst s1  }
0xa: {  	[smem:$0x3FAB] =	sst s2  }
0xb: {  	[smem:$0x3FAC] =	sst s3  }
0xc: {  	[smem:$0x3FAD] =	sst s4  }
0xd: {  	[smem:$0x3FAE] =	sst s5  }
0xe: {  	[smem:$0x3FAF] =	sst s6  }
0xf: {  	[smem:$0x3FB0] =	sst s7  }
0x10: {  	[smem:$0x3FB1] =	sst s8  }
0x11: {  	[smem:$0x3FB2] =	sst s9;
	s0 =	simm.s32 @!p0 $0x0  }
0x12: {  	s1 =	sld [smem:$0x3F98];
	s0 =	simm.s32 @p0 $0x1  }
0x13: {  	[smem:$0x3FB3] =	sst s0;
	s0 =	simm.s32 @!p1 $0x0  }
0x14: {  	s2 =	sld [smem:$0x3F97];
	s0 =	simm.s32 @p1 $0x1  }
0x15: {  	[smem:$0x3FB4] =	sst s0;
	s0 =	simm.s32 @!p2 $0x0  }
0x16: {  	s3 =	sld [smem:$0x3FDB];
	s0 =	simm.s32 @p2 $0x1  }
0x17: {  	s4 =	simm.s32 $0x1BF5;
	[smem:$0x3FB6] =	sst s0  }
0x18: {  	s0 =	sld [smem:$0x3F99];
	_ =	swait.ge [sflag:s4], $0x0  }
0x19: {  	s7 =	sld [smem:$0x3F9A]  }
0x1a: {  	s8 =	sadd.s32 $0xFFFFE003, lr  }
0x1b: {  	s9 =	sadd.s32 $0xFFFFFEF7, lr;
	s5 =	simm.s32 $0xFFFFFFFF;
	p2 =	slt.u32 s8, $0xFFFFF086  }
0x1c: {  	p1 =	slt.u32 s9, $0xF7A;
	s5 =	simm.s32 @!p2 $0x0  }
0x1d: {  	s5 =	simm.s32 @p1 $0x1;
	p0 =	seq.s32 s7, s2  }
0x1e: {  	s7 =	smul.u32 @!p0 $0xF7A, s2;
	p2 =	seq.s32 @!p0 s5, $0x0  }
0x1f: {  	s9 =	smul.u32 $0xF7A, s1;
	s8 =	simm.s32 @!p0 $0x1BF5;
	p2 =	por !p2, p0  }
0x20: {  	[sflag:s8] =	ssyncset.s32 @!p0 $0xFFFFF086;
	s6 =	sadd.s32 @!p0 s3, s7;
	s7 =	simm.s32 @!p0 $0x108  }
0x21: {  	s3 =	sadd.s32 s3, s9;
	s6 =	sadd.s32 @!p0 $0x88, s6;
	s7 =	simm.s32 @p2 $0x1082  }
0x22: {  	[simem:s7], [sflag:s8] =	dma.local @!p0 [hbm:s6], $0xF7A  }
0x23: {  	s9 =	sor.u32 $0xD0000000, s2;
	s6 =	simm.s32 $0x108;
	_ =	swait.ge @!p0 [sflag:s8], $0x0  }
0x24: {  	s3 =	sadd.s32 $0x88, s3;
	s6 =	simm.s32 @!p1 $0x1082;
	[sflag:s4] =	ssyncset.s32 $0xFFFFF086  }
0x25: {  	[simem:s6], [sflag:s4] =	dma.local [hbm:s3], $0xF7A  }
0x26: {  	[smem:$0x3F9A] =	sst s1;
	(tag) =	ssettag s2;
	_ =	strace s9  }
0x27: {  	s1 =	sld [smem:$0x3FAA]  }
0x28: {  	s2 =	sld [smem:$0x3FAB]  }
0x29: {  	s4 =	sld [smem:$0x3FAD]  }
0x2a: {  	p0 =	seq.s32 s5, $0x0;
	s5 =	sld [smem:$0x3FAE]  }
0x2b: {  	s6 =	sld [smem:$0x3FAF]  }
0x2c: {  	s7 =	sld [smem:$0x3FB0]  }
0x2d: {  	s3 =	simm.s32 $0x108;
	s8 =	sld [smem:$0x3FB1]  }
0x2e: {  	s3 =	simm.s32 @!p0 $0x1082;
	s9 =	sld [smem:$0x3FB2]  }
0x2f: {  	lr =	sadd.s32 s0, s3;
	s0 =	sld [smem:$0x3FA9]  }
0x30: {  	s3 =	sld [smem:$0x3FAC]  }
0x31: {  	[smem:$0x3FB5] =	sst s10  }
0x32: {  	s10 =	sld [smem:$0x3FB3];
	_ =	sdelay $0x3  }
0x33: {  	p0 =	seq.s32 s10, $0x1;
	s10 =	sld [smem:$0x3FB5];
	_ =	sdelay $0x3  }
0x34: {  	[smem:$0x3FB5] =	sst s10  }
0x35: {  	s10 =	sld [smem:$0x3FB4];
	_ =	sdelay $0x3  }
0x36: {  	p1 =	seq.s32 s10, $0x1;
	s10 =	sld [smem:$0x3FB5];
	_ =	sdelay $0x3  }
0x37: {  	[smem:$0x3FB5] =	sst s10  }
0x38: {  	s10 =	sld [smem:$0x3FB6]  }
0x39: {  	_ = 	snop;
	(pc) =	sbr.ind lr, $3  }
0x3a: {  	_ = 	snop  }
0x3b: {  	_ = 	snop  }
0x3c: {  	p2 =	seq.s32 s10, $0x1;
	s10 =	sld [smem:$0x3FB5]  }
0x3d: {  	_ =	shalt  }
0x3e: {  	_ =	shalt  }
0x3f: {  	_ =	shalt  }
0x40: {  	_ =	shalt  }
0x41: {  	_ =	shalt  }
0x42: {  	_ =	shalt  }
0x43: {  	_ =	shalt  }
0x44: {  	_ =	shalt  }
0x45: {  	_ =	shalt  }
0x46: {  	_ =	shalt  }
0x47: {  	_ =	shalt  }
0x48: {  	_ =	shalt  }
0x49: {  	_ =	shalt  }
0x4a: {  	_ =	shalt  }
0x4b: {  	_ =	shalt  }
0x4c: {  	_ =	shalt  }
0x4d: {  	_ =	shalt  }
0x4e: {  	_ =	shalt  }
0x4f: {  	_ =	shalt  }
0x50: {  	_ =	shalt  }
0x51: {  	_ =	shalt  }
0x52: {  	_ =	shalt  }
0x53: {  	_ =	shalt  }
0x54: {  	_ =	shalt  }
0x55: {  	_ =	shalt  }
0x56: {  	_ =	shalt  }
0x57: {  	_ =	shalt  }
0x58: {  	_ =	shalt  }
0x59: {  	_ =	shalt  }
0x5a: {  	_ =	shalt  }
0x5b: {  	_ =	shalt  }
0x5c: {  	_ =	shalt  }
0x5d: {  	_ =	shalt  }
0x5e: {  	_ =	shalt  }
0x5f: {  	_ =	shalt  }
0x60: {  	_ =	shalt  }
0x61: {  	_ =	shalt  }
0x62: {  	_ =	shalt  }
0x63: {  	_ =	shalt  }
0x64: {  	_ =	shalt  }
0x65: {  	_ =	shalt  }
0x66: {  	_ =	shalt  }
0x67: {  	_ =	shalt  }
0x68: {  	_ =	shalt  }
0x69: {  	_ =	shalt  }
0x6a: {  	_ =	shalt  }
0x6b: {  	_ =	shalt  }
0x6c: {  	_ =	shalt  }
0x6d: {  	_ =	shalt  }
0x6e: {  	_ =	shalt  }
0x6f: {  	_ =	shalt  }
0x70: {  	_ =	shalt  }
0x71: {  	_ =	shalt  }
0x72: {  	_ =	shalt  }
0x73: {  	_ =	shalt  }
0x74: {  	_ =	shalt  }
0x75: {  	_ =	shalt  }
0x76: {  	_ =	shalt  }
0x77: {  	_ =	shalt  }
0x78: {  	_ =	shalt  }
0x79: {  	_ =	shalt  }
0x7a: {  	_ =	shalt  }
0x7b: {  	_ =	shalt  }
0x7c: {  	_ =	shalt  }
0x7d: {  	_ =	shalt  }
0x7e: {  	_ =	shalt  }
0x7f: {  	_ =	shalt  }
0x80: {  	_ =	shalt  }
0x81: {  	_ =	shalt  }
0x82: {  	_ =	shalt  }
0x83: {  	_ =	shalt  }
0x84: {  	_ =	shalt  }
0x85: {  	_ =	shalt  }
0x86: {  	_ =	shalt  }
0x87: {  	_ =	shalt  }
.Lfunc_end0:
.L_simem_size_0:
called_computation.1_lowered:
.L_overlay_start_0:
0x88: {  	s2 =	sld [smem:$0x3FD9]  }
0x89: {  	s3 =	sld [smem:$0x3FFE];
	_ =	sdelay $0x1  }
0x8a: {  	s1 =	srdreg.scid  }
0x8b: {  	s0 =	sand.u32 $0x1, s1  }
0x8c: {  	s17 =	sshll.u32 s0, $0xA;
	s2 =	sadd.s32 s3, s2  }
0x8d: {  	s2 =	sadd.s32 s2, s17  }
0x8e: {  	[smem:$0x3FC1] =	sst s2  }
0x8f: {  	_ = 	snop  }
0x90: {  	s2 =	sld [smem:$0x3FD0];
	(tm) =	ssettm $0x1  }
0x91: {  	s18 =	sld [smem:$0x3FFB];
	_ =	sdelay $0x3  }
0x92: {  	_ =	strace s18  }
0x93: {  	s3 =	sld [smem:$0x3FFC];
	_ =	sdelay $0x3  }
0x94: {  	_ =	strace s3  }
0x95: {  	s3 =	sld [smem:$0x3FFD];
	_ =	sdelay $0x3  }
0x96: {  	_ =	strace s3  }
0x97: {  	_ =	strace $0x8FFFFFFF  }
0x98: {  	s19 =	sld [smem:$0x3FDB];
	_ =	sdelay $0x1  }
0x99: {  	s4 =	simm.s32 $_scs_section_size  }
0x9a: {  	s5 =	simm.s32 $_size__tile_overlayer_lowered;
	s6 =	simm.s32 $_tile_overlayer_lowered  }
0x9b: {  	s22 =	simm.s32 $0x1BFF;
	s21 =	sshll.u32 s6, $0x1;
	s3 =	sadd.s32 s4, s19  }
0x9c: {  	s7 =	simm.s32 $0x0;
	s20 =	sshll.u32 s5, $0x1;
	s5 =	sadd.s32 s21, s3  }
0x9d: {  	[timem:s7], [sflag:s22] =	dma.local [hbm:s5], s20  }
0x9e: {  	_ =	swait.ge [sflag:s22], s20  }
0x9f: {  	s4 =	ssub.s32 $0x0, s20;
	[sflag:s22] =	ssyncset.done $0x0  }
0xa0: {  	[sflag:s22] =	ssyncadd.s32 s4;
	_ =	sdelay $0x1  }
0xa1: {  	s23 =	simm.s32 $0x1B8B  }
0xa2: {  	_ =	swait.ge [sflag:s23], $0x1  }
0xa3: {  	[sflag:s23] =	ssyncset.done $0x0  }
0xa4: {  	s25 =	simm.s32 $0x1B8E;
	s24 =	sld [smem:$0x3FFE];
	[sflag:s23] =	ssyncadd.s32 $0xFFFFFFFF  }
0xa5: {  	s26 =	simm.s32 $execute0_lowered;
	[smem:$0x3FD2] =	sst s25  }
0xa6: {  	s5 =	sshll.u32 s26, $0x1;
	_ =	strace $0x80000049;
	[dreg:$0x1] =	wrdreg $0xFFFFFFFF  }
0xa7: {  	s28 =	simm.s32 $_size_execute0_lowered;
	s3 =	sadd.s32 s3, s5;
	[dreg:$0x0] =	wrdreg $0x0  }
0xa8: {  	s5 =	sshll.u32 s28, $0x1;
	[dreg:$0x2] =	wrdreg s3  }
0xa9: {  	[dreg:$0x3] =	wrdreg s5  }
0xaa: {  	[dreg:$0x4] =	wrdreg $0xC0  }
0xab: {  	_ =	task [dreg:s7], $0x5FFFF  }
0xac: {  	[dreg:$0x1] =	wrdreg $0xFFFFFFFF  }
0xad: {  	[dreg:$0x0] =	wrdreg $0x60  }
0xae: {  	[dreg:$0x2] =	wrdreg s24  }
0xaf: {  	[dreg:$0x3] =	wrdreg s2  }
0xb0: {  	[dreg:$0x4] =	wrdreg $0x9  }
0xb1: {  	_ =	task.clear_ibuf [dreg:s7], $0x5FFFF;
	_ =	strace $0x90000049  }
0xb2: {  	s29 =	simm.s32 $0x9;
	_ =	strace $0x8000004B  }
0xb3: {  	_ =	swait.ge [sflag:s29], $0x1  }
0xb4: {  	[sflag:s29] =	ssyncadd.s32 $0xFFFFFFFF  }
0xb5: {  	_ =	strace $0x9000004B  }
0xb6: {  	_ =	sfence  }
0xb7: {  	s30 =	sld [smem:$0x0];
	_ =	sdelay $0x2  }
0xb8: {  	s31 =	sshll.u32 s1, $0xD;
	s1 =	sshrl.u32 s1, $0x2  }
0xb9: {  	s3 =	sand.u32 $0x4000, s31;
	s1 =	sadd.s32 s1, s30  }
0xba: {  	s0 =	sor.u32 s3, s0;
	s1 =	sshll.u32 s1, $0x11  }
0xbb: {  	s0 =	sor.u32 s1, s0  }
0xbc: {  	s0 =	sadd.s32 $0x8F2B, s0  }
0xbd: {  	[sflag:s0] =	ssyncadd.remote.s32 $0x1  }
0xbe: {  	_ =	sfence.sel $0xFFFF  }
0xbf: {  	[dreg:$0x0] =	wrdreg $0xFFFFFFFF;
	(pc) =	sbr.abs _section_cstart, $3  }
0xc0: {  	[dreg:$0x1] =	wrdreg $0xFFFFFFFF  }
0xc1: {  	_ =	task.clear_ibuf [dreg:s7], $0x2FFFF;
	_ =	strace $0x9FFFFFFF  }
0xc2: {  	(tm) =	ssettm $0x7FFFFFFF  }
0xc3: {  	_ =	shalt  }
tec
execute0_lowered:
.L_overlay_start_1:
0x0: {  	(tag) =	ssettag $0x1  }
0x1: {  	s0 =	rddreg [dreg:$0x0]  }
0x2: {  	s1 =	rddreg [dreg:$0x1]  }
0x3: {  	s2 =	srdreg.scid;
	s3 =	stileid.u32;
	s20 =	simm.s32 $0x2  }
0x4: {  	s28 =	simm.s32 $0x80;
	s22 =	simm.s32 $0x880;
	s23 =	simm.s32 $0x1080  }
0x5: {  	s29 =	simm.s32 $0x2880;
	s30 =	simm.s32 $0x3080;
	s31 =	simm.s32 $0x3880  }
0x6: {  	s11 =	simm.s32 $0x5080;
	s12 =	simm.s32 $0x5880;
	s13 =	simm.s32 $0x6080  }
0x7: {  	s14 =	simm.s32 $0x6880;
	s15 =	simm.s32 $0x7080;
	s16 =	simm.s32 $0x7880  }
0x8: {  	s17 =	simm.s32 $0x8880;
	s18 =	simm.s32 $0x9080;
	s19 =	simm.s32 $0x9880  }
0x9: {  	s10 =	simm.s32 $0xB080;
	s4 =	sand.u32 $0x1, s2;
	s2 =	simm.s32 $0x0  }
0xa: {  	s3 =	sshll.u32 s3, $0x8;
	s5 =	sshll.u32 s4, $0x7;
	[smem:$0x7FF] =	sst s2  }
0xb: {  	s4 =	ssub.s32 $0x2, s4;
	s5 =	sor.u32 s5, s3;
	_ =	strace $0x8000004A  }
0xc: {  	s3 =	sadd.s32 $0x1182200, s0;
	s6 =	sshrl.u32 s5, $0x3;
	s5 =	sshll.u32 s5, $0x7  }
0xd: {  	s24 =	sshrl.u32 s4, $0x1;
	s6 =	sadd.s32 s6, s0;
	s7 =	sadd.s32 s1, s5  }
0xe: {  	s1 =	ssub.s32 s4, s24;
	s24 =	simm.s32 $0x1880;
	s4 =	simm.s32 $0x4080  }
0xf: {  	s6 =	sadd.s32 $0x180E00, s6;
	s5 =	sadd.s32 $0x1000, s7;
	[dreg:$0x7] =	wrdreg s7  }
0x10: {  	s25 =	sadd.s32 $0x2000, s7;
	s26 =	sadd.s32 $0x3000, s7;
	[dreg:$0x3] =	wrdreg s6  }
0x11: {  	v2 =	vlaneseq.u32;
	s7 =	sadd.s32 $0x1182500, s0;
	s8 =	smax.u32 s1, $0x1;
	[dreg:$0x4] =	wrdreg s5  }
0x12: {  	vm0 =	vmmov $0xffff;
	v1 =	vshrl.u32 v2, $0x3;
	s5 =	sadd.s32 $0x1182300, s0;
	[dreg:$0x5] =	wrdreg s25;
	s6 =	sadd.s32 $0x1182400, s0  }
0x13: {  	v0 =	vand.u32 $0x7, v2;
	v2 =	vor.u32 $0x8, v2;
	v1 =	vmul.u32 $0x8, v1;
	[dreg:$0x6] =	wrdreg s26;
	s26 =	simm.s32 $0x1;
	s25 =	simm.s32 $0x2080  }
.LBB2_1:
0x14: {  	s21 =	rddreg [dreg:$0x3];
	s0 =	simm.s32 $0x3  }
0x15: {  	[tilespmem:s2], [sflag:$0x3] =	stream.linear.gather [hbm4b:s21+s2], $0x80, $0x38;
	[tilespmem:$0x10080] =	vst v63  }
0x16: {  	_ =	swait.ge [sflag:s0], $0x80  }
0x17: {  	[sflag:s0] =	ssyncset.done $0x0  }
0x18: {  	[sflag:s0] =	ssyncadd.s32 $0xFFFFFF80  }
0x19: {  	v3 =	vld [tilespmem:$0x0];
	_ =	sdelay $0x4  }
0x1a: {  	v4 =	vshll.u32 v3, $0x3  }
0x1b: {  	v3 =	vand.u32 $0x7, v3;
	v4 =	vand.u32 $0xFFFFFFC0, v4  }
0x1c: {  	v3 =	vor.u32 v3, v4  }
0x1d: {  	v4 =	vperm.xlane v3, v0;
	_ =	sdelay $0x1  }
0x1e: {  	v4 =	vadd.s32 v1, v4;
	_ =	sdelay $0x4  }
0x1f: {  	[tilespmem:s28], [sflag:$0x1] =	stream.indirect_vreg.gather [hbm4b:s3+s2], $0x80, v4, vm0, $0xb8;
	[tilespmem:$0x10080] =	vst v63  }
0x20: {  	v3 =	vperm.xlane v3, v2  }
0x21: {  	[tilespmem:s22], [sflag:$0x1] =	stream.indirect_vreg.gather [hbm4b:s5+s2], $0x80, v4, vm0, $0xb8;
	[tilespmem:$0x10080] =	vst v63  }
0x22: {  	v3 =	vadd.s32 v1, v3  }
0x23: {  	[tilespmem:s23], [sflag:$0x1] =	stream.indirect_vreg.gather [hbm4b:s6+s2], $0x80, v4, vm0, $0xb8;
	[tilespmem:$0x10080] =	vst v63  }
0x24: {  	_ = 	snop  }
0x25: {  	[tilespmem:s24], [sflag:$0x1] =	stream.indirect_vreg.gather [hbm4b:s7+s2], $0x80, v4, vm0, $0xb8;
	[tilespmem:$0x10080] =	vst v63  }
0x26: {  	_ = 	snop  }
0x27: {  	[tilespmem:s25], [sflag:$0x1] =	stream.indirect_vreg.gather [hbm4b:s3+s2], $0x80, v3, vm0, $0xb8;
	[tilespmem:$0x10080] =	vst v63  }
0x28: {  	_ = 	snop  }
0x29: {  	[tilespmem:s29], [sflag:$0x1] =	stream.indirect_vreg.gather [hbm4b:s5+s2], $0x80, v3, vm0, $0xb8;
	[tilespmem:$0x10080] =	vst v63  }
0x2a: {  	_ = 	snop  }
0x2b: {  	[tilespmem:s30], [sflag:$0x1] =	stream.indirect_vreg.gather [hbm4b:s6+s2], $0x80, v3, vm0, $0xb8;
	[tilespmem:$0x10080] =	vst v63  }
0x2c: {  	_ = 	snop  }
0x2d: {  	[tilespmem:s31], [sflag:$0x1] =	stream.indirect_vreg.gather [hbm4b:s7+s2], $0x80, v3, vm0, $0xb8;
	[tilespmem:$0x10080] =	vst v63  }
0x2e: {  	v3 =	vld [tilespmem:$0x10];
	_ =	sdelay $0x4  }
0x2f: {  	v57 =	vshll.u32 v3, $0x3  }
0x30: {  	v3 =	vand.u32 $0x7, v3;
	v4 =	vand.u32 $0xFFFFFFC0, v57  }
0x31: {  	v3 =	vor.u32 v3, v4  }
0x32: {  	v4 =	vperm.xlane v3, v0;
	_ =	sdelay $0x1  }
0x33: {  	v4 =	vadd.s32 v1, v4;
	_ =	sdelay $0x4  }
0x34: {  	[tilespmem:s4], [sflag:$0x1] =	stream.indirect_vreg.gather [hbm4b:s3+s2], $0x80, v4, vm0, $0xb8;
	[tilespmem:$0x10080] =	vst v63  }
0x35: {  	s1 =	simm.s32 $0x4880;
	v3 =	vperm.xlane v3, v2  }
0x36: {  	[tilespmem:s1], [sflag:$0x1] =	stream.indirect_vreg.gather [hbm4b:s5+s2], $0x80, v4, vm0, $0xb8;
	[tilespmem:$0x10080] =	vst v63  }
0x37: {  	v3 =	vadd.s32 v1, v3  }
0x38: {  	[tilespmem:s11], [sflag:$0x1] =	stream.indirect_vreg.gather [hbm4b:s6+s2], $0x80, v4, vm0, $0xb8;
	[tilespmem:$0x10080] =	vst v63  }
0x39: {  	_ = 	snop  }
0x3a: {  	[tilespmem:s12], [sflag:$0x1] =	stream.indirect_vreg.gather [hbm4b:s7+s2], $0x80, v4, vm0, $0xb8;
	[tilespmem:$0x10080] =	vst v63  }
0x3b: {  	_ = 	snop  }
0x3c: {  	[tilespmem:s13], [sflag:$0x1] =	stream.indirect_vreg.gather [hbm4b:s3+s2], $0x80, v3, vm0, $0xb8;
	[tilespmem:$0x10080] =	vst v63  }
0x3d: {  	_ = 	snop  }
0x3e: {  	[tilespmem:s14], [sflag:$0x1] =	stream.indirect_vreg.gather [hbm4b:s5+s2], $0x80, v3, vm0, $0xb8;
	[tilespmem:$0x10080] =	vst v63  }
0x3f: {  	_ = 	snop  }
0x40: {  	[tilespmem:s15], [sflag:$0x1] =	stream.indirect_vreg.gather [hbm4b:s6+s2], $0x80, v3, vm0, $0xb8;
	[tilespmem:$0x10080] =	vst v63  }
0x41: {  	_ = 	snop  }
0x42: {  	[tilespmem:s16], [sflag:$0x1] =	stream.indirect_vreg.gather [hbm4b:s7+s2], $0x80, v3, vm0, $0xb8;
	[tilespmem:$0x10080] =	vst v63  }
0x43: {  	_ =	swait.ge [sflag:s26], $0x8000  }
0x44: {  	[sflag:s26] =	ssyncset.done $0x0  }
0x45: {  	s0 =	rddreg [dreg:$0x7];
	[sflag:s26] =	ssyncadd.s32 $0xFFFF8000  }
0x46: {  	[hbm4b:s0+s2] =	stream.linear.scatter [tilespmem:s28], [sflag:$0x2], $0x8000, $0x38;
	[tilespmem:$0x10080] =	vst v63  }
0x47: {  	v3 =	vld [tilespmem:$0x20];
	_ =	sdelay $0x4  }
0x48: {  	v58 =	vshll.u32 v3, $0x3  }
0x49: {  	v3 =	vand.u32 $0x7, v3;
	v4 =	vand.u32 $0xFFFFFFC0, v58  }
0x4a: {  	v3 =	vor.u32 v3, v4  }
0x4b: {  	v4 =	vperm.xlane v3, v0;
	_ =	sdelay $0x1  }
0x4c: {  	v4 =	vadd.s32 v1, v4;
	_ =	sdelay $0x3  }
0x4d: {  	s0 =	simm.s32 $0x8080  }
0x4e: {  	[tilespmem:s0], [sflag:$0x1] =	stream.indirect_vreg.gather [hbm4b:s3+s2], $0x80, v4, vm0, $0xb8;
	[tilespmem:$0x10080] =	vst v63  }
0x4f: {  	v3 =	vperm.xlane v3, v2  }
0x50: {  	[tilespmem:s17], [sflag:$0x1] =	stream.indirect_vreg.gather [hbm4b:s5+s2], $0x80, v4, vm0, $0xb8;
	[tilespmem:$0x10080] =	vst v63  }
0x51: {  	v3 =	vadd.s32 v1, v3  }
0x52: {  	[tilespmem:s18], [sflag:$0x1] =	stream.indirect_vreg.gather [hbm4b:s6+s2], $0x80, v4, vm0, $0xb8;
	[tilespmem:$0x10080] =	vst v63  }
0x53: {  	_ = 	snop  }
0x54: {  	[tilespmem:s19], [sflag:$0x1] =	stream.indirect_vreg.gather [hbm4b:s7+s2], $0x80, v4, vm0, $0xb8;
	[tilespmem:$0x10080] =	vst v63  }
0x55: {  	s9 =	simm.s32 $0xA080  }
0x56: {  	[tilespmem:s9], [sflag:$0x1] =	stream.indirect_vreg.gather [hbm4b:s3+s2], $0x80, v3, vm0, $0xb8;
	[tilespmem:$0x10080] =	vst v63  }
0x57: {  	s9 =	simm.s32 $0xA880  }
0x58: {  	[tilespmem:s9], [sflag:$0x1] =	stream.indirect_vreg.gather [hbm4b:s5+s2], $0x80, v3, vm0, $0xb8;
	[tilespmem:$0x10080] =	vst v63  }
0x59: {  	_ = 	snop  }
0x5a: {  	[tilespmem:s10], [sflag:$0x1] =	stream.indirect_vreg.gather [hbm4b:s6+s2], $0x80, v3, vm0, $0xb8;
	[tilespmem:$0x10080] =	vst v63  }
0x5b: {  	s21 =	simm.s32 $0xB880  }
0x5c: {  	[tilespmem:s21], [sflag:$0x1] =	stream.indirect_vreg.gather [hbm4b:s7+s2], $0x80, v3, vm0, $0xb8;
	[tilespmem:$0x10080] =	vst v63  }
0x5d: {  	v3 =	vld [tilespmem:$0x30];
	_ =	sdelay $0x4  }
0x5e: {  	v59 =	vshll.u32 v3, $0x3  }
0x5f: {  	v3 =	vand.u32 $0x7, v3;
	v4 =	vand.u32 $0xFFFFFFC0, v59  }
0x60: {  	v3 =	vor.u32 v3, v4  }
0x61: {  	v4 =	vperm.xlane v3, v0;
	_ =	sdelay $0x1  }
0x62: {  	v4 =	vadd.s32 v1, v4;
	_ =	sdelay $0x3  }
0x63: {  	s21 =	simm.s32 $0xC080  }
0x64: {  	[tilespmem:s21], [sflag:$0x1] =	stream.indirect_vreg.gather [hbm4b:s3+s2], $0x80, v4, vm0, $0xb8;
	[tilespmem:$0x10080] =	vst v63  }
0x65: {  	v3 =	vperm.xlane v3, v2;
	s21 =	simm.s32 $0xC880  }
0x66: {  	[tilespmem:s21], [sflag:$0x1] =	stream.indirect_vreg.gather [hbm4b:s5+s2], $0x80, v4, vm0, $0xb8;
	[tilespmem:$0x10080] =	vst v63  }
0x67: {  	v3 =	vadd.s32 v1, v3;
	s21 =	simm.s32 $0xD080  }
0x68: {  	[tilespmem:s21], [sflag:$0x1] =	stream.indirect_vreg.gather [hbm4b:s6+s2], $0x80, v4, vm0, $0xb8;
	[tilespmem:$0x10080] =	vst v63  }
0x69: {  	s21 =	simm.s32 $0xD880  }
0x6a: {  	[tilespmem:s21], [sflag:$0x1] =	stream.indirect_vreg.gather [hbm4b:s7+s2], $0x80, v4, vm0, $0xb8;
	[tilespmem:$0x10080] =	vst v63  }
0x6b: {  	s21 =	simm.s32 $0xE080  }
0x6c: {  	[tilespmem:s21], [sflag:$0x1] =	stream.indirect_vreg.gather [hbm4b:s3+s2], $0x80, v3, vm0, $0xb8;
	[tilespmem:$0x10080] =	vst v63  }
0x6d: {  	s21 =	simm.s32 $0xE880  }
0x6e: {  	[tilespmem:s21], [sflag:$0x1] =	stream.indirect_vreg.gather [hbm4b:s5+s2], $0x80, v3, vm0, $0xb8;
	[tilespmem:$0x10080] =	vst v63  }
0x6f: {  	s21 =	simm.s32 $0xF080  }
0x70: {  	[tilespmem:s21], [sflag:$0x1] =	stream.indirect_vreg.gather [hbm4b:s6+s2], $0x80, v3, vm0, $0xb8;
	[tilespmem:$0x10080] =	vst v63  }
0x71: {  	s21 =	simm.s32 $0xF880  }
0x72: {  	[tilespmem:s21], [sflag:$0x1] =	stream.indirect_vreg.gather [hbm4b:s7+s2], $0x80, v3, vm0, $0xb8;
	[tilespmem:$0x10080] =	vst v63  }
0x73: {  	_ =	swait.ge [sflag:s26], $0x8000  }
0x74: {  	[sflag:s26] =	ssyncset.done $0x0  }
0x75: {  	s21 =	rddreg [dreg:$0x4];
	[sflag:s26] =	ssyncadd.s32 $0xFFFF8000  }
0x76: {  	[hbm4b:s21+s2] =	stream.linear.scatter [tilespmem:s0], [sflag:$0x2], $0x8000, $0x38;
	[tilespmem:$0x10080] =	vst v63  }
0x77: {  	_ =	swait.ge [sflag:s20], $0x8000  }
0x78: {  	[sflag:s20] =	ssyncset.done $0x0  }
0x79: {  	[sflag:s20] =	ssyncadd.s32 $0xFFFF8000  }
0x7a: {  	v3 =	vld [tilespmem:$0x40];
	_ =	sdelay $0x4  }
0x7b: {  	v60 =	vshll.u32 v3, $0x3  }
0x7c: {  	v3 =	vand.u32 $0x7, v3;
	v4 =	vand.u32 $0xFFFFFFC0, v60  }
0x7d: {  	v3 =	vor.u32 v3, v4  }
0x7e: {  	v4 =	vperm.xlane v3, v0;
	_ =	sdelay $0x1  }
0x7f: {  	v4 =	vadd.s32 v1, v4;
	_ =	sdelay $0x4  }
0x80: {  	[tilespmem:s28], [sflag:$0x1] =	stream.indirect_vreg.gather [hbm4b:s3+s2], $0x80, v4, vm0, $0xb8;
	[tilespmem:$0x10080] =	vst v63  }
0x81: {  	v3 =	vperm.xlane v3, v2  }
0x82: {  	[tilespmem:s22], [sflag:$0x1] =	stream.indirect_vreg.gather [hbm4b:s5+s2], $0x80, v4, vm0, $0xb8;
	[tilespmem:$0x10080] =	vst v63  }
0x83: {  	v3 =	vadd.s32 v1, v3  }
0x84: {  	[tilespmem:s23], [sflag:$0x1] =	stream.indirect_vreg.gather [hbm4b:s6+s2], $0x80, v4, vm0, $0xb8;
	[tilespmem:$0x10080] =	vst v63  }
0x85: {  	_ = 	snop  }
0x86: {  	[tilespmem:s24], [sflag:$0x1] =	stream.indirect_vreg.gather [hbm4b:s7+s2], $0x80, v4, vm0, $0xb8;
	[tilespmem:$0x10080] =	vst v63  }
0x87: {  	_ = 	snop  }
0x88: {  	[tilespmem:s25], [sflag:$0x1] =	stream.indirect_vreg.gather [hbm4b:s3+s2], $0x80, v3, vm0, $0xb8;
	[tilespmem:$0x10080] =	vst v63  }
0x89: {  	_ = 	snop  }
0x8a: {  	[tilespmem:s29], [sflag:$0x1] =	stream.indirect_vreg.gather [hbm4b:s5+s2], $0x80, v3, vm0, $0xb8;
	[tilespmem:$0x10080] =	vst v63  }
0x8b: {  	_ = 	snop  }
0x8c: {  	[tilespmem:s30], [sflag:$0x1] =	stream.indirect_vreg.gather [hbm4b:s6+s2], $0x80, v3, vm0, $0xb8;
	[tilespmem:$0x10080] =	vst v63  }
0x8d: {  	_ = 	snop  }
0x8e: {  	[tilespmem:s31], [sflag:$0x1] =	stream.indirect_vreg.gather [hbm4b:s7+s2], $0x80, v3, vm0, $0xb8;
	[tilespmem:$0x10080] =	vst v63  }
0x8f: {  	v3 =	vld [tilespmem:$0x50];
	_ =	sdelay $0x4  }
0x90: {  	v61 =	vshll.u32 v3, $0x3  }
0x91: {  	v3 =	vand.u32 $0x7, v3;
	v4 =	vand.u32 $0xFFFFFFC0, v61  }
0x92: {  	v3 =	vor.u32 v3, v4  }
0x93: {  	v4 =	vperm.xlane v3, v0;
	_ =	sdelay $0x1  }
0x94: {  	v4 =	vadd.s32 v1, v4;
	_ =	sdelay $0x4  }
0x95: {  	[tilespmem:s4], [sflag:$0x1] =	stream.indirect_vreg.gather [hbm4b:s3+s2], $0x80, v4, vm0, $0xb8;
	[tilespmem:$0x10080] =	vst v63  }
0x96: {  	v3 =	vperm.xlane v3, v2  }
0x97: {  	[tilespmem:s1], [sflag:$0x1] =	stream.indirect_vreg.gather [hbm4b:s5+s2], $0x80, v4, vm0, $0xb8;
	[tilespmem:$0x10080] =	vst v63  }
0x98: {  	v3 =	vadd.s32 v1, v3  }
0x99: {  	[tilespmem:s11], [sflag:$0x1] =	stream.indirect_vreg.gather [hbm4b:s6+s2], $0x80, v4, vm0, $0xb8;
	[tilespmem:$0x10080] =	vst v63  }
0x9a: {  	_ = 	snop  }
0x9b: {  	[tilespmem:s12], [sflag:$0x1] =	stream.indirect_vreg.gather [hbm4b:s7+s2], $0x80, v4, vm0, $0xb8;
	[tilespmem:$0x10080] =	vst v63  }
0x9c: {  	_ = 	snop  }
0x9d: {  	[tilespmem:s13], [sflag:$0x1] =	stream.indirect_vreg.gather [hbm4b:s3+s2], $0x80, v3, vm0, $0xb8;
	[tilespmem:$0x10080] =	vst v63  }
0x9e: {  	_ = 	snop  }
0x9f: {  	[tilespmem:s14], [sflag:$0x1] =	stream.indirect_vreg.gather [hbm4b:s5+s2], $0x80, v3, vm0, $0xb8;
	[tilespmem:$0x10080] =	vst v63  }
0xa0: {  	_ = 	snop  }
0xa1: {  	[tilespmem:s15], [sflag:$0x1] =	stream.indirect_vreg.gather [hbm4b:s6+s2], $0x80, v3, vm0, $0xb8;
	[tilespmem:$0x10080] =	vst v63  }
0xa2: {  	_ = 	snop  }
0xa3: {  	[tilespmem:s16], [sflag:$0x1] =	stream.indirect_vreg.gather [hbm4b:s7+s2], $0x80, v3, vm0, $0xb8;
	[tilespmem:$0x10080] =	vst v63  }
0xa4: {  	_ =	swait.ge [sflag:s26], $0x8000  }
0xa5: {  	[sflag:s26] =	ssyncset.done $0x0  }
0xa6: {  	s1 =	rddreg [dreg:$0x5];
	[sflag:s26] =	ssyncadd.s32 $0xFFFF8000  }
0xa7: {  	[hbm4b:s1+s2] =	stream.linear.scatter [tilespmem:s28], [sflag:$0x2], $0x8000, $0x38;
	[tilespmem:$0x10080] =	vst v63  }
0xa8: {  	_ =	swait.ge [sflag:s20], $0x8000  }
0xa9: {  	[sflag:s20] =	ssyncset.done $0x0  }
0xaa: {  	[sflag:s20] =	ssyncadd.s32 $0xFFFF8000  }
0xab: {  	v3 =	vld [tilespmem:$0x60];
	_ =	sdelay $0x4  }
0xac: {  	v62 =	vshll.u32 v3, $0x3  }
0xad: {  	v3 =	vand.u32 $0x7, v3;
	v4 =	vand.u32 $0xFFFFFFC0, v62  }
0xae: {  	v3 =	vor.u32 v3, v4  }
0xaf: {  	v4 =	vperm.xlane v3, v0;
	_ =	sdelay $0x1  }
0xb0: {  	v4 =	vadd.s32 v1, v4;
	_ =	sdelay $0x4  }
0xb1: {  	[tilespmem:s0], [sflag:$0x1] =	stream.indirect_vreg.gather [hbm4b:s3+s2], $0x80, v4, vm0, $0xb8;
	[tilespmem:$0x10080] =	vst v63  }
0xb2: {  	v3 =	vperm.xlane v3, v2  }
0xb3: {  	[tilespmem:s17], [sflag:$0x1] =	stream.indirect_vreg.gather [hbm4b:s5+s2], $0x80, v4, vm0, $0xb8;
	[tilespmem:$0x10080] =	vst v63  }
0xb4: {  	v3 =	vadd.s32 v1, v3  }
0xb5: {  	[tilespmem:s18], [sflag:$0x1] =	stream.indirect_vreg.gather [hbm4b:s6+s2], $0x80, v4, vm0, $0xb8;
	[tilespmem:$0x10080] =	vst v63  }
0xb6: {  	_ = 	snop  }
0xb7: {  	[tilespmem:s19], [sflag:$0x1] =	stream.indirect_vreg.gather [hbm4b:s7+s2], $0x80, v4, vm0, $0xb8;
	[tilespmem:$0x10080] =	vst v63  }
0xb8: {  	s21 =	simm.s32 $0xA080  }
0xb9: {  	[tilespmem:s21], [sflag:$0x1] =	stream.indirect_vreg.gather [hbm4b:s3+s2], $0x80, v3, vm0, $0xb8;
	[tilespmem:$0x10080] =	vst v63  }
0xba: {  	_ = 	snop  }
0xbb: {  	[tilespmem:s9], [sflag:$0x1] =	stream.indirect_vreg.gather [hbm4b:s5+s2], $0x80, v3, vm0, $0xb8;
	[tilespmem:$0x10080] =	vst v63  }
0xbc: {  	_ = 	snop  }
0xbd: {  	[tilespmem:s10], [sflag:$0x1] =	stream.indirect_vreg.gather [hbm4b:s6+s2], $0x80, v3, vm0, $0xb8;
	[tilespmem:$0x10080] =	vst v63  }
0xbe: {  	s21 =	simm.s32 $0xB880  }
0xbf: {  	[tilespmem:s21], [sflag:$0x1] =	stream.indirect_vreg.gather [hbm4b:s7+s2], $0x80, v3, vm0, $0xb8;
	[tilespmem:$0x10080] =	vst v63  }
0xc0: {  	v3 =	vld [tilespmem:$0x70];
	_ =	sdelay $0x4  }
0xc1: {  	v63 =	vshll.u32 v3, $0x3  }
0xc2: {  	v3 =	vand.u32 $0x7, v3;
	v4 =	vand.u32 $0xFFFFFFC0, v63  }
0xc3: {  	v3 =	vor.u32 v3, v4  }
0xc4: {  	v4 =	vperm.xlane v3, v0;
	_ =	sdelay $0x1  }
0xc5: {  	v4 =	vadd.s32 v1, v4;
	_ =	sdelay $0x3  }
0xc6: {  	s9 =	simm.s32 $0xC080  }
0xc7: {  	[tilespmem:s9], [sflag:$0x1] =	stream.indirect_vreg.gather [hbm4b:s3+s2], $0x80, v4, vm0, $0xb8;
	[tilespmem:$0x10080] =	vst v63  }
0xc8: {  	s21 =	simm.s32 $0xC880;
	v3 =	vperm.xlane v3, v2  }
0xc9: {  	[tilespmem:s21], [sflag:$0x1] =	stream.indirect_vreg.gather [hbm4b:s5+s2], $0x80, v4, vm0, $0xb8;
	[tilespmem:$0x10080] =	vst v63  }
0xca: {  	v3 =	vadd.s32 v1, v3;
	s9 =	simm.s32 $0xD080  }
0xcb: {  	[tilespmem:s9], [sflag:$0x1] =	stream.indirect_vreg.gather [hbm4b:s6+s2], $0x80, v4, vm0, $0xb8;
	[tilespmem:$0x10080] =	vst v63  }
0xcc: {  	s21 =	simm.s32 $0xD880  }
0xcd: {  	[tilespmem:s21], [sflag:$0x1] =	stream.indirect_vreg.gather [hbm4b:s7+s2], $0x80, v4, vm0, $0xb8;
	[tilespmem:$0x10080] =	vst v63  }
0xce: {  	s9 =	simm.s32 $0xE080  }
0xcf: {  	[tilespmem:s9], [sflag:$0x1] =	stream.indirect_vreg.gather [hbm4b:s3+s2], $0x80, v3, vm0, $0xb8;
	[tilespmem:$0x10080] =	vst v63  }
0xd0: {  	s21 =	simm.s32 $0xE880  }
0xd1: {  	[tilespmem:s21], [sflag:$0x1] =	stream.indirect_vreg.gather [hbm4b:s5+s2], $0x80, v3, vm0, $0xb8;
	[tilespmem:$0x10080] =	vst v63  }
0xd2: {  	s9 =	simm.s32 $0xF080  }
0xd3: {  	[tilespmem:s9], [sflag:$0x1] =	stream.indirect_vreg.gather [hbm4b:s6+s2], $0x80, v3, vm0, $0xb8;
	[tilespmem:$0x10080] =	vst v63  }
0xd4: {  	s21 =	simm.s32 $0xF880  }
0xd5: {  	[tilespmem:s21], [sflag:$0x1] =	stream.indirect_vreg.gather [hbm4b:s7+s2], $0x80, v3, vm0, $0xb8;
	[tilespmem:$0x10080] =	vst v63  }
0xd6: {  	_ =	swait.ge [sflag:s26], $0x8000  }
0xd7: {  	[sflag:s26] =	ssyncset.done $0x0  }
0xd8: {  	s9 =	rddreg [dreg:$0x6];
	[sflag:s26] =	ssyncadd.s32 $0xFFFF8000  }
0xd9: {  	[hbm4b:s9+s2] =	stream.linear.scatter [tilespmem:s0], [sflag:$0x2], $0x8000, $0x38;
	[tilespmem:$0x10080] =	vst v63  }
0xda: {  	p0 =	sne.s32 s8, $0x1;
	_ =	swait.ge [sflag:s20], $0x8000  }
.Ltmp0:
0xdb: {  	[sflag:s20] =	ssyncset.done $0x0;
	(pc) =	sbr.rel @p0 .LBB2_1-.Ltmp0, $4  }
0xdc: {  	[sflag:s20] =	ssyncadd.s32 $0xFFFF8000  }
0xdd: {  	_ =	swait.ge [sflag:s20], $0x8000  }
0xde: {  	[sflag:s20] =	ssyncset.done $0x0  }
0xdf: {  	s8 =	sadd.s32 $0xFFFFFFFF, s8;
	[sflag:s20] =	ssyncadd.s32 $0xFFFF8000  }
0xe0: {  	_ =	sfence.sel $0x180000  }
0xe1: {  	[bflag:$0x0] =	sbarrier.arrive $0xFFFF  }
0xe2: {  	_ =	strace $0x9000004A  }
0xe3: {  	s0 =	stileid.u32;
	[bflag:$0x2] =	sbarrier.arrive $0xFFFF  }
0xe4: {  	p0 =	sne.s32 s0, $0x0;
	s0 =	rddreg [dreg:$0x2]  }
0xe5: {  	s0 =	sadd.s32 @!p0 $0x100000, s0  }
0xe6: {  	[sflag:s0] =	ssyncadd.tile.s32 @!p0 $0x1;
	_ =	shalt  }
.Lfunc_end2:
_tile_overlayer_lowered:
.L_overlay_start_2:
0xe7: {  	(tag) =	ssettag $0x2  }
0xe8: {  	s0 =	rddreg [dreg:$0x0];
	s2 =	stileid.u32  }
0xe9: {  	s1 =	rddreg [dreg:$0x1];
	p0 =	sne.s32 s2, $0x0  }
0xea: {  	s3 =	rddreg [dreg:$0x2];
	[bflag:$0x3] =	sbarrier.arrive $0xFFFF;
	s2 =	simm.s32 @!p0 $0x1C03  }
0xeb: {  	[timem:s3], [sflag:s2] =	dma.local @!p0 [hbm:s0], s1  }
0xec: {  	s0 =	simm.s32 @!p0 $0x3  }
0xed: {  	_ =	swait.ge @!p0 [sflag:s0], s1  }
0xee: {  	s1 =	ssub.s32 @!p0 $0x0, s1;
	[sflag:s0] =	ssyncset.done @!p0 $0x0  }
0xef: {  	[sflag:s0] =	ssyncadd.s32 @!p0 s1  }
0xf0: {  	[bflag:$0x3] =	sbarrier.arrive $0xFFFF  }
0xf1: {  	_ =	shalt  }

</sc_bundles>
